<compile_context>
chip_gen: v7x
topology: tpu7x:2x2x1
jax: 0.10.2.dev20260603
libtpu: 0.0.44.dev20260713+nightly
codegen_flags: <defaults>
</compile_context>

<pallas_src>
import functools

import jax
import jax.numpy as jnp
from jax import lax
from jax.experimental import pallas as pl
from jax.experimental.pallas import tpu as pltpu
from jax.experimental.pallas import tpu_sc as plsc

VOCAB_N = 100000
EMBED_D = 128
BATCH_B = 16384

_info = plsc.get_sparse_core_info()
_NC, _NS, _L = _info.num_cores, _info.num_subcores, _info.num_lanes
_NW = _NC * _NS
_TOK_W = BATCH_B // _NW
_CHUNK = 64
_NCHUNK = _TOK_W // _CHUNK
_NBUF = 3
_NK = EMBED_D // _L


def _sgns_body(x_hbm, t_hbm, in_hbm, out_hbm, o_hbm,
               xi_v, ti_v, a0, b0, a1, b1, a2, b2, out_v,
               sem0, sem1, sem2):
    wid = lax.axis_index("s") * _NC + lax.axis_index("c")
    base = wid * _TOK_W
    pltpu.sync_copy(x_hbm.at[pl.ds(base, _TOK_W)], xi_v)
    pltpu.sync_copy(t_hbm.at[pl.ds(base, _TOK_W)], ti_v)
    lane = lax.iota(jnp.int32, _L)
    last = jnp.full((_L,), _L - 1, jnp.int32)
    m15 = lane == last

    bufs = [(a0, b0), (a1, b1), (a2, b2)]
    sems = [sem0, sem1, sem2]

    def fire(c):
        o = c * _CHUNK
        av, bv = bufs[c % _NBUF]
        sem = sems[c % _NBUF]
        return (
            pltpu.async_copy(in_hbm.at[xi_v.at[pl.ds(o, _CHUNK)]], av, sem),
            pltpu.async_copy(out_hbm.at[ti_v.at[pl.ds(o, _CHUNK)]], bv, sem),
        )

    def compute(c):
        av, bv = bufs[c % _NBUF]
        cbase = c * _CHUNK

        @plsc.parallel_loop(0, _CHUNK, 1, unroll=2)
        def row_body(r):
            prods = [av[r, pl.ds(k * _L, _L)] * bv[r, pl.ds(k * _L, _L)]
                     for k in range(_NK)]
            while len(prods) > 1:
                prods = [prods[i] + prods[i + 1]
                         for i in range(0, len(prods), 2)]
            cs = plsc.cumsum(prods[0])
            pos = jnp.full((_L,), cbase, jnp.int32) + r
            plsc.store_scatter(out_v, [pos], cs, mask=m15)

    pending = {c: fire(c) for c in range(_NBUF - 1)}
    for c in range(_NCHUNK):
        nxt = c + _NBUF - 1
        if nxt < _NCHUNK:
            pending[nxt] = fire(nxt)
        for cp in pending.pop(c):
            cp.wait()
        compute(c)

    @plsc.parallel_loop(0, _TOK_W // _L, 1, unroll=4)
    def sigmoid_body(gg):
        acc = out_v[pl.ds(gg * _L, _L)]
        out_v[pl.ds(gg * _L, _L)] = 1.0 / (1.0 + jnp.exp(-acc))

    pltpu.sync_copy(out_v, o_hbm.at[pl.ds(base, _TOK_W)])


_sgns_call = functools.partial(
    pl.kernel,
    out_type=jax.ShapeDtypeStruct((BATCH_B,), jnp.float32),
    mesh=plsc.VectorSubcoreMesh(core_axis_name="c", subcore_axis_name="s"),
    compiler_params=pltpu.CompilerParams(needs_layout_passes=False,
                                         use_tc_tiling_on_sc=False,
                                         skip_device_barrier=True,
                                         disable_bounds_checks=True,
                                         disable_semaphore_checks=True),
    scratch_types=[
        pltpu.VMEM((_TOK_W,), jnp.int32),
        pltpu.VMEM((_TOK_W,), jnp.int32),
        pltpu.VMEM((_CHUNK, EMBED_D), jnp.float32),
        pltpu.VMEM((_CHUNK, EMBED_D), jnp.float32),
        pltpu.VMEM((_CHUNK, EMBED_D), jnp.float32),
        pltpu.VMEM((_CHUNK, EMBED_D), jnp.float32),
        pltpu.VMEM((_CHUNK, EMBED_D), jnp.float32),
        pltpu.VMEM((_CHUNK, EMBED_D), jnp.float32),
        pltpu.VMEM((_TOK_W,), jnp.float32),
        pltpu.SemaphoreType.DMA,
        pltpu.SemaphoreType.DMA,
        pltpu.SemaphoreType.DMA,
    ],
)(_sgns_body)


def kernel(x, t, in_embed, out_embed):
    return _sgns_call(x.astype(jnp.int32), t.astype(jnp.int32),
                      in_embed, out_embed)

# --- scband reference (transcript-rebuilt; emitter-appended) ---
"""Pipeline reference for scband-sgns-61469571940889 (READ-ONLY COPY).

The authoritative reference and input builder live on the scoring server;
editing this copy changes nothing except your own understanding.
"""

import jax, jax.numpy as jnp
import numpy as np

VOCAB = 100000
EMBED = 128
BATCH = 16384


def setup_inputs(seed: int = 0) -> dict:
    key = jax.random.key(seed)
    k1, k2, k3, k4 = jax.random.split(key, 4)
    init_weight = 0.5 / EMBED
    x = jax.random.randint(k1, (BATCH,), 0, VOCAB)
    t = jax.random.randint(k2, (BATCH,), 0, VOCAB)
    in_embed = jax.random.uniform(k3, (VOCAB, EMBED), dtype=jnp.float32, minval=-init_weight, maxval=init_weight)
    out_embed = jax.random.uniform(k4, (VOCAB, EMBED), dtype=jnp.float32, minval=-init_weight, maxval=init_weight)
    return {"x": x, "t": t, "in_embed": in_embed, "out_embed": out_embed}


def reference(x, t, in_embed, out_embed):
    center_embedding = jnp.take(in_embed, x, axis=0)   # [B, D]
    target_embedding = jnp.take(out_embed, t, axis=0)  # [B, D]
    # bmm([B,1,D], [B,D,1]) -> [B,1,1] -> squeeze -> [B]
    logit = jnp.sum(target_embedding * center_embedding, axis=-1)
    logit = logit.reshape([-1])
    logit = jax.nn.sigmoid(logit)
    return logit

if __name__ == "__main__":
    import jax
    _d = setup_inputs()
    print(jax.jit(kernel)(*tuple(_d.values())))

</pallas_src>

<mosaic_0001>
#map = affine_map<(d0, d1) -> (0)>
#map1 = affine_map<(d0, d1) -> (0, 0)>
module attributes {stable_mosaic.version = 14 : i64} {
  func.func @_sgns_body(%arg0: i32, %arg1: i32, %arg2: memref<16384xi32, #tpu.memory_space<hbm>>, %arg3: memref<16384xi32, #tpu.memory_space<hbm>>, %arg4: memref<100000x128xf32, #tpu.memory_space<hbm>>, %arg5: memref<100000x128xf32, #tpu.memory_space<hbm>>, %arg6: memref<16384xf32, #tpu.memory_space<hbm>>, %arg7: memref<512xi32, #tpu.memory_space<vmem>>, %arg8: memref<512xi32, #tpu.memory_space<vmem>>, %arg9: memref<64x128xf32, #tpu.memory_space<vmem>>, %arg10: memref<64x128xf32, #tpu.memory_space<vmem>>, %arg11: memref<64x128xf32, #tpu.memory_space<vmem>>, %arg12: memref<64x128xf32, #tpu.memory_space<vmem>>, %arg13: memref<64x128xf32, #tpu.memory_space<vmem>>, %arg14: memref<64x128xf32, #tpu.memory_space<vmem>>, %arg15: memref<512xf32, #tpu.memory_space<vmem>>, %arg16: memref<!tpu.dma_semaphore, #tpu.memory_space<semaphore_mem>>, %arg17: memref<!tpu.dma_semaphore, #tpu.memory_space<semaphore_mem>>, %arg18: memref<!tpu.dma_semaphore, #tpu.memory_space<semaphore_mem>>) attributes {dimension_semantics = [#tpu.dimension_semantics<core_parallel>, #tpu.dimension_semantics<subcore_parallel>], iteration_bounds = array<i64: 2, 16>, scalar_prefetch = 0 : i64, scratch_operands = 12 : i64, tpu.core_type = #tpu.core_type<sc_vector_subcore>, window_params = [{transform_indices = #map}, {transform_indices = #map}, {transform_indices = #map1}, {transform_indices = #map1}, {transform_indices = #map}]} {
    %mul3A = arith.constant 2 : i32
    %mul3A_0 = arith.muli %arg1, %mul3A : i32
    %add3A = arith.addi %mul3A_0, %arg0 : i32
    %mul3A_1 = arith.constant 512 : i32
    %mul3A_2 = arith.muli %add3A, %mul3A_1 : i32
    "tpu.region"() ({
      %run_scoped3A = tpu.sem_alloc : memref<!tpu.dma_semaphore, #tpu.memory_space<semaphore_mem>>
      %dma_start3A_188 = tpu.memref_slice %arg2[%mul3A_2] : memref<16384xi32, #tpu.memory_space<hbm>> -> memref<512xi32, #tpu.memory_space<hbm>>
      %dma_start3A_189 = tpu.memref_slice %arg2[%mul3A_2] : memref<16384xi32, #tpu.memory_space<hbm>> -> memref<512xi32, #tpu.memory_space<hbm>>
      tpu.enqueue_dma source(%dma_start3A_189 : memref<512xi32, #tpu.memory_space<hbm>>) target(%arg7 : memref<512xi32, #tpu.memory_space<vmem>>) target_semaphore(%run_scoped3A : memref<!tpu.dma_semaphore, #tpu.memory_space<semaphore_mem>>)
      %dma_wait3A_190 = tpu.memref_slice %arg2[%mul3A_2] : memref<16384xi32, #tpu.memory_space<hbm>> -> memref<512xi32, #tpu.memory_space<hbm>>
      %dma_wait3A_191 = tpu.memref_slice %arg2[%mul3A_2] : memref<16384xi32, #tpu.memory_space<hbm>> -> memref<512xi32, #tpu.memory_space<hbm>>
      tpu.wait_dma2 semaphore(%run_scoped3A : memref<!tpu.dma_semaphore, #tpu.memory_space<semaphore_mem>>) src(%dma_wait3A_191 : memref<512xi32, #tpu.memory_space<hbm>>) dst(%arg7 : memref<512xi32, #tpu.memory_space<vmem>>)
      tpu.yield
    }) : () -> ()
    "tpu.region"() ({
      %run_scoped3A = tpu.sem_alloc : memref<!tpu.dma_semaphore, #tpu.memory_space<semaphore_mem>>
      %dma_start3A_188 = tpu.memref_slice %arg3[%mul3A_2] : memref<16384xi32, #tpu.memory_space<hbm>> -> memref<512xi32, #tpu.memory_space<hbm>>
      %dma_start3A_189 = tpu.memref_slice %arg3[%mul3A_2] : memref<16384xi32, #tpu.memory_space<hbm>> -> memref<512xi32, #tpu.memory_space<hbm>>
      tpu.enqueue_dma source(%dma_start3A_189 : memref<512xi32, #tpu.memory_space<hbm>>) target(%arg8 : memref<512xi32, #tpu.memory_space<vmem>>) target_semaphore(%run_scoped3A : memref<!tpu.dma_semaphore, #tpu.memory_space<semaphore_mem>>)
      %dma_wait3A_190 = tpu.memref_slice %arg3[%mul3A_2] : memref<16384xi32, #tpu.memory_space<hbm>> -> memref<512xi32, #tpu.memory_space<hbm>>
      %dma_wait3A_191 = tpu.memref_slice %arg3[%mul3A_2] : memref<16384xi32, #tpu.memory_space<hbm>> -> memref<512xi32, #tpu.memory_space<hbm>>
      tpu.wait_dma2 semaphore(%run_scoped3A : memref<!tpu.dma_semaphore, #tpu.memory_space<semaphore_mem>>) src(%dma_wait3A_191 : memref<512xi32, #tpu.memory_space<hbm>>) dst(%arg8 : memref<512xi32, #tpu.memory_space<vmem>>)
      tpu.yield
    }) : () -> ()
    %iota3A = tpu.iota {dimensions = array<i32: 0>} : vector<16xi32>
    %broadcast_in_dim3A = arith.constant 15 : i32
    %broadcast_in_dim3A_3 = vector.broadcast %broadcast_in_dim3A : i32 to vector<16xi32>
    %eq3A = arith.cmpi eq, %iota3A, %broadcast_in_dim3A_3 : vector<16xi32>
    %dma_start3A = arith.constant 0 : i32
    %dma_start3A_4 = tpu.memref_slice %arg7[%dma_start3A] : memref<512xi32, #tpu.memory_space<vmem>> -> memref<64xi32, #tpu.memory_space<vmem>>
    %dma_start3A_5 = arith.constant 0 : i32
    %dma_start3A_6 = arith.constant 0 : i32
    %dma_start3A_7 = tpu.memref_slice %arg4[%dma_start3A_5, %dma_start3A_6] : memref<100000x128xf32, #tpu.memory_space<hbm>> -> memref<100000x128xf32, #tpu.memory_space<hbm>>
    tpu.enqueue_indirect_dma source(%dma_start3A_7 : memref<100000x128xf32, #tpu.memory_space<hbm>>) target(%arg9 : memref<64x128xf32, #tpu.memory_space<vmem>>) offsets(%dma_start3A_4 : memref<64xi32, #tpu.memory_space<vmem>>) semaphore(%arg16 : memref<!tpu.dma_semaphore, #tpu.memory_space<semaphore_mem>>)
    %dma_start3A_8 = arith.constant 0 : i32
    %dma_start3A_9 = tpu.memref_slice %arg8[%dma_start3A_8] : memref<512xi32, #tpu.memory_space<vmem>> -> memref<64xi32, #tpu.memory_space<vmem>>
    %dma_start3A_10 = arith.constant 0 : i32
    %dma_start3A_11 = arith.constant 0 : i32
    %dma_start3A_12 = tpu.memref_slice %arg5[%dma_start3A_10, %dma_start3A_11] : memref<100000x128xf32, #tpu.memory_space<hbm>> -> memref<100000x128xf32, #tpu.memory_space<hbm>>
    tpu.enqueue_indirect_dma source(%dma_start3A_12 : memref<100000x128xf32, #tpu.memory_space<hbm>>) target(%arg10 : memref<64x128xf32, #tpu.memory_space<vmem>>) offsets(%dma_start3A_9 : memref<64xi32, #tpu.memory_space<vmem>>) semaphore(%arg16 : memref<!tpu.dma_semaphore, #tpu.memory_space<semaphore_mem>>)
    %dma_start3A_13 = arith.constant 64 : i32
    %dma_start3A_14 = tpu.memref_slice %arg7[%dma_start3A_13] : memref<512xi32, #tpu.memory_space<vmem>> -> memref<64xi32, #tpu.memory_space<vmem>>
    %dma_start3A_15 = arith.constant 0 : i32
    %dma_start3A_16 = arith.constant 0 : i32
    %dma_start3A_17 = tpu.memref_slice %arg4[%dma_start3A_15, %dma_start3A_16] : memref<100000x128xf32, #tpu.memory_space<hbm>> -> memref<100000x128xf32, #tpu.memory_space<hbm>>
    tpu.enqueue_indirect_dma source(%dma_start3A_17 : memref<100000x128xf32, #tpu.memory_space<hbm>>) target(%arg11 : memref<64x128xf32, #tpu.memory_space<vmem>>) offsets(%dma_start3A_14 : memref<64xi32, #tpu.memory_space<vmem>>) semaphore(%arg17 : memref<!tpu.dma_semaphore, #tpu.memory_space<semaphore_mem>>)
    %dma_start3A_18 = arith.constant 64 : i32
    %dma_start3A_19 = tpu.memref_slice %arg8[%dma_start3A_18] : memref<512xi32, #tpu.memory_space<vmem>> -> memref<64xi32, #tpu.memory_space<vmem>>
    %dma_start3A_20 = arith.constant 0 : i32
    %dma_start3A_21 = arith.constant 0 : i32
    %dma_start3A_22 = tpu.memref_slice %arg5[%dma_start3A_20, %dma_start3A_21] : memref<100000x128xf32, #tpu.memory_space<hbm>> -> memref<100000x128xf32, #tpu.memory_space<hbm>>
    tpu.enqueue_indirect_dma source(%dma_start3A_22 : memref<100000x128xf32, #tpu.memory_space<hbm>>) target(%arg12 : memref<64x128xf32, #tpu.memory_space<vmem>>) offsets(%dma_start3A_19 : memref<64xi32, #tpu.memory_space<vmem>>) semaphore(%arg17 : memref<!tpu.dma_semaphore, #tpu.memory_space<semaphore_mem>>)
    %dma_start3A_23 = arith.constant 128 : i32
    %dma_start3A_24 = tpu.memref_slice %arg7[%dma_start3A_23] : memref<512xi32, #tpu.memory_space<vmem>> -> memref<64xi32, #tpu.memory_space<vmem>>
    %dma_start3A_25 = arith.constant 0 : i32
    %dma_start3A_26 = arith.constant 0 : i32
    %dma_start3A_27 = tpu.memref_slice %arg4[%dma_start3A_25, %dma_start3A_26] : memref<100000x128xf32, #tpu.memory_space<hbm>> -> memref<100000x128xf32, #tpu.memory_space<hbm>>
    tpu.enqueue_indirect_dma source(%dma_start3A_27 : memref<100000x128xf32, #tpu.memory_space<hbm>>) target(%arg13 : memref<64x128xf32, #tpu.memory_space<vmem>>) offsets(%dma_start3A_24 : memref<64xi32, #tpu.memory_space<vmem>>) semaphore(%arg18 : memref<!tpu.dma_semaphore, #tpu.memory_space<semaphore_mem>>)
    %dma_start3A_28 = arith.constant 128 : i32
    %dma_start3A_29 = tpu.memref_slice %arg8[%dma_start3A_28] : memref<512xi32, #tpu.memory_space<vmem>> -> memref<64xi32, #tpu.memory_space<vmem>>
    %dma_start3A_30 = arith.constant 0 : i32
    %dma_start3A_31 = arith.constant 0 : i32
    %dma_start3A_32 = tpu.memref_slice %arg5[%dma_start3A_30, %dma_start3A_31] : memref<100000x128xf32, #tpu.memory_space<hbm>> -> memref<100000x128xf32, #tpu.memory_space<hbm>>
    tpu.enqueue_indirect_dma source(%dma_start3A_32 : memref<100000x128xf32, #tpu.memory_space<hbm>>) target(%arg14 : memref<64x128xf32, #tpu.memory_space<vmem>>) offsets(%dma_start3A_29 : memref<64xi32, #tpu.memory_space<vmem>>) semaphore(%arg18 : memref<!tpu.dma_semaphore, #tpu.memory_space<semaphore_mem>>)
    %dma_wait3A = arith.constant 0 : i32
    %dma_wait3A_33 = tpu.memref_slice %arg7[%dma_wait3A] : memref<512xi32, #tpu.memory_space<vmem>> -> memref<64xi32, #tpu.memory_space<vmem>>
    %dma_wait3A_34 = arith.constant 0 : i32
    %dma_wait3A_35 = arith.constant 0 : i32
    %dma_wait3A_36 = tpu.memref_slice %arg4[%dma_wait3A_34, %dma_wait3A_35] : memref<100000x128xf32, #tpu.memory_space<hbm>> -> memref<100000x128xf32, #tpu.memory_space<hbm>>
    tpu.wait_indirect_dma semaphore(%arg16 : memref<!tpu.dma_semaphore, #tpu.memory_space<semaphore_mem>>) src(%dma_wait3A_36 : memref<100000x128xf32, #tpu.memory_space<hbm>>) dst(%arg9 : memref<64x128xf32, #tpu.memory_space<vmem>>)
    %dma_wait3A_37 = arith.constant 0 : i32
    %dma_wait3A_38 = tpu.memref_slice %arg8[%dma_wait3A_37] : memref<512xi32, #tpu.memory_space<vmem>> -> memref<64xi32, #tpu.memory_space<vmem>>
    %dma_wait3A_39 = arith.constant 0 : i32
    %dma_wait3A_40 = arith.constant 0 : i32
    %dma_wait3A_41 = tpu.memref_slice %arg5[%dma_wait3A_39, %dma_wait3A_40] : memref<100000x128xf32, #tpu.memory_space<hbm>> -> memref<100000x128xf32, #tpu.memory_space<hbm>>
    tpu.wait_indirect_dma semaphore(%arg16 : memref<!tpu.dma_semaphore, #tpu.memory_space<semaphore_mem>>) src(%dma_wait3A_41 : memref<100000x128xf32, #tpu.memory_space<hbm>>) dst(%arg10 : memref<64x128xf32, #tpu.memory_space<vmem>>)
    %parallel_loop3A = arith.constant 0 : i32
    %parallel_loop3A_42 = arith.constant 64 : i32
    %parallel_loop3A_43 = arith.constant 1 : i32
    scf.for %parallel_loop3A_188 = %parallel_loop3A to %parallel_loop3A_42 step %parallel_loop3A_43  : i32 {
      %parallel_loop3A_189 = arith.index_cast %parallel_loop3A_188 : i32 to index
      %parallel_loop3A_190 = arith.constant 0 : index
      %parallel_loop3A_191 = tpu.vector_load %arg9[%parallel_loop3A_189, %parallel_loop3A_190] {strides = array<i32>} : memref<64x128xf32, #tpu.memory_space<vmem>>, vector<16xf32>,
      %parallel_loop3A_192 = arith.index_cast %parallel_loop3A_188 : i32 to index
      %parallel_loop3A_193 = arith.constant 0 : index
      %parallel_loop3A_194 = tpu.vector_load %arg10[%parallel_loop3A_192, %parallel_loop3A_193] {strides = array<i32>} : memref<64x128xf32, #tpu.memory_space<vmem>>, vector<16xf32>,
      %parallel_loop3A_195 = arith.mulf %parallel_loop3A_191, %parallel_loop3A_194 : vector<16xf32>
      %parallel_loop3A_196 = arith.index_cast %parallel_loop3A_188 : i32 to index
      %parallel_loop3A_197 = arith.constant 16 : index
      %parallel_loop3A_198 = tpu.vector_load %arg9[%parallel_loop3A_196, %parallel_loop3A_197] {strides = array<i32>} : memref<64x128xf32, #tpu.memory_space<vmem>>, vector<16xf32>,
      %parallel_loop3A_199 = arith.index_cast %parallel_loop3A_188 : i32 to index
      %parallel_loop3A_200 = arith.constant 16 : index
      %parallel_loop3A_201 = tpu.vector_load %arg10[%parallel_loop3A_199, %parallel_loop3A_200] {strides = array<i32>} : memref<64x128xf32, #tpu.memory_space<vmem>>, vector<16xf32>,
      %parallel_loop3A_202 = arith.mulf %parallel_loop3A_198, %parallel_loop3A_201 : vector<16xf32>
      %parallel_loop3A_203 = arith.index_cast %parallel_loop3A_188 : i32 to index
      %parallel_loop3A_204 = arith.constant 32 : index
      %parallel_loop3A_205 = tpu.vector_load %arg9[%parallel_loop3A_203, %parallel_loop3A_204] {strides = array<i32>} : memref<64x128xf32, #tpu.memory_space<vmem>>, vector<16xf32>,
      %parallel_loop3A_206 = arith.index_cast %parallel_loop3A_188 : i32 to index
      %parallel_loop3A_207 = arith.constant 32 : index
      %parallel_loop3A_208 = tpu.vector_load %arg10[%parallel_loop3A_206, %parallel_loop3A_207] {strides = array<i32>} : memref<64x128xf32, #tpu.memory_space<vmem>>, vector<16xf32>,
      %parallel_loop3A_209 = arith.mulf %parallel_loop3A_205, %parallel_loop3A_208 : vector<16xf32>
      %parallel_loop3A_210 = arith.index_cast %parallel_loop3A_188 : i32 to index
      %parallel_loop3A_211 = arith.constant 48 : index
      %parallel_loop3A_212 = tpu.vector_load %arg9[%parallel_loop3A_210, %parallel_loop3A_211] {strides = array<i32>} : memref<64x128xf32, #tpu.memory_space<vmem>>, vector<16xf32>,
      %parallel_loop3A_213 = arith.index_cast %parallel_loop3A_188 : i32 to index
      %parallel_loop3A_214 = arith.constant 48 : index
      %parallel_loop3A_215 = tpu.vector_load %arg10[%parallel_loop3A_213, %parallel_loop3A_214] {strides = array<i32>} : memref<64x128xf32, #tpu.memory_space<vmem>>, vector<16xf32>,
      %parallel_loop3A_216 = arith.mulf %parallel_loop3A_212, %parallel_loop3A_215 : vector<16xf32>
      %parallel_loop3A_217 = arith.index_cast %parallel_loop3A_188 : i32 to index
      %parallel_loop3A_218 = arith.constant 64 : index
      %parallel_loop3A_219 = tpu.vector_load %arg9[%parallel_loop3A_217, %parallel_loop3A_218] {strides = array<i32>} : memref<64x128xf32, #tpu.memory_space<vmem>>, vector<16xf32>,
      %parallel_loop3A_220 = arith.index_cast %parallel_loop3A_188 : i32 to index
      %parallel_loop3A_221 = arith.constant 64 : index
      %parallel_loop3A_222 = tpu.vector_load %arg10[%parallel_loop3A_220, %parallel_loop3A_221] {strides = array<i32>} : memref<64x128xf32, #tpu.memory_space<vmem>>, vector<16xf32>,
      %parallel_loop3A_223 = arith.mulf %parallel_loop3A_219, %parallel_loop3A_222 : vector<16xf32>
      %parallel_loop3A_224 = arith.index_cast %parallel_loop3A_188 : i32 to index
      %parallel_loop3A_225 = arith.constant 80 : index
      %parallel_loop3A_226 = tpu.vector_load %arg9[%parallel_loop3A_224, %parallel_loop3A_225] {strides = array<i32>} : memref<64x128xf32, #tpu.memory_space<vmem>>, vector<16xf32>,
      %parallel_loop3A_227 = arith.index_cast %parallel_loop3A_188 : i32 to index
      %parallel_loop3A_228 = arith.constant 80 : index
      %parallel_loop3A_229 = tpu.vector_load %arg10[%parallel_loop3A_227, %parallel_loop3A_228] {strides = array<i32>} : memref<64x128xf32, #tpu.memory_space<vmem>>, vector<16xf32>,
      %parallel_loop3A_230 = arith.mulf %parallel_loop3A_226, %parallel_loop3A_229 : vector<16xf32>
      %parallel_loop3A_231 = arith.index_cast %parallel_loop3A_188 : i32 to index
      %parallel_loop3A_232 = arith.constant 96 : index
      %parallel_loop3A_233 = tpu.vector_load %arg9[%parallel_loop3A_231, %parallel_loop3A_232] {strides = array<i32>} : memref<64x128xf32, #tpu.memory_space<vmem>>, vector<16xf32>,
      %parallel_loop3A_234 = arith.index_cast %parallel_loop3A_188 : i32 to index
      %parallel_loop3A_235 = arith.constant 96 : index
      %parallel_loop3A_236 = tpu.vector_load %arg10[%parallel_loop3A_234, %parallel_loop3A_235] {strides = array<i32>} : memref<64x128xf32, #tpu.memory_space<vmem>>, vector<16xf32>,
      %parallel_loop3A_237 = arith.mulf %parallel_loop3A_233, %parallel_loop3A_236 : vector<16xf32>
      %parallel_loop3A_238 = arith.index_cast %parallel_loop3A_188 : i32 to index
      %parallel_loop3A_239 = arith.constant 112 : index
      %parallel_loop3A_240 = tpu.vector_load %arg9[%parallel_loop3A_238, %parallel_loop3A_239] {strides = array<i32>} : memref<64x128xf32, #tpu.memory_space<vmem>>, vector<16xf32>,
      %parallel_loop3A_241 = arith.index_cast %parallel_loop3A_188 : i32 to index
      %parallel_loop3A_242 = arith.constant 112 : index
      %parallel_loop3A_243 = tpu.vector_load %arg10[%parallel_loop3A_241, %parallel_loop3A_242] {strides = array<i32>} : memref<64x128xf32, #tpu.memory_space<vmem>>, vector<16xf32>,
      %parallel_loop3A_244 = arith.mulf %parallel_loop3A_240, %parallel_loop3A_243 : vector<16xf32>
      %parallel_loop3A_245 = arith.addf %parallel_loop3A_195, %parallel_loop3A_202 : vector<16xf32>
      %parallel_loop3A_246 = arith.addf %parallel_loop3A_209, %parallel_loop3A_216 : vector<16xf32>
      %parallel_loop3A_247 = arith.addf %parallel_loop3A_223, %parallel_loop3A_230 : vector<16xf32>
      %parallel_loop3A_248 = arith.addf %parallel_loop3A_237, %parallel_loop3A_244 : vector<16xf32>
      %parallel_loop3A_249 = arith.addf %parallel_loop3A_245, %parallel_loop3A_246 : vector<16xf32>
      %parallel_loop3A_250 = arith.addf %parallel_loop3A_247, %parallel_loop3A_248 : vector<16xf32>
      %parallel_loop3A_251 = arith.addf %parallel_loop3A_249, %parallel_loop3A_250 : vector<16xf32>
      %parallel_loop3A_252 = arith.constant true
      %parallel_loop3A_253 = vector.broadcast %parallel_loop3A_252 : i1 to vector<16xi1>
      %parallel_loop3A_254 = tpu.scan <sum>, %parallel_loop3A_251 masked %parallel_loop3A_253 : vector<16xf32>, vector<16xi1> -> vector<16xf32>
      %parallel_loop3A_255 = arith.constant 0 : i32
      %parallel_loop3A_256 = vector.broadcast %parallel_loop3A_255 : i32 to vector<16xi32>
      %parallel_loop3A_257 = vector.broadcast %parallel_loop3A_188 : i32 to vector<16xi32>
      %parallel_loop3A_258 = arith.addi %parallel_loop3A_256, %parallel_loop3A_257 : vector<16xi32>
      tpu.vector_store_idx %arg15[%parallel_loop3A_258], %parallel_loop3A_254 masked %eq3A : memref<512xf32, #tpu.memory_space<vmem>>[vector<16xi32>], vector<16xf32>, vector<16xi1>
    } {sc.loop_unroll_factor = 2 : i64, sc.parallel_access}
    %dma_start3A_44 = arith.constant 192 : i32
    %dma_start3A_45 = tpu.memref_slice %arg7[%dma_start3A_44] : memref<512xi32, #tpu.memory_space<vmem>> -> memref<64xi32, #tpu.memory_space<vmem>>
    %dma_start3A_46 = arith.constant 0 : i32
    %dma_start3A_47 = arith.constant 0 : i32
    %dma_start3A_48 = tpu.memref_slice %arg4[%dma_start3A_46, %dma_start3A_47] : memref<100000x128xf32, #tpu.memory_space<hbm>> -> memref<100000x128xf32, #tpu.memory_space<hbm>>
    tpu.enqueue_indirect_dma source(%dma_start3A_48 : memref<100000x128xf32, #tpu.memory_space<hbm>>) target(%arg9 : memref<64x128xf32, #tpu.memory_space<vmem>>) offsets(%dma_start3A_45 : memref<64xi32, #tpu.memory_space<vmem>>) semaphore(%arg16 : memref<!tpu.dma_semaphore, #tpu.memory_space<semaphore_mem>>)
    %dma_start3A_49 = arith.constant 192 : i32
    %dma_start3A_50 = tpu.memref_slice %arg8[%dma_start3A_49] : memref<512xi32, #tpu.memory_space<vmem>> -> memref<64xi32, #tpu.memory_space<vmem>>
    %dma_start3A_51 = arith.constant 0 : i32
    %dma_start3A_52 = arith.constant 0 : i32
    %dma_start3A_53 = tpu.memref_slice %arg5[%dma_start3A_51, %dma_start3A_52] : memref<100000x128xf32, #tpu.memory_space<hbm>> -> memref<100000x128xf32, #tpu.memory_space<hbm>>
    tpu.enqueue_indirect_dma source(%dma_start3A_53 : memref<100000x128xf32, #tpu.memory_space<hbm>>) target(%arg10 : memref<64x128xf32, #tpu.memory_space<vmem>>) offsets(%dma_start3A_50 : memref<64xi32, #tpu.memory_space<vmem>>) semaphore(%arg16 : memref<!tpu.dma_semaphore, #tpu.memory_space<semaphore_mem>>)
    %dma_wait3A_54 = arith.constant 64 : i32
    %dma_wait3A_55 = tpu.memref_slice %arg7[%dma_wait3A_54] : memref<512xi32, #tpu.memory_space<vmem>> -> memref<64xi32, #tpu.memory_space<vmem>>
    %dma_wait3A_56 = arith.constant 0 : i32
    %dma_wait3A_57 = arith.constant 0 : i32
    %dma_wait3A_58 = tpu.memref_slice %arg4[%dma_wait3A_56, %dma_wait3A_57] : memref<100000x128xf32, #tpu.memory_space<hbm>> -> memref<100000x128xf32, #tpu.memory_space<hbm>>
    tpu.wait_indirect_dma semaphore(%arg17 : memref<!tpu.dma_semaphore, #tpu.memory_space<semaphore_mem>>) src(%dma_wait3A_58 : memref<100000x128xf32, #tpu.memory_space<hbm>>) dst(%arg11 : memref<64x128xf32, #tpu.memory_space<vmem>>)
    %dma_wait3A_59 = arith.constant 64 : i32
    %dma_wait3A_60 = tpu.memref_slice %arg8[%dma_wait3A_59] : memref<512xi32, #tpu.memory_space<vmem>> -> memref<64xi32, #tpu.memory_space<vmem>>
    %dma_wait3A_61 = arith.constant 0 : i32
    %dma_wait3A_62 = arith.constant 0 : i32
    %dma_wait3A_63 = tpu.memref_slice %arg5[%dma_wait3A_61, %dma_wait3A_62] : memref<100000x128xf32, #tpu.memory_space<hbm>> -> memref<100000x128xf32, #tpu.memory_space<hbm>>
    tpu.wait_indirect_dma semaphore(%arg17 : memref<!tpu.dma_semaphore, #tpu.memory_space<semaphore_mem>>) src(%dma_wait3A_63 : memref<100000x128xf32, #tpu.memory_space<hbm>>) dst(%arg12 : memref<64x128xf32, #tpu.memory_space<vmem>>)
    %parallel_loop3A_64 = arith.constant 0 : i32
    %parallel_loop3A_65 = arith.constant 64 : i32
    %parallel_loop3A_66 = arith.constant 1 : i32
    scf.for %parallel_loop3A_188 = %parallel_loop3A_64 to %parallel_loop3A_65 step %parallel_loop3A_66  : i32 {
      %parallel_loop3A_189 = arith.index_cast %parallel_loop3A_188 : i32 to index
      %parallel_loop3A_190 = arith.constant 0 : index
      %parallel_loop3A_191 = tpu.vector_load %arg11[%parallel_loop3A_189, %parallel_loop3A_190] {strides = array<i32>} : memref<64x128xf32, #tpu.memory_space<vmem>>, vector<16xf32>,
      %parallel_loop3A_192 = arith.index_cast %parallel_loop3A_188 : i32 to index
      %parallel_loop3A_193 = arith.constant 0 : index
      %parallel_loop3A_194 = tpu.vector_load %arg12[%parallel_loop3A_192, %parallel_loop3A_193] {strides = array<i32>} : memref<64x128xf32, #tpu.memory_space<vmem>>, vector<16xf32>,
      %parallel_loop3A_195 = arith.mulf %parallel_loop3A_191, %parallel_loop3A_194 : vector<16xf32>
      %parallel_loop3A_196 = arith.index_cast %parallel_loop3A_188 : i32 to index
      %parallel_loop3A_197 = arith.constant 16 : index
      %parallel_loop3A_198 = tpu.vector_load %arg11[%parallel_loop3A_196, %parallel_loop3A_197] {strides = array<i32>} : memref<64x128xf32, #tpu.memory_space<vmem>>, vector<16xf32>,
      %parallel_loop3A_199 = arith.index_cast %parallel_loop3A_188 : i32 to index
      %parallel_loop3A_200 = arith.constant 16 : index
      %parallel_loop3A_201 = tpu.vector_load %arg12[%parallel_loop3A_199, %parallel_loop3A_200] {strides = array<i32>} : memref<64x128xf32, #tpu.memory_space<vmem>>, vector<16xf32>,
      %parallel_loop3A_202 = arith.mulf %parallel_loop3A_198, %parallel_loop3A_201 : vector<16xf32>
      %parallel_loop3A_203 = arith.index_cast %parallel_loop3A_188 : i32 to index
      %parallel_loop3A_204 = arith.constant 32 : index
      %parallel_loop3A_205 = tpu.vector_load %arg11[%parallel_loop3A_203, %parallel_loop3A_204] {strides = array<i32>} : memref<64x128xf32, #tpu.memory_space<vmem>>, vector<16xf32>,
      %parallel_loop3A_206 = arith.index_cast %parallel_loop3A_188 : i32 to index
      %parallel_loop3A_207 = arith.constant 32 : index
      %parallel_loop3A_208 = tpu.vector_load %arg12[%parallel_loop3A_206, %parallel_loop3A_207] {strides = array<i32>} : memref<64x128xf32, #tpu.memory_space<vmem>>, vector<16xf32>,
      %parallel_loop3A_209 = arith.mulf %parallel_loop3A_205, %parallel_loop3A_208 : vector<16xf32>
      %parallel_loop3A_210 = arith.index_cast %parallel_loop3A_188 : i32 to index
      %parallel_loop3A_211 = arith.constant 48 : index
      %parallel_loop3A_212 = tpu.vector_load %arg11[%parallel_loop3A_210, %parallel_loop3A_211] {strides = array<i32>} : memref<64x128xf32, #tpu.memory_space<vmem>>, vector<16xf32>,
      %parallel_loop3A_213 = arith.index_cast %parallel_loop3A_188 : i32 to index
      %parallel_loop3A_214 = arith.constant 48 : index
      %parallel_loop3A_215 = tpu.vector_load %arg12[%parallel_loop3A_213, %parallel_loop3A_214] {strides = array<i32>} : memref<64x128xf32, #tpu.memory_space<vmem>>, vector<16xf32>,
      %parallel_loop3A_216 = arith.mulf %parallel_loop3A_212, %parallel_loop3A_215 : vector<16xf32>
      %parallel_loop3A_217 = arith.index_cast %parallel_loop3A_188 : i32 to index
      %parallel_loop3A_218 = arith.constant 64 : index
      %parallel_loop3A_219 = tpu.vector_load %arg11[%parallel_loop3A_217, %parallel_loop3A_218] {strides = array<i32>} : memref<64x128xf32, #tpu.memory_space<vmem>>, vector<16xf32>,
      %parallel_loop3A_220 = arith.index_cast %parallel_loop3A_188 : i32 to index
      %parallel_loop3A_221 = arith.constant 64 : index
      %parallel_loop3A_222 = tpu.vector_load %arg12[%parallel_loop3A_220, %parallel_loop3A_221] {strides = array<i32>} : memref<64x128xf32, #tpu.memory_space<vmem>>, vector<16xf32>,
      %parallel_loop3A_223 = arith.mulf %parallel_loop3A_219, %parallel_loop3A_222 : vector<16xf32>
      %parallel_loop3A_224 = arith.index_cast %parallel_loop3A_188 : i32 to index
      %parallel_loop3A_225 = arith.constant 80 : index
      %parallel_loop3A_226 = tpu.vector_load %arg11[%parallel_loop3A_224, %parallel_loop3A_225] {strides = array<i32>} : memref<64x128xf32, #tpu.memory_space<vmem>>, vector<16xf32>,
      %parallel_loop3A_227 = arith.index_cast %parallel_loop3A_188 : i32 to index
      %parallel_loop3A_228 = arith.constant 80 : index
      %parallel_loop3A_229 = tpu.vector_load %arg12[%parallel_loop3A_227, %parallel_loop3A_228] {strides = array<i32>} : memref<64x128xf32, #tpu.memory_space<vmem>>, vector<16xf32>,
      %parallel_loop3A_230 = arith.mulf %parallel_loop3A_226, %parallel_loop3A_229 : vector<16xf32>
      %parallel_loop3A_231 = arith.index_cast %parallel_loop3A_188 : i32 to index
      %parallel_loop3A_232 = arith.constant 96 : index
      %parallel_loop3A_233 = tpu.vector_load %arg11[%parallel_loop3A_231, %parallel_loop3A_232] {strides = array<i32>} : memref<64x128xf32, #tpu.memory_space<vmem>>, vector<16xf32>,
      %parallel_loop3A_234 = arith.index_cast %parallel_loop3A_188 : i32 to index
      %parallel_loop3A_235 = arith.constant 96 : index
      %parallel_loop3A_236 = tpu.vector_load %arg12[%parallel_loop3A_234, %parallel_loop3A_235] {strides = array<i32>} : memref<64x128xf32, #tpu.memory_space<vmem>>, vector<16xf32>,
      %parallel_loop3A_237 = arith.mulf %parallel_loop3A_233, %parallel_loop3A_236 : vector<16xf32>
      %parallel_loop3A_238 = arith.index_cast %parallel_loop3A_188 : i32 to index
      %parallel_loop3A_239 = arith.constant 112 : index
      %parallel_loop3A_240 = tpu.vector_load %arg11[%parallel_loop3A_238, %parallel_loop3A_239] {strides = array<i32>} : memref<64x128xf32, #tpu.memory_space<vmem>>, vector<16xf32>,
      %parallel_loop3A_241 = arith.index_cast %parallel_loop3A_188 : i32 to index
      %parallel_loop3A_242 = arith.constant 112 : index
      %parallel_loop3A_243 = tpu.vector_load %arg12[%parallel_loop3A_241, %parallel_loop3A_242] {strides = array<i32>} : memref<64x128xf32, #tpu.memory_space<vmem>>, vector<16xf32>,
      %parallel_loop3A_244 = arith.mulf %parallel_loop3A_240, %parallel_loop3A_243 : vector<16xf32>
      %parallel_loop3A_245 = arith.addf %parallel_loop3A_195, %parallel_loop3A_202 : vector<16xf32>
      %parallel_loop3A_246 = arith.addf %parallel_loop3A_209, %parallel_loop3A_216 : vector<16xf32>
      %parallel_loop3A_247 = arith.addf %parallel_loop3A_223, %parallel_loop3A_230 : vector<16xf32>
      %parallel_loop3A_248 = arith.addf %parallel_loop3A_237, %parallel_loop3A_244 : vector<16xf32>
      %parallel_loop3A_249 = arith.addf %parallel_loop3A_245, %parallel_loop3A_246 : vector<16xf32>
      %parallel_loop3A_250 = arith.addf %parallel_loop3A_247, %parallel_loop3A_248 : vector<16xf32>
      %parallel_loop3A_251 = arith.addf %parallel_loop3A_249, %parallel_loop3A_250 : vector<16xf32>
      %parallel_loop3A_252 = arith.constant true
      %parallel_loop3A_253 = vector.broadcast %parallel_loop3A_252 : i1 to vector<16xi1>
      %parallel_loop3A_254 = tpu.scan <sum>, %parallel_loop3A_251 masked %parallel_loop3A_253 : vector<16xf32>, vector<16xi1> -> vector<16xf32>
      %parallel_loop3A_255 = arith.constant 64 : i32
      %parallel_loop3A_256 = vector.broadcast %parallel_loop3A_255 : i32 to vector<16xi32>
      %parallel_loop3A_257 = vector.broadcast %parallel_loop3A_188 : i32 to vector<16xi32>
      %parallel_loop3A_258 = arith.addi %parallel_loop3A_256, %parallel_loop3A_257 : vector<16xi32>
      tpu.vector_store_idx %arg15[%parallel_loop3A_258], %parallel_loop3A_254 masked %eq3A : memref<512xf32, #tpu.memory_space<vmem>>[vector<16xi32>], vector<16xf32>, vector<16xi1>
    } {sc.loop_unroll_factor = 2 : i64, sc.parallel_access}
    %dma_start3A_67 = arith.constant 256 : i32
    %dma_start3A_68 = tpu.memref_slice %arg7[%dma_start3A_67] : memref<512xi32, #tpu.memory_space<vmem>> -> memref<64xi32, #tpu.memory_space<vmem>>
    %dma_start3A_69 = arith.constant 0 : i32
    %dma_start3A_70 = arith.constant 0 : i32
    %dma_start3A_71 = tpu.memref_slice %arg4[%dma_start3A_69, %dma_start3A_70] : memref<100000x128xf32, #tpu.memory_space<hbm>> -> memref<100000x128xf32, #tpu.memory_space<hbm>>
    tpu.enqueue_indirect_dma source(%dma_start3A_71 : memref<100000x128xf32, #tpu.memory_space<hbm>>) target(%arg11 : memref<64x128xf32, #tpu.memory_space<vmem>>) offsets(%dma_start3A_68 : memref<64xi32, #tpu.memory_space<vmem>>) semaphore(%arg17 : memref<!tpu.dma_semaphore, #tpu.memory_space<semaphore_mem>>)
    %dma_start3A_72 = arith.constant 256 : i32
    %dma_start3A_73 = tpu.memref_slice %arg8[%dma_start3A_72] : memref<512xi32, #tpu.memory_space<vmem>> -> memref<64xi32, #tpu.memory_space<vmem>>
    %dma_start3A_74 = arith.constant 0 : i32
    %dma_start3A_75 = arith.constant 0 : i32
    %dma_start3A_76 = tpu.memref_slice %arg5[%dma_start3A_74, %dma_start3A_75] : memref<100000x128xf32, #tpu.memory_space<hbm>> -> memref<100000x128xf32, #tpu.memory_space<hbm>>
    tpu.enqueue_indirect_dma source(%dma_start3A_76 : memref<100000x128xf32, #tpu.memory_space<hbm>>) target(%arg12 : memref<64x128xf32, #tpu.memory_space<vmem>>) offsets(%dma_start3A_73 : memref<64xi32, #tpu.memory_space<vmem>>) semaphore(%arg17 : memref<!tpu.dma_semaphore, #tpu.memory_space<semaphore_mem>>)
    %dma_wait3A_77 = arith.constant 128 : i32
    %dma_wait3A_78 = tpu.memref_slice %arg7[%dma_wait3A_77] : memref<512xi32, #tpu.memory_space<vmem>> -> memref<64xi32, #tpu.memory_space<vmem>>
    %dma_wait3A_79 = arith.constant 0 : i32
    %dma_wait3A_80 = arith.constant 0 : i32
    %dma_wait3A_81 = tpu.memref_slice %arg4[%dma_wait3A_79, %dma_wait3A_80] : memref<100000x128xf32, #tpu.memory_space<hbm>> -> memref<100000x128xf32, #tpu.memory_space<hbm>>
    tpu.wait_indirect_dma semaphore(%arg18 : memref<!tpu.dma_semaphore, #tpu.memory_space<semaphore_mem>>) src(%dma_wait3A_81 : memref<100000x128xf32, #tpu.memory_space<hbm>>) dst(%arg13 : memref<64x128xf32, #tpu.memory_space<vmem>>)
    %dma_wait3A_82 = arith.constant 128 : i32
    %dma_wait3A_83 = tpu.memref_slice %arg8[%dma_wait3A_82] : memref<512xi32, #tpu.memory_space<vmem>> -> memref<64xi32, #tpu.memory_space<vmem>>
    %dma_wait3A_84 = arith.constant 0 : i32
    %dma_wait3A_85 = arith.constant 0 : i32
    %dma_wait3A_86 = tpu.memref_slice %arg5[%dma_wait3A_84, %dma_wait3A_85] : memref<100000x128xf32, #tpu.memory_space<hbm>> -> memref<100000x128xf32, #tpu.memory_space<hbm>>
    tpu.wait_indirect_dma semaphore(%arg18 : memref<!tpu.dma_semaphore, #tpu.memory_space<semaphore_mem>>) src(%dma_wait3A_86 : memref<100000x128xf32, #tpu.memory_space<hbm>>) dst(%arg14 : memref<64x128xf32, #tpu.memory_space<vmem>>)
    %parallel_loop3A_87 = arith.constant 0 : i32
    %parallel_loop3A_88 = arith.constant 64 : i32
    %parallel_loop3A_89 = arith.constant 1 : i32
    scf.for %parallel_loop3A_188 = %parallel_loop3A_87 to %parallel_loop3A_88 step %parallel_loop3A_89  : i32 {
      %parallel_loop3A_189 = arith.index_cast %parallel_loop3A_188 : i32 to index
      %parallel_loop3A_190 = arith.constant 0 : index
      %parallel_loop3A_191 = tpu.vector_load %arg13[%parallel_loop3A_189, %parallel_loop3A_190] {strides = array<i32>} : memref<64x128xf32, #tpu.memory_space<vmem>>, vector<16xf32>,
      %parallel_loop3A_192 = arith.index_cast %parallel_loop3A_188 : i32 to index
      %parallel_loop3A_193 = arith.constant 0 : index
      %parallel_loop3A_194 = tpu.vector_load %arg14[%parallel_loop3A_192, %parallel_loop3A_193] {strides = array<i32>} : memref<64x128xf32, #tpu.memory_space<vmem>>, vector<16xf32>,
      %parallel_loop3A_195 = arith.mulf %parallel_loop3A_191, %parallel_loop3A_194 : vector<16xf32>
      %parallel_loop3A_196 = arith.index_cast %parallel_loop3A_188 : i32 to index
      %parallel_loop3A_197 = arith.constant 16 : index
      %parallel_loop3A_198 = tpu.vector_load %arg13[%parallel_loop3A_196, %parallel_loop3A_197] {strides = array<i32>} : memref<64x128xf32, #tpu.memory_space<vmem>>, vector<16xf32>,
      %parallel_loop3A_199 = arith.index_cast %parallel_loop3A_188 : i32 to index
      %parallel_loop3A_200 = arith.constant 16 : index
      %parallel_loop3A_201 = tpu.vector_load %arg14[%parallel_loop3A_199, %parallel_loop3A_200] {strides = array<i32>} : memref<64x128xf32, #tpu.memory_space<vmem>>, vector<16xf32>,
      %parallel_loop3A_202 = arith.mulf %parallel_loop3A_198, %parallel_loop3A_201 : vector<16xf32>
      %parallel_loop3A_203 = arith.index_cast %parallel_loop3A_188 : i32 to index
      %parallel_loop3A_204 = arith.constant 32 : index
      %parallel_loop3A_205 = tpu.vector_load %arg13[%parallel_loop3A_203, %parallel_loop3A_204] {strides = array<i32>} : memref<64x128xf32, #tpu.memory_space<vmem>>, vector<16xf32>,
      %parallel_loop3A_206 = arith.index_cast %parallel_loop3A_188 : i32 to index
      %parallel_loop3A_207 = arith.constant 32 : index
      %parallel_loop3A_208 = tpu.vector_load %arg14[%parallel_loop3A_206, %parallel_loop3A_207] {strides = array<i32>} : memref<64x128xf32, #tpu.memory_space<vmem>>, vector<16xf32>,
      %parallel_loop3A_209 = arith.mulf %parallel_loop3A_205, %parallel_loop3A_208 : vector<16xf32>
      %parallel_loop3A_210 = arith.index_cast %parallel_loop3A_188 : i32 to index
      %parallel_loop3A_211 = arith.constant 48 : index
      %parallel_loop3A_212 = tpu.vector_load %arg13[%parallel_loop3A_210, %parallel_loop3A_211] {strides = array<i32>} : memref<64x128xf32, #tpu.memory_space<vmem>>, vector<16xf32>,
      %parallel_loop3A_213 = arith.index_cast %parallel_loop3A_188 : i32 to index
      %parallel_loop3A_214 = arith.constant 48 : index
      %parallel_loop3A_215 = tpu.vector_load %arg14[%parallel_loop3A_213, %parallel_loop3A_214] {strides = array<i32>} : memref<64x128xf32, #tpu.memory_space<vmem>>, vector<16xf32>,
      %parallel_loop3A_216 = arith.mulf %parallel_loop3A_212, %parallel_loop3A_215 : vector<16xf32>
      %parallel_loop3A_217 = arith.index_cast %parallel_loop3A_188 : i32 to index
      %parallel_loop3A_218 = arith.constant 64 : index
      %parallel_loop3A_219 = tpu.vector_load %arg13[%parallel_loop3A_217, %parallel_loop3A_218] {strides = array<i32>} : memref<64x128xf32, #tpu.memory_space<vmem>>, vector<16xf32>,
      %parallel_loop3A_220 = arith.index_cast %parallel_loop3A_188 : i32 to index
      %parallel_loop3A_221 = arith.constant 64 : index
      %parallel_loop3A_222 = tpu.vector_load %arg14[%parallel_loop3A_220, %parallel_loop3A_221] {strides = array<i32>} : memref<64x128xf32, #tpu.memory_space<vmem>>, vector<16xf32>,
      %parallel_loop3A_223 = arith.mulf %parallel_loop3A_219, %parallel_loop3A_222 : vector<16xf32>
      %parallel_loop3A_224 = arith.index_cast %parallel_loop3A_188 : i32 to index
      %parallel_loop3A_225 = arith.constant 80 : index
      %parallel_loop3A_226 = tpu.vector_load %arg13[%parallel_loop3A_224, %parallel_loop3A_225] {strides = array<i32>} : memref<64x128xf32, #tpu.memory_space<vmem>>, vector<16xf32>,
      %parallel_loop3A_227 = arith.index_cast %parallel_loop3A_188 : i32 to index
      %parallel_loop3A_228 = arith.constant 80 : index
      %parallel_loop3A_229 = tpu.vector_load %arg14[%parallel_loop3A_227, %parallel_loop3A_228] {strides = array<i32>} : memref<64x128xf32, #tpu.memory_space<vmem>>, vector<16xf32>,
      %parallel_loop3A_230 = arith.mulf %parallel_loop3A_226, %parallel_loop3A_229 : vector<16xf32>
      %parallel_loop3A_231 = arith.index_cast %parallel_loop3A_188 : i32 to index
      %parallel_loop3A_232 = arith.constant 96 : index
      %parallel_loop3A_233 = tpu.vector_load %arg13[%parallel_loop3A_231, %parallel_loop3A_232] {strides = array<i32>} : memref<64x128xf32, #tpu.memory_space<vmem>>, vector<16xf32>,
      %parallel_loop3A_234 = arith.index_cast %parallel_loop3A_188 : i32 to index
      %parallel_loop3A_235 = arith.constant 96 : index
      %parallel_loop3A_236 = tpu.vector_load %arg14[%parallel_loop3A_234, %parallel_loop3A_235] {strides = array<i32>} : memref<64x128xf32, #tpu.memory_space<vmem>>, vector<16xf32>,
      %parallel_loop3A_237 = arith.mulf %parallel_loop3A_233, %parallel_loop3A_236 : vector<16xf32>
      %parallel_loop3A_238 = arith.index_cast %parallel_loop3A_188 : i32 to index
      %parallel_loop3A_239 = arith.constant 112 : index
      %parallel_loop3A_240 = tpu.vector_load %arg13[%parallel_loop3A_238, %parallel_loop3A_239] {strides = array<i32>} : memref<64x128xf32, #tpu.memory_space<vmem>>, vector<16xf32>,
      %parallel_loop3A_241 = arith.index_cast %parallel_loop3A_188 : i32 to index
      %parallel_loop3A_242 = arith.constant 112 : index
      %parallel_loop3A_243 = tpu.vector_load %arg14[%parallel_loop3A_241, %parallel_loop3A_242] {strides = array<i32>} : memref<64x128xf32, #tpu.memory_space<vmem>>, vector<16xf32>,
      %parallel_loop3A_244 = arith.mulf %parallel_loop3A_240, %parallel_loop3A_243 : vector<16xf32>
      %parallel_loop3A_245 = arith.addf %parallel_loop3A_195, %parallel_loop3A_202 : vector<16xf32>
      %parallel_loop3A_246 = arith.addf %parallel_loop3A_209, %parallel_loop3A_216 : vector<16xf32>
      %parallel_loop3A_247 = arith.addf %parallel_loop3A_223, %parallel_loop3A_230 : vector<16xf32>
      %parallel_loop3A_248 = arith.addf %parallel_loop3A_237, %parallel_loop3A_244 : vector<16xf32>
      %parallel_loop3A_249 = arith.addf %parallel_loop3A_245, %parallel_loop3A_246 : vector<16xf32>
      %parallel_loop3A_250 = arith.addf %parallel_loop3A_247, %parallel_loop3A_248 : vector<16xf32>
      %parallel_loop3A_251 = arith.addf %parallel_loop3A_249, %parallel_loop3A_250 : vector<16xf32>
      %parallel_loop3A_252 = arith.constant true
      %parallel_loop3A_253 = vector.broadcast %parallel_loop3A_252 : i1 to vector<16xi1>
      %parallel_loop3A_254 = tpu.scan <sum>, %parallel_loop3A_251 masked %parallel_loop3A_253 : vector<16xf32>, vector<16xi1> -> vector<16xf32>
      %parallel_loop3A_255 = arith.constant 128 : i32
      %parallel_loop3A_256 = vector.broadcast %parallel_loop3A_255 : i32 to vector<16xi32>
      %parallel_loop3A_257 = vector.broadcast %parallel_loop3A_188 : i32 to vector<16xi32>
      %parallel_loop3A_258 = arith.addi %parallel_loop3A_256, %parallel_loop3A_257 : vector<16xi32>
      tpu.vector_store_idx %arg15[%parallel_loop3A_258], %parallel_loop3A_254 masked %eq3A : memref<512xf32, #tpu.memory_space<vmem>>[vector<16xi32>], vector<16xf32>, vector<16xi1>
    } {sc.loop_unroll_factor = 2 : i64, sc.parallel_access}
    %dma_start3A_90 = arith.constant 320 : i32
    %dma_start3A_91 = tpu.memref_slice %arg7[%dma_start3A_90] : memref<512xi32, #tpu.memory_space<vmem>> -> memref<64xi32, #tpu.memory_space<vmem>>
    %dma_start3A_92 = arith.constant 0 : i32
    %dma_start3A_93 = arith.constant 0 : i32
    %dma_start3A_94 = tpu.memref_slice %arg4[%dma_start3A_92, %dma_start3A_93] : memref<100000x128xf32, #tpu.memory_space<hbm>> -> memref<100000x128xf32, #tpu.memory_space<hbm>>
    tpu.enqueue_indirect_dma source(%dma_start3A_94 : memref<100000x128xf32, #tpu.memory_space<hbm>>) target(%arg13 : memref<64x128xf32, #tpu.memory_space<vmem>>) offsets(%dma_start3A_91 : memref<64xi32, #tpu.memory_space<vmem>>) semaphore(%arg18 : memref<!tpu.dma_semaphore, #tpu.memory_space<semaphore_mem>>)
    %dma_start3A_95 = arith.constant 320 : i32
    %dma_start3A_96 = tpu.memref_slice %arg8[%dma_start3A_95] : memref<512xi32, #tpu.memory_space<vmem>> -> memref<64xi32, #tpu.memory_space<vmem>>
    %dma_start3A_97 = arith.constant 0 : i32
    %dma_start3A_98 = arith.constant 0 : i32
    %dma_start3A_99 = tpu.memref_slice %arg5[%dma_start3A_97, %dma_start3A_98] : memref<100000x128xf32, #tpu.memory_space<hbm>> -> memref<100000x128xf32, #tpu.memory_space<hbm>>
    tpu.enqueue_indirect_dma source(%dma_start3A_99 : memref<100000x128xf32, #tpu.memory_space<hbm>>) target(%arg14 : memref<64x128xf32, #tpu.memory_space<vmem>>) offsets(%dma_start3A_96 : memref<64xi32, #tpu.memory_space<vmem>>) semaphore(%arg18 : memref<!tpu.dma_semaphore, #tpu.memory_space<semaphore_mem>>)
    %dma_wait3A_100 = arith.constant 192 : i32
    %dma_wait3A_101 = tpu.memref_slice %arg7[%dma_wait3A_100] : memref<512xi32, #tpu.memory_space<vmem>> -> memref<64xi32, #tpu.memory_space<vmem>>
    %dma_wait3A_102 = arith.constant 0 : i32
    %dma_wait3A_103 = arith.constant 0 : i32
    %dma_wait3A_104 = tpu.memref_slice %arg4[%dma_wait3A_102, %dma_wait3A_103] : memref<100000x128xf32, #tpu.memory_space<hbm>> -> memref<100000x128xf32, #tpu.memory_space<hbm>>
    tpu.wait_indirect_dma semaphore(%arg16 : memref<!tpu.dma_semaphore, #tpu.memory_space<semaphore_mem>>) src(%dma_wait3A_104 : memref<100000x128xf32, #tpu.memory_space<hbm>>) dst(%arg9 : memref<64x128xf32, #tpu.memory_space<vmem>>)
    %dma_wait3A_105 = arith.constant 192 : i32
    %dma_wait3A_106 = tpu.memref_slice %arg8[%dma_wait3A_105] : memref<512xi32, #tpu.memory_space<vmem>> -> memref<64xi32, #tpu.memory_space<vmem>>
    %dma_wait3A_107 = arith.constant 0 : i32
    %dma_wait3A_108 = arith.constant 0 : i32
    %dma_wait3A_109 = tpu.memref_slice %arg5[%dma_wait3A_107, %dma_wait3A_108] : memref<100000x128xf32, #tpu.memory_space<hbm>> -> memref<100000x128xf32, #tpu.memory_space<hbm>>
    tpu.wait_indirect_dma semaphore(%arg16 : memref<!tpu.dma_semaphore, #tpu.memory_space<semaphore_mem>>) src(%dma_wait3A_109 : memref<100000x128xf32, #tpu.memory_space<hbm>>) dst(%arg10 : memref<64x128xf32, #tpu.memory_space<vmem>>)
    %parallel_loop3A_110 = arith.constant 0 : i32
    %parallel_loop3A_111 = arith.constant 64 : i32
    %parallel_loop3A_112 = arith.constant 1 : i32
    scf.for %parallel_loop3A_188 = %parallel_loop3A_110 to %parallel_loop3A_111 step %parallel_loop3A_112  : i32 {
      %parallel_loop3A_189 = arith.index_cast %parallel_loop3A_188 : i32 to index
      %parallel_loop3A_190 = arith.constant 0 : index
      %parallel_loop3A_191 = tpu.vector_load %arg9[%parallel_loop3A_189, %parallel_loop3A_190] {strides = array<i32>} : memref<64x128xf32, #tpu.memory_space<vmem>>, vector<16xf32>,
      %parallel_loop3A_192 = arith.index_cast %parallel_loop3A_188 : i32 to index
      %parallel_loop3A_193 = arith.constant 0 : index
      %parallel_loop3A_194 = tpu.vector_load %arg10[%parallel_loop3A_192, %parallel_loop3A_193] {strides = array<i32>} : memref<64x128xf32, #tpu.memory_space<vmem>>, vector<16xf32>,
      %parallel_loop3A_195 = arith.mulf %parallel_loop3A_191, %parallel_loop3A_194 : vector<16xf32>
      %parallel_loop3A_196 = arith.index_cast %parallel_loop3A_188 : i32 to index
      %parallel_loop3A_197 = arith.constant 16 : index
      %parallel_loop3A_198 = tpu.vector_load %arg9[%parallel_loop3A_196, %parallel_loop3A_197] {strides = array<i32>} : memref<64x128xf32, #tpu.memory_space<vmem>>, vector<16xf32>,
      %parallel_loop3A_199 = arith.index_cast %parallel_loop3A_188 : i32 to index
      %parallel_loop3A_200 = arith.constant 16 : index
      %parallel_loop3A_201 = tpu.vector_load %arg10[%parallel_loop3A_199, %parallel_loop3A_200] {strides = array<i32>} : memref<64x128xf32, #tpu.memory_space<vmem>>, vector<16xf32>,
      %parallel_loop3A_202 = arith.mulf %parallel_loop3A_198, %parallel_loop3A_201 : vector<16xf32>
      %parallel_loop3A_203 = arith.index_cast %parallel_loop3A_188 : i32 to index
      %parallel_loop3A_204 = arith.constant 32 : index
      %parallel_loop3A_205 = tpu.vector_load %arg9[%parallel_loop3A_203, %parallel_loop3A_204] {strides = array<i32>} : memref<64x128xf32, #tpu.memory_space<vmem>>, vector<16xf32>,
      %parallel_loop3A_206 = arith.index_cast %parallel_loop3A_188 : i32 to index
      %parallel_loop3A_207 = arith.constant 32 : index
      %parallel_loop3A_208 = tpu.vector_load %arg10[%parallel_loop3A_206, %parallel_loop3A_207] {strides = array<i32>} : memref<64x128xf32, #tpu.memory_space<vmem>>, vector<16xf32>,
      %parallel_loop3A_209 = arith.mulf %parallel_loop3A_205, %parallel_loop3A_208 : vector<16xf32>
      %parallel_loop3A_210 = arith.index_cast %parallel_loop3A_188 : i32 to index
      %parallel_loop3A_211 = arith.constant 48 : index
      %parallel_loop3A_212 = tpu.vector_load %arg9[%parallel_loop3A_210, %parallel_loop3A_211] {strides = array<i32>} : memref<64x128xf32, #tpu.memory_space<vmem>>, vector<16xf32>,
      %parallel_loop3A_213 = arith.index_cast %parallel_loop3A_188 : i32 to index
      %parallel_loop3A_214 = arith.constant 48 : index
      %parallel_loop3A_215 = tpu.vector_load %arg10[%parallel_loop3A_213, %parallel_loop3A_214] {strides = array<i32>} : memref<64x128xf32, #tpu.memory_space<vmem>>, vector<16xf32>,
      %parallel_loop3A_216 = arith.mulf %parallel_loop3A_212, %parallel_loop3A_215 : vector<16xf32>
      %parallel_loop3A_217 = arith.index_cast %parallel_loop3A_188 : i32 to index
      %parallel_loop3A_218 = arith.constant 64 : index
      %parallel_loop3A_219 = tpu.vector_load %arg9[%parallel_loop3A_217, %parallel_loop3A_218] {strides = array<i32>} : memref<64x128xf32, #tpu.memory_space<vmem>>, vector<16xf32>,
      %parallel_loop3A_220 = arith.index_cast %parallel_loop3A_188 : i32 to index
      %parallel_loop3A_221 = arith.constant 64 : index
      %parallel_loop3A_222 = tpu.vector_load %arg10[%parallel_loop3A_220, %parallel_loop3A_221] {strides = array<i32>} : memref<64x128xf32, #tpu.memory_space<vmem>>, vector<16xf32>,
      %parallel_loop3A_223 = arith.mulf %parallel_loop3A_219, %parallel_loop3A_222 : vector<16xf32>
      %parallel_loop3A_224 = arith.index_cast %parallel_loop3A_188 : i32 to index
      %parallel_loop3A_225 = arith.constant 80 : index
      %parallel_loop3A_226 = tpu.vector_load %arg9[%parallel_loop3A_224, %parallel_loop3A_225] {strides = array<i32>} : memref<64x128xf32, #tpu.memory_space<vmem>>, vector<16xf32>,
      %parallel_loop3A_227 = arith.index_cast %parallel_loop3A_188 : i32 to index
      %parallel_loop3A_228 = arith.constant 80 : index
      %parallel_loop3A_229 = tpu.vector_load %arg10[%parallel_loop3A_227, %parallel_loop3A_228] {strides = array<i32>} : memref<64x128xf32, #tpu.memory_space<vmem>>, vector<16xf32>,
      %parallel_loop3A_230 = arith.mulf %parallel_loop3A_226, %parallel_loop3A_229 : vector<16xf32>
      %parallel_loop3A_231 = arith.index_cast %parallel_loop3A_188 : i32 to index
      %parallel_loop3A_232 = arith.constant 96 : index
      %parallel_loop3A_233 = tpu.vector_load %arg9[%parallel_loop3A_231, %parallel_loop3A_232] {strides = array<i32>} : memref<64x128xf32, #tpu.memory_space<vmem>>, vector<16xf32>,
      %parallel_loop3A_234 = arith.index_cast %parallel_loop3A_188 : i32 to index
      %parallel_loop3A_235 = arith.constant 96 : index
      %parallel_loop3A_236 = tpu.vector_load %arg10[%parallel_loop3A_234, %parallel_loop3A_235] {strides = array<i32>} : memref<64x128xf32, #tpu.memory_space<vmem>>, vector<16xf32>,
      %parallel_loop3A_237 = arith.mulf %parallel_loop3A_233, %parallel_loop3A_236 : vector<16xf32>
      %parallel_loop3A_238 = arith.index_cast %parallel_loop3A_188 : i32 to index
      %parallel_loop3A_239 = arith.constant 112 : index
      %parallel_loop3A_240 = tpu.vector_load %arg9[%parallel_loop3A_238, %parallel_loop3A_239] {strides = array<i32>} : memref<64x128xf32, #tpu.memory_space<vmem>>, vector<16xf32>,
      %parallel_loop3A_241 = arith.index_cast %parallel_loop3A_188 : i32 to index
      %parallel_loop3A_242 = arith.constant 112 : index
      %parallel_loop3A_243 = tpu.vector_load %arg10[%parallel_loop3A_241, %parallel_loop3A_242] {strides = array<i32>} : memref<64x128xf32, #tpu.memory_space<vmem>>, vector<16xf32>,
      %parallel_loop3A_244 = arith.mulf %parallel_loop3A_240, %parallel_loop3A_243 : vector<16xf32>
      %parallel_loop3A_245 = arith.addf %parallel_loop3A_195, %parallel_loop3A_202 : vector<16xf32>
      %parallel_loop3A_246 = arith.addf %parallel_loop3A_209, %parallel_loop3A_216 : vector<16xf32>
      %parallel_loop3A_247 = arith.addf %parallel_loop3A_223, %parallel_loop3A_230 : vector<16xf32>
      %parallel_loop3A_248 = arith.addf %parallel_loop3A_237, %parallel_loop3A_244 : vector<16xf32>
      %parallel_loop3A_249 = arith.addf %parallel_loop3A_245, %parallel_loop3A_246 : vector<16xf32>
      %parallel_loop3A_250 = arith.addf %parallel_loop3A_247, %parallel_loop3A_248 : vector<16xf32>
      %parallel_loop3A_251 = arith.addf %parallel_loop3A_249, %parallel_loop3A_250 : vector<16xf32>
      %parallel_loop3A_252 = arith.constant true
      %parallel_loop3A_253 = vector.broadcast %parallel_loop3A_252 : i1 to vector<16xi1>
      %parallel_loop3A_254 = tpu.scan <sum>, %parallel_loop3A_251 masked %parallel_loop3A_253 : vector<16xf32>, vector<16xi1> -> vector<16xf32>
      %parallel_loop3A_255 = arith.constant 192 : i32
      %parallel_loop3A_256 = vector.broadcast %parallel_loop3A_255 : i32 to vector<16xi32>
      %parallel_loop3A_257 = vector.broadcast %parallel_loop3A_188 : i32 to vector<16xi32>
      %parallel_loop3A_258 = arith.addi %parallel_loop3A_256, %parallel_loop3A_257 : vector<16xi32>
      tpu.vector_store_idx %arg15[%parallel_loop3A_258], %parallel_loop3A_254 masked %eq3A : memref<512xf32, #tpu.memory_space<vmem>>[vector<16xi32>], vector<16xf32>, vector<16xi1>
    } {sc.loop_unroll_factor = 2 : i64, sc.parallel_access}
    %dma_start3A_113 = arith.constant 384 : i32
    %dma_start3A_114 = tpu.memref_slice %arg7[%dma_start3A_113] : memref<512xi32, #tpu.memory_space<vmem>> -> memref<64xi32, #tpu.memory_space<vmem>>
    %dma_start3A_115 = arith.constant 0 : i32
    %dma_start3A_116 = arith.constant 0 : i32
    %dma_start3A_117 = tpu.memref_slice %arg4[%dma_start3A_115, %dma_start3A_116] : memref<100000x128xf32, #tpu.memory_space<hbm>> -> memref<100000x128xf32, #tpu.memory_space<hbm>>
    tpu.enqueue_indirect_dma source(%dma_start3A_117 : memref<100000x128xf32, #tpu.memory_space<hbm>>) target(%arg9 : memref<64x128xf32, #tpu.memory_space<vmem>>) offsets(%dma_start3A_114 : memref<64xi32, #tpu.memory_space<vmem>>) semaphore(%arg16 : memref<!tpu.dma_semaphore, #tpu.memory_space<semaphore_mem>>)
    %dma_start3A_118 = arith.constant 384 : i32
    %dma_start3A_119 = tpu.memref_slice %arg8[%dma_start3A_118] : memref<512xi32, #tpu.memory_space<vmem>> -> memref<64xi32, #tpu.memory_space<vmem>>
    %dma_start3A_120 = arith.constant 0 : i32
    %dma_start3A_121 = arith.constant 0 : i32
    %dma_start3A_122 = tpu.memref_slice %arg5[%dma_start3A_120, %dma_start3A_121] : memref<100000x128xf32, #tpu.memory_space<hbm>> -> memref<100000x128xf32, #tpu.memory_space<hbm>>
    tpu.enqueue_indirect_dma source(%dma_start3A_122 : memref<100000x128xf32, #tpu.memory_space<hbm>>) target(%arg10 : memref<64x128xf32, #tpu.memory_space<vmem>>) offsets(%dma_start3A_119 : memref<64xi32, #tpu.memory_space<vmem>>) semaphore(%arg16 : memref<!tpu.dma_semaphore, #tpu.memory_space<semaphore_mem>>)
    %dma_wait3A_123 = arith.constant 256 : i32
    %dma_wait3A_124 = tpu.memref_slice %arg7[%dma_wait3A_123] : memref<512xi32, #tpu.memory_space<vmem>> -> memref<64xi32, #tpu.memory_space<vmem>>
    %dma_wait3A_125 = arith.constant 0 : i32
    %dma_wait3A_126 = arith.constant 0 : i32
    %dma_wait3A_127 = tpu.memref_slice %arg4[%dma_wait3A_125, %dma_wait3A_126] : memref<100000x128xf32, #tpu.memory_space<hbm>> -> memref<100000x128xf32, #tpu.memory_space<hbm>>
    tpu.wait_indirect_dma semaphore(%arg17 : memref<!tpu.dma_semaphore, #tpu.memory_space<semaphore_mem>>) src(%dma_wait3A_127 : memref<100000x128xf32, #tpu.memory_space<hbm>>) dst(%arg11 : memref<64x128xf32, #tpu.memory_space<vmem>>)
    %dma_wait3A_128 = arith.constant 256 : i32
    %dma_wait3A_129 = tpu.memref_slice %arg8[%dma_wait3A_128] : memref<512xi32, #tpu.memory_space<vmem>> -> memref<64xi32, #tpu.memory_space<vmem>>
    %dma_wait3A_130 = arith.constant 0 : i32
    %dma_wait3A_131 = arith.constant 0 : i32
    %dma_wait3A_132 = tpu.memref_slice %arg5[%dma_wait3A_130, %dma_wait3A_131] : memref<100000x128xf32, #tpu.memory_space<hbm>> -> memref<100000x128xf32, #tpu.memory_space<hbm>>
    tpu.wait_indirect_dma semaphore(%arg17 : memref<!tpu.dma_semaphore, #tpu.memory_space<semaphore_mem>>) src(%dma_wait3A_132 : memref<100000x128xf32, #tpu.memory_space<hbm>>) dst(%arg12 : memref<64x128xf32, #tpu.memory_space<vmem>>)
    %parallel_loop3A_133 = arith.constant 0 : i32
    %parallel_loop3A_134 = arith.constant 64 : i32
    %parallel_loop3A_135 = arith.constant 1 : i32
    scf.for %parallel_loop3A_188 = %parallel_loop3A_133 to %parallel_loop3A_134 step %parallel_loop3A_135  : i32 {
      %parallel_loop3A_189 = arith.index_cast %parallel_loop3A_188 : i32 to index
      %parallel_loop3A_190 = arith.constant 0 : index
      %parallel_loop3A_191 = tpu.vector_load %arg11[%parallel_loop3A_189, %parallel_loop3A_190] {strides = array<i32>} : memref<64x128xf32, #tpu.memory_space<vmem>>, vector<16xf32>,
      %parallel_loop3A_192 = arith.index_cast %parallel_loop3A_188 : i32 to index
      %parallel_loop3A_193 = arith.constant 0 : index
      %parallel_loop3A_194 = tpu.vector_load %arg12[%parallel_loop3A_192, %parallel_loop3A_193] {strides = array<i32>} : memref<64x128xf32, #tpu.memory_space<vmem>>, vector<16xf32>,
      %parallel_loop3A_195 = arith.mulf %parallel_loop3A_191, %parallel_loop3A_194 : vector<16xf32>
      %parallel_loop3A_196 = arith.index_cast %parallel_loop3A_188 : i32 to index
      %parallel_loop3A_197 = arith.constant 16 : index
      %parallel_loop3A_198 = tpu.vector_load %arg11[%parallel_loop3A_196, %parallel_loop3A_197] {strides = array<i32>} : memref<64x128xf32, #tpu.memory_space<vmem>>, vector<16xf32>,
      %parallel_loop3A_199 = arith.index_cast %parallel_loop3A_188 : i32 to index
      %parallel_loop3A_200 = arith.constant 16 : index
      %parallel_loop3A_201 = tpu.vector_load %arg12[%parallel_loop3A_199, %parallel_loop3A_200] {strides = array<i32>} : memref<64x128xf32, #tpu.memory_space<vmem>>, vector<16xf32>,
      %parallel_loop3A_202 = arith.mulf %parallel_loop3A_198, %parallel_loop3A_201 : vector<16xf32>
      %parallel_loop3A_203 = arith.index_cast %parallel_loop3A_188 : i32 to index
      %parallel_loop3A_204 = arith.constant 32 : index
      %parallel_loop3A_205 = tpu.vector_load %arg11[%parallel_loop3A_203, %parallel_loop3A_204] {strides = array<i32>} : memref<64x128xf32, #tpu.memory_space<vmem>>, vector<16xf32>,
      %parallel_loop3A_206 = arith.index_cast %parallel_loop3A_188 : i32 to index
      %parallel_loop3A_207 = arith.constant 32 : index
      %parallel_loop3A_208 = tpu.vector_load %arg12[%parallel_loop3A_206, %parallel_loop3A_207] {strides = array<i32>} : memref<64x128xf32, #tpu.memory_space<vmem>>, vector<16xf32>,
      %parallel_loop3A_209 = arith.mulf %parallel_loop3A_205, %parallel_loop3A_208 : vector<16xf32>
      %parallel_loop3A_210 = arith.index_cast %parallel_loop3A_188 : i32 to index
      %parallel_loop3A_211 = arith.constant 48 : index
      %parallel_loop3A_212 = tpu.vector_load %arg11[%parallel_loop3A_210, %parallel_loop3A_211] {strides = array<i32>} : memref<64x128xf32, #tpu.memory_space<vmem>>, vector<16xf32>,
      %parallel_loop3A_213 = arith.index_cast %parallel_loop3A_188 : i32 to index
      %parallel_loop3A_214 = arith.constant 48 : index
      %parallel_loop3A_215 = tpu.vector_load %arg12[%parallel_loop3A_213, %parallel_loop3A_214] {strides = array<i32>} : memref<64x128xf32, #tpu.memory_space<vmem>>, vector<16xf32>,
      %parallel_loop3A_216 = arith.mulf %parallel_loop3A_212, %parallel_loop3A_215 : vector<16xf32>
      %parallel_loop3A_217 = arith.index_cast %parallel_loop3A_188 : i32 to index
      %parallel_loop3A_218 = arith.constant 64 : index
      %parallel_loop3A_219 = tpu.vector_load %arg11[%parallel_loop3A_217, %parallel_loop3A_218] {strides = array<i32>} : memref<64x128xf32, #tpu.memory_space<vmem>>, vector<16xf32>,
      %parallel_loop3A_220 = arith.index_cast %parallel_loop3A_188 : i32 to index
      %parallel_loop3A_221 = arith.constant 64 : index
      %parallel_loop3A_222 = tpu.vector_load %arg12[%parallel_loop3A_220, %parallel_loop3A_221] {strides = array<i32>} : memref<64x128xf32, #tpu.memory_space<vmem>>, vector<16xf32>,
      %parallel_loop3A_223 = arith.mulf %parallel_loop3A_219, %parallel_loop3A_222 : vector<16xf32>
      %parallel_loop3A_224 = arith.index_cast %parallel_loop3A_188 : i32 to index
      %parallel_loop3A_225 = arith.constant 80 : index
      %parallel_loop3A_226 = tpu.vector_load %arg11[%parallel_loop3A_224, %parallel_loop3A_225] {strides = array<i32>} : memref<64x128xf32, #tpu.memory_space<vmem>>, vector<16xf32>,
      %parallel_loop3A_227 = arith.index_cast %parallel_loop3A_188 : i32 to index
      %parallel_loop3A_228 = arith.constant 80 : index
      %parallel_loop3A_229 = tpu.vector_load %arg12[%parallel_loop3A_227, %parallel_loop3A_228] {strides = array<i32>} : memref<64x128xf32, #tpu.memory_space<vmem>>, vector<16xf32>,
      %parallel_loop3A_230 = arith.mulf %parallel_loop3A_226, %parallel_loop3A_229 : vector<16xf32>
      %parallel_loop3A_231 = arith.index_cast %parallel_loop3A_188 : i32 to index
      %parallel_loop3A_232 = arith.constant 96 : index
      %parallel_loop3A_233 = tpu.vector_load %arg11[%parallel_loop3A_231, %parallel_loop3A_232] {strides = array<i32>} : memref<64x128xf32, #tpu.memory_space<vmem>>, vector<16xf32>,
      %parallel_loop3A_234 = arith.index_cast %parallel_loop3A_188 : i32 to index
      %parallel_loop3A_235 = arith.constant 96 : index
      %parallel_loop3A_236 = tpu.vector_load %arg12[%parallel_loop3A_234, %parallel_loop3A_235] {strides = array<i32>} : memref<64x128xf32, #tpu.memory_space<vmem>>, vector<16xf32>,
      %parallel_loop3A_237 = arith.mulf %parallel_loop3A_233, %parallel_loop3A_236 : vector<16xf32>
      %parallel_loop3A_238 = arith.index_cast %parallel_loop3A_188 : i32 to index
      %parallel_loop3A_239 = arith.constant 112 : index
      %parallel_loop3A_240 = tpu.vector_load %arg11[%parallel_loop3A_238, %parallel_loop3A_239] {strides = array<i32>} : memref<64x128xf32, #tpu.memory_space<vmem>>, vector<16xf32>,
      %parallel_loop3A_241 = arith.index_cast %parallel_loop3A_188 : i32 to index
      %parallel_loop3A_242 = arith.constant 112 : index
      %parallel_loop3A_243 = tpu.vector_load %arg12[%parallel_loop3A_241, %parallel_loop3A_242] {strides = array<i32>} : memref<64x128xf32, #tpu.memory_space<vmem>>, vector<16xf32>,
      %parallel_loop3A_244 = arith.mulf %parallel_loop3A_240, %parallel_loop3A_243 : vector<16xf32>
      %parallel_loop3A_245 = arith.addf %parallel_loop3A_195, %parallel_loop3A_202 : vector<16xf32>
      %parallel_loop3A_246 = arith.addf %parallel_loop3A_209, %parallel_loop3A_216 : vector<16xf32>
      %parallel_loop3A_247 = arith.addf %parallel_loop3A_223, %parallel_loop3A_230 : vector<16xf32>
      %parallel_loop3A_248 = arith.addf %parallel_loop3A_237, %parallel_loop3A_244 : vector<16xf32>
      %parallel_loop3A_249 = arith.addf %parallel_loop3A_245, %parallel_loop3A_246 : vector<16xf32>
      %parallel_loop3A_250 = arith.addf %parallel_loop3A_247, %parallel_loop3A_248 : vector<16xf32>
      %parallel_loop3A_251 = arith.addf %parallel_loop3A_249, %parallel_loop3A_250 : vector<16xf32>
      %parallel_loop3A_252 = arith.constant true
      %parallel_loop3A_253 = vector.broadcast %parallel_loop3A_252 : i1 to vector<16xi1>
      %parallel_loop3A_254 = tpu.scan <sum>, %parallel_loop3A_251 masked %parallel_loop3A_253 : vector<16xf32>, vector<16xi1> -> vector<16xf32>
      %parallel_loop3A_255 = arith.constant 256 : i32
      %parallel_loop3A_256 = vector.broadcast %parallel_loop3A_255 : i32 to vector<16xi32>
      %parallel_loop3A_257 = vector.broadcast %parallel_loop3A_188 : i32 to vector<16xi32>
      %parallel_loop3A_258 = arith.addi %parallel_loop3A_256, %parallel_loop3A_257 : vector<16xi32>
      tpu.vector_store_idx %arg15[%parallel_loop3A_258], %parallel_loop3A_254 masked %eq3A : memref<512xf32, #tpu.memory_space<vmem>>[vector<16xi32>], vector<16xf32>, vector<16xi1>
    } {sc.loop_unroll_factor = 2 : i64, sc.parallel_access}
    %dma_start3A_136 = arith.constant 448 : i32
    %dma_start3A_137 = tpu.memref_slice %arg7[%dma_start3A_136] : memref<512xi32, #tpu.memory_space<vmem>> -> memref<64xi32, #tpu.memory_space<vmem>>
    %dma_start3A_138 = arith.constant 0 : i32
    %dma_start3A_139 = arith.constant 0 : i32
    %dma_start3A_140 = tpu.memref_slice %arg4[%dma_start3A_138, %dma_start3A_139] : memref<100000x128xf32, #tpu.memory_space<hbm>> -> memref<100000x128xf32, #tpu.memory_space<hbm>>
    tpu.enqueue_indirect_dma source(%dma_start3A_140 : memref<100000x128xf32, #tpu.memory_space<hbm>>) target(%arg11 : memref<64x128xf32, #tpu.memory_space<vmem>>) offsets(%dma_start3A_137 : memref<64xi32, #tpu.memory_space<vmem>>) semaphore(%arg17 : memref<!tpu.dma_semaphore, #tpu.memory_space<semaphore_mem>>)
    %dma_start3A_141 = arith.constant 448 : i32
    %dma_start3A_142 = tpu.memref_slice %arg8[%dma_start3A_141] : memref<512xi32, #tpu.memory_space<vmem>> -> memref<64xi32, #tpu.memory_space<vmem>>
    %dma_start3A_143 = arith.constant 0 : i32
    %dma_start3A_144 = arith.constant 0 : i32
    %dma_start3A_145 = tpu.memref_slice %arg5[%dma_start3A_143, %dma_start3A_144] : memref<100000x128xf32, #tpu.memory_space<hbm>> -> memref<100000x128xf32, #tpu.memory_space<hbm>>
    tpu.enqueue_indirect_dma source(%dma_start3A_145 : memref<100000x128xf32, #tpu.memory_space<hbm>>) target(%arg12 : memref<64x128xf32, #tpu.memory_space<vmem>>) offsets(%dma_start3A_142 : memref<64xi32, #tpu.memory_space<vmem>>) semaphore(%arg17 : memref<!tpu.dma_semaphore, #tpu.memory_space<semaphore_mem>>)
    %dma_wait3A_146 = arith.constant 320 : i32
    %dma_wait3A_147 = tpu.memref_slice %arg7[%dma_wait3A_146] : memref<512xi32, #tpu.memory_space<vmem>> -> memref<64xi32, #tpu.memory_space<vmem>>
    %dma_wait3A_148 = arith.constant 0 : i32
    %dma_wait3A_149 = arith.constant 0 : i32
    %dma_wait3A_150 = tpu.memref_slice %arg4[%dma_wait3A_148, %dma_wait3A_149] : memref<100000x128xf32, #tpu.memory_space<hbm>> -> memref<100000x128xf32, #tpu.memory_space<hbm>>
    tpu.wait_indirect_dma semaphore(%arg18 : memref<!tpu.dma_semaphore, #tpu.memory_space<semaphore_mem>>) src(%dma_wait3A_150 : memref<100000x128xf32, #tpu.memory_space<hbm>>) dst(%arg13 : memref<64x128xf32, #tpu.memory_space<vmem>>)
    %dma_wait3A_151 = arith.constant 320 : i32
    %dma_wait3A_152 = tpu.memref_slice %arg8[%dma_wait3A_151] : memref<512xi32, #tpu.memory_space<vmem>> -> memref<64xi32, #tpu.memory_space<vmem>>
    %dma_wait3A_153 = arith.constant 0 : i32
    %dma_wait3A_154 = arith.constant 0 : i32
    %dma_wait3A_155 = tpu.memref_slice %arg5[%dma_wait3A_153, %dma_wait3A_154] : memref<100000x128xf32, #tpu.memory_space<hbm>> -> memref<100000x128xf32, #tpu.memory_space<hbm>>
    tpu.wait_indirect_dma semaphore(%arg18 : memref<!tpu.dma_semaphore, #tpu.memory_space<semaphore_mem>>) src(%dma_wait3A_155 : memref<100000x128xf32, #tpu.memory_space<hbm>>) dst(%arg14 : memref<64x128xf32, #tpu.memory_space<vmem>>)
    %parallel_loop3A_156 = arith.constant 0 : i32
    %parallel_loop3A_157 = arith.constant 64 : i32
    %parallel_loop3A_158 = arith.constant 1 : i32
    scf.for %parallel_loop3A_188 = %parallel_loop3A_156 to %parallel_loop3A_157 step %parallel_loop3A_158  : i32 {
      %parallel_loop3A_189 = arith.index_cast %parallel_loop3A_188 : i32 to index
      %parallel_loop3A_190 = arith.constant 0 : index
      %parallel_loop3A_191 = tpu.vector_load %arg13[%parallel_loop3A_189, %parallel_loop3A_190] {strides = array<i32>} : memref<64x128xf32, #tpu.memory_space<vmem>>, vector<16xf32>,
      %parallel_loop3A_192 = arith.index_cast %parallel_loop3A_188 : i32 to index
      %parallel_loop3A_193 = arith.constant 0 : index
      %parallel_loop3A_194 = tpu.vector_load %arg14[%parallel_loop3A_192, %parallel_loop3A_193] {strides = array<i32>} : memref<64x128xf32, #tpu.memory_space<vmem>>, vector<16xf32>,
      %parallel_loop3A_195 = arith.mulf %parallel_loop3A_191, %parallel_loop3A_194 : vector<16xf32>
      %parallel_loop3A_196 = arith.index_cast %parallel_loop3A_188 : i32 to index
      %parallel_loop3A_197 = arith.constant 16 : index
      %parallel_loop3A_198 = tpu.vector_load %arg13[%parallel_loop3A_196, %parallel_loop3A_197] {strides = array<i32>} : memref<64x128xf32, #tpu.memory_space<vmem>>, vector<16xf32>,
      %parallel_loop3A_199 = arith.index_cast %parallel_loop3A_188 : i32 to index
      %parallel_loop3A_200 = arith.constant 16 : index
      %parallel_loop3A_201 = tpu.vector_load %arg14[%parallel_loop3A_199, %parallel_loop3A_200] {strides = array<i32>} : memref<64x128xf32, #tpu.memory_space<vmem>>, vector<16xf32>,
      %parallel_loop3A_202 = arith.mulf %parallel_loop3A_198, %parallel_loop3A_201 : vector<16xf32>
      %parallel_loop3A_203 = arith.index_cast %parallel_loop3A_188 : i32 to index
      %parallel_loop3A_204 = arith.constant 32 : index
      %parallel_loop3A_205 = tpu.vector_load %arg13[%parallel_loop3A_203, %parallel_loop3A_204] {strides = array<i32>} : memref<64x128xf32, #tpu.memory_space<vmem>>, vector<16xf32>,
      %parallel_loop3A_206 = arith.index_cast %parallel_loop3A_188 : i32 to index
      %parallel_loop3A_207 = arith.constant 32 : index
      %parallel_loop3A_208 = tpu.vector_load %arg14[%parallel_loop3A_206, %parallel_loop3A_207] {strides = array<i32>} : memref<64x128xf32, #tpu.memory_space<vmem>>, vector<16xf32>,
      %parallel_loop3A_209 = arith.mulf %parallel_loop3A_205, %parallel_loop3A_208 : vector<16xf32>
      %parallel_loop3A_210 = arith.index_cast %parallel_loop3A_188 : i32 to index
      %parallel_loop3A_211 = arith.constant 48 : index
      %parallel_loop3A_212 = tpu.vector_load %arg13[%parallel_loop3A_210, %parallel_loop3A_211] {strides = array<i32>} : memref<64x128xf32, #tpu.memory_space<vmem>>, vector<16xf32>,
      %parallel_loop3A_213 = arith.index_cast %parallel_loop3A_188 : i32 to index
      %parallel_loop3A_214 = arith.constant 48 : index
      %parallel_loop3A_215 = tpu.vector_load %arg14[%parallel_loop3A_213, %parallel_loop3A_214] {strides = array<i32>} : memref<64x128xf32, #tpu.memory_space<vmem>>, vector<16xf32>,
      %parallel_loop3A_216 = arith.mulf %parallel_loop3A_212, %parallel_loop3A_215 : vector<16xf32>
      %parallel_loop3A_217 = arith.index_cast %parallel_loop3A_188 : i32 to index
      %parallel_loop3A_218 = arith.constant 64 : index
      %parallel_loop3A_219 = tpu.vector_load %arg13[%parallel_loop3A_217, %parallel_loop3A_218] {strides = array<i32>} : memref<64x128xf32, #tpu.memory_space<vmem>>, vector<16xf32>,
      %parallel_loop3A_220 = arith.index_cast %parallel_loop3A_188 : i32 to index
      %parallel_loop3A_221 = arith.constant 64 : index
      %parallel_loop3A_222 = tpu.vector_load %arg14[%parallel_loop3A_220, %parallel_loop3A_221] {strides = array<i32>} : memref<64x128xf32, #tpu.memory_space<vmem>>, vector<16xf32>,
      %parallel_loop3A_223 = arith.mulf %parallel_loop3A_219, %parallel_loop3A_222 : vector<16xf32>
      %parallel_loop3A_224 = arith.index_cast %parallel_loop3A_188 : i32 to index
      %parallel_loop3A_225 = arith.constant 80 : index
      %parallel_loop3A_226 = tpu.vector_load %arg13[%parallel_loop3A_224, %parallel_loop3A_225] {strides = array<i32>} : memref<64x128xf32, #tpu.memory_space<vmem>>, vector<16xf32>,
      %parallel_loop3A_227 = arith.index_cast %parallel_loop3A_188 : i32 to index
      %parallel_loop3A_228 = arith.constant 80 : index
      %parallel_loop3A_229 = tpu.vector_load %arg14[%parallel_loop3A_227, %parallel_loop3A_228] {strides = array<i32>} : memref<64x128xf32, #tpu.memory_space<vmem>>, vector<16xf32>,
      %parallel_loop3A_230 = arith.mulf %parallel_loop3A_226, %parallel_loop3A_229 : vector<16xf32>
      %parallel_loop3A_231 = arith.index_cast %parallel_loop3A_188 : i32 to index
      %parallel_loop3A_232 = arith.constant 96 : index
      %parallel_loop3A_233 = tpu.vector_load %arg13[%parallel_loop3A_231, %parallel_loop3A_232] {strides = array<i32>} : memref<64x128xf32, #tpu.memory_space<vmem>>, vector<16xf32>,
      %parallel_loop3A_234 = arith.index_cast %parallel_loop3A_188 : i32 to index
      %parallel_loop3A_235 = arith.constant 96 : index
      %parallel_loop3A_236 = tpu.vector_load %arg14[%parallel_loop3A_234, %parallel_loop3A_235] {strides = array<i32>} : memref<64x128xf32, #tpu.memory_space<vmem>>, vector<16xf32>,
      %parallel_loop3A_237 = arith.mulf %parallel_loop3A_233, %parallel_loop3A_236 : vector<16xf32>
      %parallel_loop3A_238 = arith.index_cast %parallel_loop3A_188 : i32 to index
      %parallel_loop3A_239 = arith.constant 112 : index
      %parallel_loop3A_240 = tpu.vector_load %arg13[%parallel_loop3A_238, %parallel_loop3A_239] {strides = array<i32>} : memref<64x128xf32, #tpu.memory_space<vmem>>, vector<16xf32>,
      %parallel_loop3A_241 = arith.index_cast %parallel_loop3A_188 : i32 to index
      %parallel_loop3A_242 = arith.constant 112 : index
      %parallel_loop3A_243 = tpu.vector_load %arg14[%parallel_loop3A_241, %parallel_loop3A_242] {strides = array<i32>} : memref<64x128xf32, #tpu.memory_space<vmem>>, vector<16xf32>,
      %parallel_loop3A_244 = arith.mulf %parallel_loop3A_240, %parallel_loop3A_243 : vector<16xf32>
      %parallel_loop3A_245 = arith.addf %parallel_loop3A_195, %parallel_loop3A_202 : vector<16xf32>
      %parallel_loop3A_246 = arith.addf %parallel_loop3A_209, %parallel_loop3A_216 : vector<16xf32>
      %parallel_loop3A_247 = arith.addf %parallel_loop3A_223, %parallel_loop3A_230 : vector<16xf32>
      %parallel_loop3A_248 = arith.addf %parallel_loop3A_237, %parallel_loop3A_244 : vector<16xf32>
      %parallel_loop3A_249 = arith.addf %parallel_loop3A_245, %parallel_loop3A_246 : vector<16xf32>
      %parallel_loop3A_250 = arith.addf %parallel_loop3A_247, %parallel_loop3A_248 : vector<16xf32>
      %parallel_loop3A_251 = arith.addf %parallel_loop3A_249, %parallel_loop3A_250 : vector<16xf32>
      %parallel_loop3A_252 = arith.constant true
      %parallel_loop3A_253 = vector.broadcast %parallel_loop3A_252 : i1 to vector<16xi1>
      %parallel_loop3A_254 = tpu.scan <sum>, %parallel_loop3A_251 masked %parallel_loop3A_253 : vector<16xf32>, vector<16xi1> -> vector<16xf32>
      %parallel_loop3A_255 = arith.constant 320 : i32
      %parallel_loop3A_256 = vector.broadcast %parallel_loop3A_255 : i32 to vector<16xi32>
      %parallel_loop3A_257 = vector.broadcast %parallel_loop3A_188 : i32 to vector<16xi32>
      %parallel_loop3A_258 = arith.addi %parallel_loop3A_256, %parallel_loop3A_257 : vector<16xi32>
      tpu.vector_store_idx %arg15[%parallel_loop3A_258], %parallel_loop3A_254 masked %eq3A : memref<512xf32, #tpu.memory_space<vmem>>[vector<16xi32>], vector<16xf32>, vector<16xi1>
    } {sc.loop_unroll_factor = 2 : i64, sc.parallel_access}
    %dma_wait3A_159 = arith.constant 384 : i32
    %dma_wait3A_160 = tpu.memref_slice %arg7[%dma_wait3A_159] : memref<512xi32, #tpu.memory_space<vmem>> -> memref<64xi32, #tpu.memory_space<vmem>>
    %dma_wait3A_161 = arith.constant 0 : i32
    %dma_wait3A_162 = arith.constant 0 : i32
    %dma_wait3A_163 = tpu.memref_slice %arg4[%dma_wait3A_161, %dma_wait3A_162] : memref<100000x128xf32, #tpu.memory_space<hbm>> -> memref<100000x128xf32, #tpu.memory_space<hbm>>
    tpu.wait_indirect_dma semaphore(%arg16 : memref<!tpu.dma_semaphore, #tpu.memory_space<semaphore_mem>>) src(%dma_wait3A_163 : memref<100000x128xf32, #tpu.memory_space<hbm>>) dst(%arg9 : memref<64x128xf32, #tpu.memory_space<vmem>>)
    %dma_wait3A_164 = arith.constant 384 : i32
    %dma_wait3A_165 = tpu.memref_slice %arg8[%dma_wait3A_164] : memref<512xi32, #tpu.memory_space<vmem>> -> memref<64xi32, #tpu.memory_space<vmem>>
    %dma_wait3A_166 = arith.constant 0 : i32
    %dma_wait3A_167 = arith.constant 0 : i32
    %dma_wait3A_168 = tpu.memref_slice %arg5[%dma_wait3A_166, %dma_wait3A_167] : memref<100000x128xf32, #tpu.memory_space<hbm>> -> memref<100000x128xf32, #tpu.memory_space<hbm>>
    tpu.wait_indirect_dma semaphore(%arg16 : memref<!tpu.dma_semaphore, #tpu.memory_space<semaphore_mem>>) src(%dma_wait3A_168 : memref<100000x128xf32, #tpu.memory_space<hbm>>) dst(%arg10 : memref<64x128xf32, #tpu.memory_space<vmem>>)
    %parallel_loop3A_169 = arith.constant 0 : i32
    %parallel_loop3A_170 = arith.constant 64 : i32
    %parallel_loop3A_171 = arith.constant 1 : i32
    scf.for %parallel_loop3A_188 = %parallel_loop3A_169 to %parallel_loop3A_170 step %parallel_loop3A_171  : i32 {
      %parallel_loop3A_189 = arith.index_cast %parallel_loop3A_188 : i32 to index
      %parallel_loop3A_190 = arith.constant 0 : index
      %parallel_loop3A_191 = tpu.vector_load %arg9[%parallel_loop3A_189, %parallel_loop3A_190] {strides = array<i32>} : memref<64x128xf32, #tpu.memory_space<vmem>>, vector<16xf32>,
      %parallel_loop3A_192 = arith.index_cast %parallel_loop3A_188 : i32 to index
      %parallel_loop3A_193 = arith.constant 0 : index
      %parallel_loop3A_194 = tpu.vector_load %arg10[%parallel_loop3A_192, %parallel_loop3A_193] {strides = array<i32>} : memref<64x128xf32, #tpu.memory_space<vmem>>, vector<16xf32>,
      %parallel_loop3A_195 = arith.mulf %parallel_loop3A_191, %parallel_loop3A_194 : vector<16xf32>
      %parallel_loop3A_196 = arith.index_cast %parallel_loop3A_188 : i32 to index
      %parallel_loop3A_197 = arith.constant 16 : index
      %parallel_loop3A_198 = tpu.vector_load %arg9[%parallel_loop3A_196, %parallel_loop3A_197] {strides = array<i32>} : memref<64x128xf32, #tpu.memory_space<vmem>>, vector<16xf32>,
      %parallel_loop3A_199 = arith.index_cast %parallel_loop3A_188 : i32 to index
      %parallel_loop3A_200 = arith.constant 16 : index
      %parallel_loop3A_201 = tpu.vector_load %arg10[%parallel_loop3A_199, %parallel_loop3A_200] {strides = array<i32>} : memref<64x128xf32, #tpu.memory_space<vmem>>, vector<16xf32>,
      %parallel_loop3A_202 = arith.mulf %parallel_loop3A_198, %parallel_loop3A_201 : vector<16xf32>
      %parallel_loop3A_203 = arith.index_cast %parallel_loop3A_188 : i32 to index
      %parallel_loop3A_204 = arith.constant 32 : index
      %parallel_loop3A_205 = tpu.vector_load %arg9[%parallel_loop3A_203, %parallel_loop3A_204] {strides = array<i32>} : memref<64x128xf32, #tpu.memory_space<vmem>>, vector<16xf32>,
      %parallel_loop3A_206 = arith.index_cast %parallel_loop3A_188 : i32 to index
      %parallel_loop3A_207 = arith.constant 32 : index
      %parallel_loop3A_208 = tpu.vector_load %arg10[%parallel_loop3A_206, %parallel_loop3A_207] {strides = array<i32>} : memref<64x128xf32, #tpu.memory_space<vmem>>, vector<16xf32>,
      %parallel_loop3A_209 = arith.mulf %parallel_loop3A_205, %parallel_loop3A_208 : vector<16xf32>
      %parallel_loop3A_210 = arith.index_cast %parallel_loop3A_188 : i32 to index
      %parallel_loop3A_211 = arith.constant 48 : index
      %parallel_loop3A_212 = tpu.vector_load %arg9[%parallel_loop3A_210, %parallel_loop3A_211] {strides = array<i32>} : memref<64x128xf32, #tpu.memory_space<vmem>>, vector<16xf32>,
      %parallel_loop3A_213 = arith.index_cast %parallel_loop3A_188 : i32 to index
      %parallel_loop3A_214 = arith.constant 48 : index
      %parallel_loop3A_215 = tpu.vector_load %arg10[%parallel_loop3A_213, %parallel_loop3A_214] {strides = array<i32>} : memref<64x128xf32, #tpu.memory_space<vmem>>, vector<16xf32>,
      %parallel_loop3A_216 = arith.mulf %parallel_loop3A_212, %parallel_loop3A_215 : vector<16xf32>
      %parallel_loop3A_217 = arith.index_cast %parallel_loop3A_188 : i32 to index
      %parallel_loop3A_218 = arith.constant 64 : index
      %parallel_loop3A_219 = tpu.vector_load %arg9[%parallel_loop3A_217, %parallel_loop3A_218] {strides = array<i32>} : memref<64x128xf32, #tpu.memory_space<vmem>>, vector<16xf32>,
      %parallel_loop3A_220 = arith.index_cast %parallel_loop3A_188 : i32 to index
      %parallel_loop3A_221 = arith.constant 64 : index
      %parallel_loop3A_222 = tpu.vector_load %arg10[%parallel_loop3A_220, %parallel_loop3A_221] {strides = array<i32>} : memref<64x128xf32, #tpu.memory_space<vmem>>, vector<16xf32>,
      %parallel_loop3A_223 = arith.mulf %parallel_loop3A_219, %parallel_loop3A_222 : vector<16xf32>
      %parallel_loop3A_224 = arith.index_cast %parallel_loop3A_188 : i32 to index
      %parallel_loop3A_225 = arith.constant 80 : index
      %parallel_loop3A_226 = tpu.vector_load %arg9[%parallel_loop3A_224, %parallel_loop3A_225] {strides = array<i32>} : memref<64x128xf32, #tpu.memory_space<vmem>>, vector<16xf32>,
      %parallel_loop3A_227 = arith.index_cast %parallel_loop3A_188 : i32 to index
      %parallel_loop3A_228 = arith.constant 80 : index
      %parallel_loop3A_229 = tpu.vector_load %arg10[%parallel_loop3A_227, %parallel_loop3A_228] {strides = array<i32>} : memref<64x128xf32, #tpu.memory_space<vmem>>, vector<16xf32>,
      %parallel_loop3A_230 = arith.mulf %parallel_loop3A_226, %parallel_loop3A_229 : vector<16xf32>
      %parallel_loop3A_231 = arith.index_cast %parallel_loop3A_188 : i32 to index
      %parallel_loop3A_232 = arith.constant 96 : index
      %parallel_loop3A_233 = tpu.vector_load %arg9[%parallel_loop3A_231, %parallel_loop3A_232] {strides = array<i32>} : memref<64x128xf32, #tpu.memory_space<vmem>>, vector<16xf32>,
      %parallel_loop3A_234 = arith.index_cast %parallel_loop3A_188 : i32 to index
      %parallel_loop3A_235 = arith.constant 96 : index
      %parallel_loop3A_236 = tpu.vector_load %arg10[%parallel_loop3A_234, %parallel_loop3A_235] {strides = array<i32>} : memref<64x128xf32, #tpu.memory_space<vmem>>, vector<16xf32>,
      %parallel_loop3A_237 = arith.mulf %parallel_loop3A_233, %parallel_loop3A_236 : vector<16xf32>
      %parallel_loop3A_238 = arith.index_cast %parallel_loop3A_188 : i32 to index
      %parallel_loop3A_239 = arith.constant 112 : index
      %parallel_loop3A_240 = tpu.vector_load %arg9[%parallel_loop3A_238, %parallel_loop3A_239] {strides = array<i32>} : memref<64x128xf32, #tpu.memory_space<vmem>>, vector<16xf32>,
      %parallel_loop3A_241 = arith.index_cast %parallel_loop3A_188 : i32 to index
      %parallel_loop3A_242 = arith.constant 112 : index
      %parallel_loop3A_243 = tpu.vector_load %arg10[%parallel_loop3A_241, %parallel_loop3A_242] {strides = array<i32>} : memref<64x128xf32, #tpu.memory_space<vmem>>, vector<16xf32>,
      %parallel_loop3A_244 = arith.mulf %parallel_loop3A_240, %parallel_loop3A_243 : vector<16xf32>
      %parallel_loop3A_245 = arith.addf %parallel_loop3A_195, %parallel_loop3A_202 : vector<16xf32>
      %parallel_loop3A_246 = arith.addf %parallel_loop3A_209, %parallel_loop3A_216 : vector<16xf32>
      %parallel_loop3A_247 = arith.addf %parallel_loop3A_223, %parallel_loop3A_230 : vector<16xf32>
      %parallel_loop3A_248 = arith.addf %parallel_loop3A_237, %parallel_loop3A_244 : vector<16xf32>
      %parallel_loop3A_249 = arith.addf %parallel_loop3A_245, %parallel_loop3A_246 : vector<16xf32>
      %parallel_loop3A_250 = arith.addf %parallel_loop3A_247, %parallel_loop3A_248 : vector<16xf32>
      %parallel_loop3A_251 = arith.addf %parallel_loop3A_249, %parallel_loop3A_250 : vector<16xf32>
      %parallel_loop3A_252 = arith.constant true
      %parallel_loop3A_253 = vector.broadcast %parallel_loop3A_252 : i1 to vector<16xi1>
      %parallel_loop3A_254 = tpu.scan <sum>, %parallel_loop3A_251 masked %parallel_loop3A_253 : vector<16xf32>, vector<16xi1> -> vector<16xf32>
      %parallel_loop3A_255 = arith.constant 384 : i32
      %parallel_loop3A_256 = vector.broadcast %parallel_loop3A_255 : i32 to vector<16xi32>
      %parallel_loop3A_257 = vector.broadcast %parallel_loop3A_188 : i32 to vector<16xi32>
      %parallel_loop3A_258 = arith.addi %parallel_loop3A_256, %parallel_loop3A_257 : vector<16xi32>
      tpu.vector_store_idx %arg15[%parallel_loop3A_258], %parallel_loop3A_254 masked %eq3A : memref<512xf32, #tpu.memory_space<vmem>>[vector<16xi32>], vector<16xf32>, vector<16xi1>
    } {sc.loop_unroll_factor = 2 : i64, sc.parallel_access}
    %dma_wait3A_172 = arith.constant 448 : i32
    %dma_wait3A_173 = tpu.memref_slice %arg7[%dma_wait3A_172] : memref<512xi32, #tpu.memory_space<vmem>> -> memref<64xi32, #tpu.memory_space<vmem>>
    %dma_wait3A_174 = arith.constant 0 : i32
    %dma_wait3A_175 = arith.constant 0 : i32
    %dma_wait3A_176 = tpu.memref_slice %arg4[%dma_wait3A_174, %dma_wait3A_175] : memref<100000x128xf32, #tpu.memory_space<hbm>> -> memref<100000x128xf32, #tpu.memory_space<hbm>>
    tpu.wait_indirect_dma semaphore(%arg17 : memref<!tpu.dma_semaphore, #tpu.memory_space<semaphore_mem>>) src(%dma_wait3A_176 : memref<100000x128xf32, #tpu.memory_space<hbm>>) dst(%arg11 : memref<64x128xf32, #tpu.memory_space<vmem>>)
    %dma_wait3A_177 = arith.constant 448 : i32
    %dma_wait3A_178 = tpu.memref_slice %arg8[%dma_wait3A_177] : memref<512xi32, #tpu.memory_space<vmem>> -> memref<64xi32, #tpu.memory_space<vmem>>
    %dma_wait3A_179 = arith.constant 0 : i32
    %dma_wait3A_180 = arith.constant 0 : i32
    %dma_wait3A_181 = tpu.memref_slice %arg5[%dma_wait3A_179, %dma_wait3A_180] : memref<100000x128xf32, #tpu.memory_space<hbm>> -> memref<100000x128xf32, #tpu.memory_space<hbm>>
    tpu.wait_indirect_dma semaphore(%arg17 : memref<!tpu.dma_semaphore, #tpu.memory_space<semaphore_mem>>) src(%dma_wait3A_181 : memref<100000x128xf32, #tpu.memory_space<hbm>>) dst(%arg12 : memref<64x128xf32, #tpu.memory_space<vmem>>)
    %parallel_loop3A_182 = arith.constant 0 : i32
    %parallel_loop3A_183 = arith.constant 64 : i32
    %parallel_loop3A_184 = arith.constant 1 : i32
    scf.for %parallel_loop3A_188 = %parallel_loop3A_182 to %parallel_loop3A_183 step %parallel_loop3A_184  : i32 {
      %parallel_loop3A_189 = arith.index_cast %parallel_loop3A_188 : i32 to index
      %parallel_loop3A_190 = arith.constant 0 : index
      %parallel_loop3A_191 = tpu.vector_load %arg11[%parallel_loop3A_189, %parallel_loop3A_190] {strides = array<i32>} : memref<64x128xf32, #tpu.memory_space<vmem>>, vector<16xf32>,
      %parallel_loop3A_192 = arith.index_cast %parallel_loop3A_188 : i32 to index
      %parallel_loop3A_193 = arith.constant 0 : index
      %parallel_loop3A_194 = tpu.vector_load %arg12[%parallel_loop3A_192, %parallel_loop3A_193] {strides = array<i32>} : memref<64x128xf32, #tpu.memory_space<vmem>>, vector<16xf32>,
      %parallel_loop3A_195 = arith.mulf %parallel_loop3A_191, %parallel_loop3A_194 : vector<16xf32>
      %parallel_loop3A_196 = arith.index_cast %parallel_loop3A_188 : i32 to index
      %parallel_loop3A_197 = arith.constant 16 : index
      %parallel_loop3A_198 = tpu.vector_load %arg11[%parallel_loop3A_196, %parallel_loop3A_197] {strides = array<i32>} : memref<64x128xf32, #tpu.memory_space<vmem>>, vector<16xf32>,
      %parallel_loop3A_199 = arith.index_cast %parallel_loop3A_188 : i32 to index
      %parallel_loop3A_200 = arith.constant 16 : index
      %parallel_loop3A_201 = tpu.vector_load %arg12[%parallel_loop3A_199, %parallel_loop3A_200] {strides = array<i32>} : memref<64x128xf32, #tpu.memory_space<vmem>>, vector<16xf32>,
      %parallel_loop3A_202 = arith.mulf %parallel_loop3A_198, %parallel_loop3A_201 : vector<16xf32>
      %parallel_loop3A_203 = arith.index_cast %parallel_loop3A_188 : i32 to index
      %parallel_loop3A_204 = arith.constant 32 : index
      %parallel_loop3A_205 = tpu.vector_load %arg11[%parallel_loop3A_203, %parallel_loop3A_204] {strides = array<i32>} : memref<64x128xf32, #tpu.memory_space<vmem>>, vector<16xf32>,
      %parallel_loop3A_206 = arith.index_cast %parallel_loop3A_188 : i32 to index
      %parallel_loop3A_207 = arith.constant 32 : index
      %parallel_loop3A_208 = tpu.vector_load %arg12[%parallel_loop3A_206, %parallel_loop3A_207] {strides = array<i32>} : memref<64x128xf32, #tpu.memory_space<vmem>>, vector<16xf32>,
      %parallel_loop3A_209 = arith.mulf %parallel_loop3A_205, %parallel_loop3A_208 : vector<16xf32>
      %parallel_loop3A_210 = arith.index_cast %parallel_loop3A_188 : i32 to index
      %parallel_loop3A_211 = arith.constant 48 : index
      %parallel_loop3A_212 = tpu.vector_load %arg11[%parallel_loop3A_210, %parallel_loop3A_211] {strides = array<i32>} : memref<64x128xf32, #tpu.memory_space<vmem>>, vector<16xf32>,
      %parallel_loop3A_213 = arith.index_cast %parallel_loop3A_188 : i32 to index
      %parallel_loop3A_214 = arith.constant 48 : index
      %parallel_loop3A_215 = tpu.vector_load %arg12[%parallel_loop3A_213, %parallel_loop3A_214] {strides = array<i32>} : memref<64x128xf32, #tpu.memory_space<vmem>>, vector<16xf32>,
      %parallel_loop3A_216 = arith.mulf %parallel_loop3A_212, %parallel_loop3A_215 : vector<16xf32>
      %parallel_loop3A_217 = arith.index_cast %parallel_loop3A_188 : i32 to index
      %parallel_loop3A_218 = arith.constant 64 : index
      %parallel_loop3A_219 = tpu.vector_load %arg11[%parallel_loop3A_217, %parallel_loop3A_218] {strides = array<i32>} : memref<64x128xf32, #tpu.memory_space<vmem>>, vector<16xf32>,
      %parallel_loop3A_220 = arith.index_cast %parallel_loop3A_188 : i32 to index
      %parallel_loop3A_221 = arith.constant 64 : index
      %parallel_loop3A_222 = tpu.vector_load %arg12[%parallel_loop3A_220, %parallel_loop3A_221] {strides = array<i32>} : memref<64x128xf32, #tpu.memory_space<vmem>>, vector<16xf32>,
      %parallel_loop3A_223 = arith.mulf %parallel_loop3A_219, %parallel_loop3A_222 : vector<16xf32>
      %parallel_loop3A_224 = arith.index_cast %parallel_loop3A_188 : i32 to index
      %parallel_loop3A_225 = arith.constant 80 : index
      %parallel_loop3A_226 = tpu.vector_load %arg11[%parallel_loop3A_224, %parallel_loop3A_225] {strides = array<i32>} : memref<64x128xf32, #tpu.memory_space<vmem>>, vector<16xf32>,
      %parallel_loop3A_227 = arith.index_cast %parallel_loop3A_188 : i32 to index
      %parallel_loop3A_228 = arith.constant 80 : index
      %parallel_loop3A_229 = tpu.vector_load %arg12[%parallel_loop3A_227, %parallel_loop3A_228] {strides = array<i32>} : memref<64x128xf32, #tpu.memory_space<vmem>>, vector<16xf32>,
      %parallel_loop3A_230 = arith.mulf %parallel_loop3A_226, %parallel_loop3A_229 : vector<16xf32>
      %parallel_loop3A_231 = arith.index_cast %parallel_loop3A_188 : i32 to index
      %parallel_loop3A_232 = arith.constant 96 : index
      %parallel_loop3A_233 = tpu.vector_load %arg11[%parallel_loop3A_231, %parallel_loop3A_232] {strides = array<i32>} : memref<64x128xf32, #tpu.memory_space<vmem>>, vector<16xf32>,
      %parallel_loop3A_234 = arith.index_cast %parallel_loop3A_188 : i32 to index
      %parallel_loop3A_235 = arith.constant 96 : index
      %parallel_loop3A_236 = tpu.vector_load %arg12[%parallel_loop3A_234, %parallel_loop3A_235] {strides = array<i32>} : memref<64x128xf32, #tpu.memory_space<vmem>>, vector<16xf32>,
      %parallel_loop3A_237 = arith.mulf %parallel_loop3A_233, %parallel_loop3A_236 : vector<16xf32>
      %parallel_loop3A_238 = arith.index_cast %parallel_loop3A_188 : i32 to index
      %parallel_loop3A_239 = arith.constant 112 : index
      %parallel_loop3A_240 = tpu.vector_load %arg11[%parallel_loop3A_238, %parallel_loop3A_239] {strides = array<i32>} : memref<64x128xf32, #tpu.memory_space<vmem>>, vector<16xf32>,
      %parallel_loop3A_241 = arith.index_cast %parallel_loop3A_188 : i32 to index
      %parallel_loop3A_242 = arith.constant 112 : index
      %parallel_loop3A_243 = tpu.vector_load %arg12[%parallel_loop3A_241, %parallel_loop3A_242] {strides = array<i32>} : memref<64x128xf32, #tpu.memory_space<vmem>>, vector<16xf32>,
      %parallel_loop3A_244 = arith.mulf %parallel_loop3A_240, %parallel_loop3A_243 : vector<16xf32>
      %parallel_loop3A_245 = arith.addf %parallel_loop3A_195, %parallel_loop3A_202 : vector<16xf32>
      %parallel_loop3A_246 = arith.addf %parallel_loop3A_209, %parallel_loop3A_216 : vector<16xf32>
      %parallel_loop3A_247 = arith.addf %parallel_loop3A_223, %parallel_loop3A_230 : vector<16xf32>
      %parallel_loop3A_248 = arith.addf %parallel_loop3A_237, %parallel_loop3A_244 : vector<16xf32>
      %parallel_loop3A_249 = arith.addf %parallel_loop3A_245, %parallel_loop3A_246 : vector<16xf32>
      %parallel_loop3A_250 = arith.addf %parallel_loop3A_247, %parallel_loop3A_248 : vector<16xf32>
      %parallel_loop3A_251 = arith.addf %parallel_loop3A_249, %parallel_loop3A_250 : vector<16xf32>
      %parallel_loop3A_252 = arith.constant true
      %parallel_loop3A_253 = vector.broadcast %parallel_loop3A_252 : i1 to vector<16xi1>
      %parallel_loop3A_254 = tpu.scan <sum>, %parallel_loop3A_251 masked %parallel_loop3A_253 : vector<16xf32>, vector<16xi1> -> vector<16xf32>
      %parallel_loop3A_255 = arith.constant 448 : i32
      %parallel_loop3A_256 = vector.broadcast %parallel_loop3A_255 : i32 to vector<16xi32>
      %parallel_loop3A_257 = vector.broadcast %parallel_loop3A_188 : i32 to vector<16xi32>
      %parallel_loop3A_258 = arith.addi %parallel_loop3A_256, %parallel_loop3A_257 : vector<16xi32>
      tpu.vector_store_idx %arg15[%parallel_loop3A_258], %parallel_loop3A_254 masked %eq3A : memref<512xf32, #tpu.memory_space<vmem>>[vector<16xi32>], vector<16xf32>, vector<16xi1>
    } {sc.loop_unroll_factor = 2 : i64, sc.parallel_access}
    %parallel_loop3A_185 = arith.constant 0 : i32
    %parallel_loop3A_186 = arith.constant 32 : i32
    %parallel_loop3A_187 = arith.constant 1 : i32
    scf.for %parallel_loop3A_188 = %parallel_loop3A_185 to %parallel_loop3A_186 step %parallel_loop3A_187  : i32 {
      %parallel_loop3A_189 = arith.constant 16 : i32
      %parallel_loop3A_190 = arith.muli %parallel_loop3A_188, %parallel_loop3A_189 : i32
      %parallel_loop3A_191 = arith.index_cast %parallel_loop3A_190 : i32 to index
      %parallel_loop3A_192 = tpu.vector_load %arg15[%parallel_loop3A_191] {strides = array<i32>} : memref<512xf32, #tpu.memory_space<vmem>>, vector<16xf32>,
      %parallel_loop3A_193 = arith.constant 0.000000e+00 : f32
      %parallel_loop3A_194 = vector.broadcast %parallel_loop3A_193 : f32 to vector<16xf32>
      %parallel_loop3A_195 = arith.subf %parallel_loop3A_194, %parallel_loop3A_192 : vector<16xf32>
      %parallel_loop3A_196 = math.exp %parallel_loop3A_195 : vector<16xf32>
      %parallel_loop3A_197 = arith.constant 1.000000e+00 : f32
      %parallel_loop3A_198 = vector.broadcast %parallel_loop3A_197 : f32 to vector<16xf32>
      %parallel_loop3A_199 = arith.addf %parallel_loop3A_198, %parallel_loop3A_196 : vector<16xf32>
      %parallel_loop3A_200 = arith.constant 1.000000e+00 : f32
      %parallel_loop3A_201 = vector.broadcast %parallel_loop3A_200 : f32 to vector<16xf32>
      %parallel_loop3A_202 = arith.divf %parallel_loop3A_201, %parallel_loop3A_199 : vector<16xf32>
      %parallel_loop3A_203 = arith.constant 16 : i32
      %parallel_loop3A_204 = arith.muli %parallel_loop3A_188, %parallel_loop3A_203 : i32
      %parallel_loop3A_205 = arith.index_cast %parallel_loop3A_204 : i32 to index
      %parallel_loop3A_206 = tpu.vector_load %arg15[%parallel_loop3A_205] {strides = array<i32>} : memref<512xf32, #tpu.memory_space<vmem>>, vector<16xf32>,
      tpu.vector_store %arg15[%parallel_loop3A_205], %parallel_loop3A_202 {strides = array<i32>} : memref<512xf32, #tpu.memory_space<vmem>>, vector<16xf32>,
    } {sc.loop_unroll_factor = 4 : i64, sc.parallel_access}
    "tpu.region"() ({
      %run_scoped3A = tpu.sem_alloc : memref<!tpu.dma_semaphore, #tpu.memory_space<semaphore_mem>>
      %dma_start3A_188 = tpu.memref_slice %arg6[%mul3A_2] : memref<16384xf32, #tpu.memory_space<hbm>> -> memref<512xf32, #tpu.memory_space<hbm>>
      %dma_start3A_189 = tpu.memref_slice %arg6[%mul3A_2] : memref<16384xf32, #tpu.memory_space<hbm>> -> memref<512xf32, #tpu.memory_space<hbm>>
      tpu.enqueue_dma source(%arg15 : memref<512xf32, #tpu.memory_space<vmem>>) target(%dma_start3A_189 : memref<512xf32, #tpu.memory_space<hbm>>) target_semaphore(%run_scoped3A : memref<!tpu.dma_semaphore, #tpu.memory_space<semaphore_mem>>)
      %dma_wait3A_190 = tpu.memref_slice %arg6[%mul3A_2] : memref<16384xf32, #tpu.memory_space<hbm>> -> memref<512xf32, #tpu.memory_space<hbm>>
      %dma_wait3A_191 = tpu.memref_slice %arg6[%mul3A_2] : memref<16384xf32, #tpu.memory_space<hbm>> -> memref<512xf32, #tpu.memory_space<hbm>>
      tpu.wait_dma2 semaphore(%run_scoped3A : memref<!tpu.dma_semaphore, #tpu.memory_space<semaphore_mem>>) src(%arg15 : memref<512xf32, #tpu.memory_space<vmem>>) dst(%dma_wait3A_191 : memref<512xf32, #tpu.memory_space<hbm>>)
      tpu.yield
    }) : () -> ()
    return
  }
}

</mosaic_0001>

<sc_bundles>
// kernel: kernel.3.cloned.1.call-start
scs
__scs_entry_jumppad:
0x0: {  	(pc) =	sbr.rel $0x88, $3  }
0x1: {  	(tag) =	ssettag $0x0;
	lr =	simm.s32 $0x1  }
0x2: {  	[smem:$0x3F9D] =	sst lr;
	_ =	strace $0xD0000000  }
0x3: {  	_ = 	snop  }
0x4: {  	_ = 	snop  }
0x5: {  	_ = 	snop  }
0x6: {  	_ = 	snop  }
0x7: {  	_ = 	snop  }
__scs_overlays_trampoline_lowered:
0x8: {  	[smem:$0x3FAC] =	sst s0  }
0x9: {  	[smem:$0x3FAD] =	sst s1  }
0xa: {  	[smem:$0x3FAE] =	sst s2  }
0xb: {  	[smem:$0x3FAF] =	sst s3  }
0xc: {  	[smem:$0x3FB0] =	sst s4  }
0xd: {  	[smem:$0x3FB1] =	sst s5  }
0xe: {  	[smem:$0x3FB2] =	sst s6  }
0xf: {  	[smem:$0x3FB3] =	sst s7  }
0x10: {  	[smem:$0x3FB4] =	sst s8  }
0x11: {  	[smem:$0x3FB5] =	sst s9;
	s0 =	simm.s32 @!p0 $0x0  }
0x12: {  	s1 =	sld [smem:$0x3F9B];
	s0 =	simm.s32 @p0 $0x1  }
0x13: {  	[smem:$0x3FB6] =	sst s0;
	s0 =	simm.s32 @!p1 $0x0  }
0x14: {  	s2 =	sld [smem:$0x3F9A];
	s0 =	simm.s32 @p1 $0x1  }
0x15: {  	[smem:$0x3FB7] =	sst s0;
	s0 =	simm.s32 @!p2 $0x0  }
0x16: {  	s3 =	sld [smem:$0x3FDB];
	s0 =	simm.s32 @p2 $0x1  }
0x17: {  	s4 =	simm.s32 $0x1BF5;
	[smem:$0x3FB9] =	sst s0  }
0x18: {  	s0 =	sld [smem:$0x3F9C];
	_ =	swait.ge [sflag:s4], $0x0  }
0x19: {  	s7 =	sld [smem:$0x3F9D]  }
0x1a: {  	s8 =	sadd.s32 $0xFFFFE003, lr  }
0x1b: {  	s9 =	sadd.s32 $0xFFFFFEF7, lr;
	s5 =	simm.s32 $0xFFFFFFFF;
	p2 =	slt.u32 s8, $0xFFFFF086  }
0x1c: {  	p1 =	slt.u32 s9, $0xF7A;
	s5 =	simm.s32 @!p2 $0x0  }
0x1d: {  	s5 =	simm.s32 @p1 $0x1;
	p0 =	seq.s32 s7, s2  }
0x1e: {  	s7 =	smul.u32 @!p0 $0xF7A, s2;
	p2 =	seq.s32 @!p0 s5, $0x0  }
0x1f: {  	s9 =	smul.u32 $0xF7A, s1;
	s8 =	simm.s32 @!p0 $0x1BF5;
	p2 =	por !p2, p0  }
0x20: {  	[sflag:s8] =	ssyncset.s32 @!p0 $0xFFFFF086;
	s6 =	sadd.s32 @!p0 s3, s7;
	s7 =	simm.s32 @!p0 $0x108  }
0x21: {  	s3 =	sadd.s32 s3, s9;
	s6 =	sadd.s32 @!p0 $0x88, s6;
	s7 =	simm.s32 @p2 $0x1082  }
0x22: {  	[simem:s7], [sflag:s8] =	dma.local @!p0 [hbm:s6], $0xF7A  }
0x23: {  	s9 =	sor.u32 $0xD0000000, s2;
	s6 =	simm.s32 $0x108;
	_ =	swait.ge @!p0 [sflag:s8], $0x0  }
0x24: {  	s3 =	sadd.s32 $0x88, s3;
	s6 =	simm.s32 @!p1 $0x1082;
	[sflag:s4] =	ssyncset.s32 $0xFFFFF086  }
0x25: {  	[simem:s6], [sflag:s4] =	dma.local [hbm:s3], $0xF7A  }
0x26: {  	[smem:$0x3F9D] =	sst s1;
	(tag) =	ssettag s2;
	_ =	strace s9  }
0x27: {  	s1 =	sld [smem:$0x3FAD]  }
0x28: {  	s2 =	sld [smem:$0x3FAE]  }
0x29: {  	s4 =	sld [smem:$0x3FB0]  }
0x2a: {  	p0 =	seq.s32 s5, $0x0;
	s5 =	sld [smem:$0x3FB1]  }
0x2b: {  	s6 =	sld [smem:$0x3FB2]  }
0x2c: {  	s7 =	sld [smem:$0x3FB3]  }
0x2d: {  	s3 =	simm.s32 $0x108;
	s8 =	sld [smem:$0x3FB4]  }
0x2e: {  	s3 =	simm.s32 @!p0 $0x1082;
	s9 =	sld [smem:$0x3FB5]  }
0x2f: {  	lr =	sadd.s32 s0, s3;
	s0 =	sld [smem:$0x3FAC]  }
0x30: {  	s3 =	sld [smem:$0x3FAF]  }
0x31: {  	[smem:$0x3FB8] =	sst s10  }
0x32: {  	s10 =	sld [smem:$0x3FB6];
	_ =	sdelay $0x3  }
0x33: {  	p0 =	seq.s32 s10, $0x1;
	s10 =	sld [smem:$0x3FB8];
	_ =	sdelay $0x3  }
0x34: {  	[smem:$0x3FB8] =	sst s10  }
0x35: {  	s10 =	sld [smem:$0x3FB7];
	_ =	sdelay $0x3  }
0x36: {  	p1 =	seq.s32 s10, $0x1;
	s10 =	sld [smem:$0x3FB8];
	_ =	sdelay $0x3  }
0x37: {  	[smem:$0x3FB8] =	sst s10  }
0x38: {  	s10 =	sld [smem:$0x3FB9]  }
0x39: {  	_ = 	snop;
	(pc) =	sbr.ind lr, $3  }
0x3a: {  	_ = 	snop  }
0x3b: {  	_ = 	snop  }
0x3c: {  	p2 =	seq.s32 s10, $0x1;
	s10 =	sld [smem:$0x3FB8]  }
0x3d: {  	_ =	shalt  }
0x3e: {  	_ =	shalt  }
0x3f: {  	_ =	shalt  }
0x40: {  	_ =	shalt  }
0x41: {  	_ =	shalt  }
0x42: {  	_ =	shalt  }
0x43: {  	_ =	shalt  }
0x44: {  	_ =	shalt  }
0x45: {  	_ =	shalt  }
0x46: {  	_ =	shalt  }
0x47: {  	_ =	shalt  }
0x48: {  	_ =	shalt  }
0x49: {  	_ =	shalt  }
0x4a: {  	_ =	shalt  }
0x4b: {  	_ =	shalt  }
0x4c: {  	_ =	shalt  }
0x4d: {  	_ =	shalt  }
0x4e: {  	_ =	shalt  }
0x4f: {  	_ =	shalt  }
0x50: {  	_ =	shalt  }
0x51: {  	_ =	shalt  }
0x52: {  	_ =	shalt  }
0x53: {  	_ =	shalt  }
0x54: {  	_ =	shalt  }
0x55: {  	_ =	shalt  }
0x56: {  	_ =	shalt  }
0x57: {  	_ =	shalt  }
0x58: {  	_ =	shalt  }
0x59: {  	_ =	shalt  }
0x5a: {  	_ =	shalt  }
0x5b: {  	_ =	shalt  }
0x5c: {  	_ =	shalt  }
0x5d: {  	_ =	shalt  }
0x5e: {  	_ =	shalt  }
0x5f: {  	_ =	shalt  }
0x60: {  	_ =	shalt  }
0x61: {  	_ =	shalt  }
0x62: {  	_ =	shalt  }
0x63: {  	_ =	shalt  }
0x64: {  	_ =	shalt  }
0x65: {  	_ =	shalt  }
0x66: {  	_ =	shalt  }
0x67: {  	_ =	shalt  }
0x68: {  	_ =	shalt  }
0x69: {  	_ =	shalt  }
0x6a: {  	_ =	shalt  }
0x6b: {  	_ =	shalt  }
0x6c: {  	_ =	shalt  }
0x6d: {  	_ =	shalt  }
0x6e: {  	_ =	shalt  }
0x6f: {  	_ =	shalt  }
0x70: {  	_ =	shalt  }
0x71: {  	_ =	shalt  }
0x72: {  	_ =	shalt  }
0x73: {  	_ =	shalt  }
0x74: {  	_ =	shalt  }
0x75: {  	_ =	shalt  }
0x76: {  	_ =	shalt  }
0x77: {  	_ =	shalt  }
0x78: {  	_ =	shalt  }
0x79: {  	_ =	shalt  }
0x7a: {  	_ =	shalt  }
0x7b: {  	_ =	shalt  }
0x7c: {  	_ =	shalt  }
0x7d: {  	_ =	shalt  }
0x7e: {  	_ =	shalt  }
0x7f: {  	_ =	shalt  }
0x80: {  	_ =	shalt  }
0x81: {  	_ =	shalt  }
0x82: {  	_ =	shalt  }
0x83: {  	_ =	shalt  }
0x84: {  	_ =	shalt  }
0x85: {  	_ =	shalt  }
0x86: {  	_ =	shalt  }
0x87: {  	_ =	shalt  }
.Lfunc_end0:
.L_simem_size_0:
called_computation_lowered:
.L_overlay_start_0:
0x88: {  	s2 =	sld [smem:$0x3FD9]  }
0x89: {  	s3 =	sld [smem:$0x3FFE];
	_ =	sdelay $0x1  }
0x8a: {  	s1 =	srdreg.scid  }
0x8b: {  	s0 =	sand.u32 $0x1, s1  }
0x8c: {  	s18 =	sshll.u32 s0, $0xA;
	s2 =	sadd.s32 s3, s2  }
0x8d: {  	s2 =	sadd.s32 s2, s18  }
0x8e: {  	[smem:$0x3FC4] =	sst s2  }
0x8f: {  	_ = 	snop  }
0x90: {  	s2 =	sld [smem:$0x3FC9]  }
0x91: {  	s19 =	sld [smem:$0x3FC8]  }
0x92: {  	s4 =	sld [smem:$0x3FC7]  }
0x93: {  	s5 =	sld [smem:$0x3FC6]  }
0x94: {  	s6 =	sld [smem:$0x3FD0];
	(tm) =	ssettm $0x1  }
0x95: {  	s7 =	sld [smem:$0x3FFB];
	_ =	sdelay $0x3  }
0x96: {  	_ =	strace s7  }
0x97: {  	s7 =	sld [smem:$0x3FFC];
	_ =	sdelay $0x3  }
0x98: {  	_ =	strace s7  }
0x99: {  	s7 =	sld [smem:$0x3FFD];
	_ =	sdelay $0x3  }
0x9a: {  	_ =	strace s7  }
0x9b: {  	_ =	strace $0x8FFFFFFF  }
0x9c: {  	s20 =	sld [smem:$0x3FDB];
	_ =	sdelay $0x1  }
0x9d: {  	s8 =	simm.s32 $_scs_section_size  }
0x9e: {  	s9 =	simm.s32 $_size__tile_overlayer_lowered;
	s10 =	simm.s32 $_tile_overlayer_lowered  }
0x9f: {  	s23 =	simm.s32 $0x1BFF;
	s22 =	sshll.u32 s10, $0x1;
	s7 =	sadd.s32 s8, s20  }
0xa0: {  	s11 =	simm.s32 $0x0;
	s21 =	sshll.u32 s9, $0x1;
	s9 =	sadd.s32 s22, s7  }
0xa1: {  	[timem:s11], [sflag:s23] =	dma.local [hbm:s9], s21  }
0xa2: {  	_ =	swait.ge [sflag:s23], s21  }
0xa3: {  	s8 =	ssub.s32 $0x0, s21;
	[sflag:s23] =	ssyncset.done $0x0  }
0xa4: {  	[sflag:s23] =	ssyncadd.s32 s8;
	_ =	sdelay $0x1  }
0xa5: {  	s24 =	simm.s32 $0x1B8B  }
0xa6: {  	_ =	swait.ge [sflag:s24], $0x1  }
0xa7: {  	[sflag:s24] =	ssyncset.done $0x0  }
0xa8: {  	s25 =	simm.s32 $0x1B8E;
	[sflag:s24] =	ssyncadd.s32 $0xFFFFFFFF  }
0xa9: {  	s26 =	simm.s32 $execute0_lowered;
	[smem:$0x3FD2] =	sst s25  }
0xaa: {  	s8 =	sshll.u32 s26, $0x1;
	_ =	strace $0x80000046;
	[dreg:$0x1] =	wrdreg $0xFFFFFFFF  }
0xab: {  	s28 =	simm.s32 $_size_execute0_lowered;
	s7 =	sadd.s32 s7, s8;
	[dreg:$0x0] =	wrdreg $0x0  }
0xac: {  	s8 =	sshll.u32 s28, $0x1;
	[dreg:$0x2] =	wrdreg s7  }
0xad: {  	[dreg:$0x3] =	wrdreg s8  }
0xae: {  	[dreg:$0x4] =	wrdreg $0xC0  }
0xaf: {  	_ =	task [dreg:s11], $0x5FFFF  }
0xb0: {  	[dreg:$0x1] =	wrdreg $0xFFFFFFFF  }
0xb1: {  	[dreg:$0x0] =	wrdreg $0x60  }
0xb2: {  	[dreg:$0x2] =	wrdreg s2  }
0xb3: {  	[dreg:$0x3] =	wrdreg s19  }
0xb4: {  	[dreg:$0x4] =	wrdreg s4  }
0xb5: {  	[dreg:$0x5] =	wrdreg s5  }
0xb6: {  	[dreg:$0x6] =	wrdreg s6  }
0xb7: {  	[dreg:$0x7] =	wrdreg $0x9  }
0xb8: {  	_ =	task.clear_ibuf [dreg:s11], $0x8FFFF;
	_ =	strace $0x90000046  }
0xb9: {  	s29 =	simm.s32 $0x9;
	_ =	strace $0x80000048  }
0xba: {  	_ =	swait.ge [sflag:s29], $0x1  }
0xbb: {  	[sflag:s29] =	ssyncadd.s32 $0xFFFFFFFF  }
0xbc: {  	_ =	strace $0x90000048  }
0xbd: {  	_ =	sfence  }
0xbe: {  	s30 =	sld [smem:$0x0];
	_ =	sdelay $0x2  }
0xbf: {  	s31 =	sshll.u32 s1, $0xD;
	s1 =	sshrl.u32 s1, $0x2  }
0xc0: {  	s3 =	sand.u32 $0x4000, s31;
	s1 =	sadd.s32 s1, s30  }
0xc1: {  	s0 =	sor.u32 s3, s0;
	s1 =	sshll.u32 s1, $0x11  }
0xc2: {  	s0 =	sor.u32 s1, s0  }
0xc3: {  	s0 =	sadd.s32 $0x8F2B, s0  }
0xc4: {  	[sflag:s0] =	ssyncadd.remote.s32 $0x1  }
0xc5: {  	_ =	sfence.sel $0xFFFF  }
0xc6: {  	[dreg:$0x0] =	wrdreg $0xFFFFFFFF;
	(pc) =	sbr.abs _section_cstart, $3  }
0xc7: {  	[dreg:$0x1] =	wrdreg $0xFFFFFFFF  }
0xc8: {  	_ =	task.clear_ibuf [dreg:s11], $0x2FFFF;
	_ =	strace $0x9FFFFFFF  }
0xc9: {  	(tm) =	ssettm $0x7FFFFFFF  }
tec
execute0_lowered:
.L_overlay_start_1:
0x0: {  	(tag) =	ssettag $0x1  }
0x1: {  	s0 =	rddreg [dreg:$0x0]  }
0x2: {  	s3 =	rddreg [dreg:$0x1]  }
0x3: {  	s1 =	rddreg [dreg:$0x2]  }
0x4: {  	s2 =	rddreg [dreg:$0x3]  }
0x5: {  	s7 =	rddreg [dreg:$0x4]  }
0x6: {  	s5 =	srdreg.scid;
	s4 =	simm.s32 $0x0;
	s8 =	stileid.u32  }
0x7: {  	s10 =	simm.s32 $0x200;
	s11 =	simm.s32 $0x40;
	s12 =	simm.s32 $0x400  }
0x8: {  	s13 =	simm.s32 $0x2400;
	s14 =	simm.s32 $0x4400;
	s16 =	simm.s32 $0x6400  }
0x9: {  	s18 =	simm.s32 $0x8400;
	s20 =	simm.s32 $0xA400;
	s21 =	simm.s32 $0x1  }
0xa: {  	s22 =	simm.s32 $0xC400;
	s25 =	simm.s32 $0x2;
	s29 =	simm.s32 $0x3  }
0xb: {  	s15 =	simm.s32 $0x1C0;
	s17 =	simm.s32 $0x3C0;
	s5 =	sand.u32 $0x1, s5  }
0xc: {  	s19 =	simm.s32 $0x0;
	s8 =	sshll.u32 s8, $0x7;
	s6 =	ssub.s32 $0x2, s5  }
0xd: {  	[smem:$0x7FF] =	sst s4;
	s5 =	sshll.u32 s5, $0x6;
	s9 =	sshrl.u32 s6, $0x1  }
0xe: {  	_ =	strace $0x80000047;
	s8 =	sor.u32 s5, s8;
	s9 =	ssub.s32 s6, s9  }
0xf: {  	s5 =	sadd.s32 s0, s8;
	s6 =	sadd.s32 s3, s8;
	s7 =	sadd.s32 s7, s8  }
0x10: {  	vm0 =	vcmask $0x3F3C;
	s3 =	simm.s32 $0x380;
	s8 =	smax.u32 s9, $0x1;
	s9 =	simm.s32 $0x4  }
.LBB2_1:
0x11: {  	[tilespmem:s4], [sflag:$0x4] =	stream.linear.gather [hbm4b:s5+s4], $0x200, $0x38;
	[tilespmem:$0xC600] =	vst v63  }
0x12: {  	_ =	swait.ge [sflag:s9], $0x200  }
0x13: {  	[sflag:s9] =	ssyncset.done $0x0  }
0x14: {  	[sflag:s9] =	ssyncadd.s32 $0xFFFFFE00  }
0x15: {  	[tilespmem:s10], [sflag:$0x4] =	stream.linear.gather [hbm4b:s6+s4], $0x200, $0x38;
	[tilespmem:$0xC600] =	vst v63  }
0x16: {  	_ =	swait.ge [sflag:s9], $0x200  }
0x17: {  	[sflag:s9] =	ssyncset.done $0x0  }
0x18: {  	[sflag:s9] =	ssyncadd.s32 $0xFFFFFE00  }
0x19: {  	[tilespmem:s12], [sflag:$0x1] =	stream.indirect.gather [hbm4b:s1+s11], $0x80, s4, s11, $0xb8;
	[tilespmem:$0xC600] =	vst v63  }
0x1a: {  	_ = 	snop  }
0x1b: {  	[tilespmem:s13], [sflag:$0x1] =	stream.indirect.gather [hbm4b:s2+s11], $0x80, s10, s11, $0xb8;
	[tilespmem:$0xC600] =	vst v63  }
0x1c: {  	_ = 	snop  }
0x1d: {  	[tilespmem:s14], [sflag:$0x2] =	stream.indirect.gather [hbm4b:s1+s11], $0x80, s11, s11, $0xb8;
	[tilespmem:$0xC600] =	vst v63  }
0x1e: {  	s0 =	simm.s32 $0x240  }
0x1f: {  	[tilespmem:s16], [sflag:$0x2] =	stream.indirect.gather [hbm4b:s2+s11], $0x80, s0, s11, $0xb8;
	[tilespmem:$0xC600] =	vst v63  }
0x20: {  	s24 =	simm.s32 $0x80  }
0x21: {  	[tilespmem:s18], [sflag:$0x3] =	stream.indirect.gather [hbm4b:s1+s11], $0x80, s24, s11, $0xb8;
	[tilespmem:$0xC600] =	vst v63  }
0x22: {  	s26 =	simm.s32 $0x280  }
0x23: {  	[tilespmem:s20], [sflag:$0x3] =	stream.indirect.gather [hbm4b:s2+s11], $0x80, s26, s11, $0xb8;
	[tilespmem:$0xC600] =	vst v63  }
0x24: {  	_ =	swait.ge [sflag:s21], $0x2000  }
0x25: {  	[sflag:s21] =	ssyncset.done $0x0  }
0x26: {  	[sflag:s21] =	ssyncadd.s32 $0xFFFFE000  }
0x27: {  	_ =	swait.ge [sflag:s21], $0x2000  }
0x28: {  	[sflag:s21] =	ssyncset.done $0x0  }
0x29: {  	s30 =	simm.s32 $0x480;
	[sflag:s21] =	ssyncadd.s32 $0xFFFFE000  }
0x2a: {  	s23 =	simm.s32 $0x2480;
	v0 =	vld [tilespmem:s30+$0x0]  }
0x2b: {  	v1 =	vld [tilespmem:s23+$0x0]  }
0x2c: {  	v2 =	vld [tilespmem:s30+$0x10]  }
0x2d: {  	v3 =	vld [tilespmem:s23+$0x10]  }
0x2e: {  	v4 =	vld [tilespmem:s30+$0x20]  }
0x2f: {  	v5 =	vld [tilespmem:s23+$0x20]  }
0x30: {  	v6 =	vld [tilespmem:s30+$0x30]  }
0x31: {  	v7 =	vld [tilespmem:s23+$0x30]  }
0x32: {  	v8 =	vld [tilespmem:s30+$0x40]  }
0x33: {  	v9 =	vld [tilespmem:s23+$0x40]  }
0x34: {  	v10 =	vld [tilespmem:s30+$0x50]  }
0x35: {  	v11 =	vld [tilespmem:s23+$0x50]  }
0x36: {  	v12 =	vld [tilespmem:s30+$0x60]  }
0x37: {  	v13 =	vld [tilespmem:s23+$0x60]  }
0x38: {  	v14 =	vld [tilespmem:s30+$0x70]  }
0x39: {  	v15 =	vld [tilespmem:s23+$0x70]  }
0x3a: {  	v16 =	vld [tilespmem:s23+$0xFFFFFF80]  }
0x3b: {  	v17 =	vld [tilespmem:s30+$0xFFFFFF90]  }
0x3c: {  	v18 =	vld [tilespmem:s23+$0xFFFFFF90]  }
0x3d: {  	v19 =	vld [tilespmem:s30+$0xFFFFFFA0]  }
0x3e: {  	v20 =	vld [tilespmem:s23+$0xFFFFFFA0]  }
0x3f: {  	v21 =	vld [tilespmem:s30+$0xFFFFFFB0]  }
0x40: {  	v22 =	vld [tilespmem:s23+$0xFFFFFFB0]  }
0x41: {  	v23 =	vld [tilespmem:s30+$0xFFFFFFC0];
	v0 =	vmul.f32 v1, v0;
	v1 =	vmul.f32 v3, v2  }
0x42: {  	v24 =	vld [tilespmem:s23+$0xFFFFFFC0];
	v2 =	vmul.f32 v5, v4;
	v3 =	vmul.f32 v7, v6  }
0x43: {  	v25 =	vld [tilespmem:s30+$0xFFFFFFD0];
	v4 =	vmul.f32 v9, v8;
	v5 =	vmul.f32 v11, v10  }
0x44: {  	v6 =	vld [tilespmem:s23+$0xFFFFFFD0];
	v8 =	vmul.f32 v13, v12;
	v9 =	vmul.f32 v15, v14  }
0x45: {  	v7 =	vld [tilespmem:s30+$0xFFFFFFE0];
	v0 =	vadd.f32 v1, v0;
	v1 =	vadd.f32 v3, v2  }
0x46: {  	v10 =	vld [tilespmem:s23+$0xFFFFFFE0];
	v2 =	vadd.f32 v5, v4;
	v3 =	vadd.f32 v9, v8  }
0x47: {  	v11 =	vld [tilespmem:s30+$0xFFFFFFF0]  }
0x48: {  	v8 =	vld [tilespmem:s23+$0xFFFFFFF0];
	v4 =	vadd.f32 v1, v0;
	v2 =	vadd.f32 v3, v2  }
0x49: {  	s24 =	simm.s32 $0x2580;
	v9 =	vld [tilespmem:s30+$0xFFFFFF80]  }
0x4a: {  	s23 =	simm.s32 $0x580;
	v5 =	vld [tilespmem:s24+$0x20];
	v4 =	vadd.f32 v2, v4  }
0x4b: {  	v12 =	vmul.f32 v18, v17;
	v13 =	vmul.f32 v20, v19;
	v0 =	vld [tilespmem:s23+$0x0]  }
0x4c: {  	v14 =	vmul.f32 v22, v21;
	v15 =	vmul.f32 v24, v23;
	v1 =	vld [tilespmem:s24+$0x0];
	(xrf2) =	vadd.scan.msk.f32 $0xffff, v4  }
0x4d: {  	v3 =	vld [tilespmem:s24+$0x10];
	v17 =	vmul.f32 v6, v25;
	v10 =	vmul.f32 v10, v7  }
0x4e: {  	v6 =	vld [tilespmem:s23+$0x30];
	v11 =	vmul.f32 v8, v11;
	v9 =	vmul.f32 v16, v9  }
0x4f: {  	v13 =	vadd.f32 v14, v13;
	v7 =	vld [tilespmem:s24+$0x30];
	v14 =	vadd.f32 v17, v15  }
0x50: {  	v2 =	vld [tilespmem:s23+$0x10];
	v11 =	vadd.f32 v11, v10;
	v12 =	vadd.f32 v12, v9  }
0x51: {  	v8 =	vld [tilespmem:s23+$0x40]  }
0x52: {  	v4 =	vld [tilespmem:s23+$0x20];
	v14 =	vadd.f32 v11, v14;
	v13 =	vadd.f32 v13, v12  }
0x53: {  	s31 =	simm.s32 $0x1;
	v9 =	vld [tilespmem:s24+$0x40]  }
0x54: {  	v15 =	vmov s31;
	v10 =	vld [tilespmem:s23+$0x50];
	v16 =	vadd.f32 v14, v13  }
0x55: {  	v12 =	vld [tilespmem:s24+$0x50]  }
0x56: {  	v11 =	vld [tilespmem:s23+$0x60];
	v17, _, _ =	vpop (xrf2);
	(xrf2) =	vadd.scan.msk.f32 $0xffff, v16  }
0x57: {  	v13 =	vld [tilespmem:s24+$0x60]  }
0x58: {  	v18 =	vmov s4;
	v14 =	vld [tilespmem:s23+$0x70]  }
0x59: {  	s28 =	simm.s32 $0x4;
	s26 =	simm.s32 $0x2;
	v16 =	vld [tilespmem:s24+$0x70];
	[tilespmem:v15+s22+$0x0] =	vst.idx.msk vm0, v17;
	v15 =	vand.u32 $0xFFFFFFFE, v18  }
.LBB2_2:
0x5a: {  	p0 =	slt.u32 s28, $0x3E;
	v17 =	vld [tilespmem:s24+$0xFFFFFF80];
	v15 =	vbroadcast v15, $0x0  }
0x5b: {  	v0 =	vmul.f32 v1, v0;
	v1 =	vmul.f32 v3, v2;
	v18 =	vld [tilespmem:s23+$0xFFFFFF90]  }
0x5c: {  	v3 =	vmul.f32 v5, v4;
	v4 =	vmul.f32 v7, v6;
	v2 =	vld [tilespmem:s24+$0xFFFFFF90]  }
0x5d: {  	v6 =	vmul.f32 v9, v8;
	v12 =	vmul.f32 v12, v10;
	v5 =	vld [tilespmem:s23+$0xFFFFFFA0]  }
0x5e: {  	v9 =	vmul.f32 v13, v11;
	v8 =	vld [tilespmem:s24+$0xFFFFFFA0];
	v10 =	vmul.f32 v16, v14  }
0x5f: {  	v0 =	vadd.f32 v1, v0;
	v1 =	vadd.f32 v4, v3;
	v11 =	vld [tilespmem:s23+$0xFFFFFFB0]  }
0x60: {  	v4 =	vadd.f32 v12, v6;
	v3 =	vld [tilespmem:s24+$0xFFFFFFB0];
	v6 =	vadd.f32 v10, v9;
	v7, _, _ =	vpop (xrf2)  }
0x61: {  	v9 =	vmul.f32 v2, v18;
	v2 =	vld [tilespmem:s23+$0xFFFFFFC0];
	[tilespmem:v15+s22+$0x0] =	vst.idx.msk vm0, v7  }
0x62: {  	v0 =	vadd.f32 v1, v0;
	v7 =	vld [tilespmem:s24+$0xFFFFFFC0];
	v1 =	vadd.f32 v6, v4  }
0x63: {  	v4 =	vmul.f32 v8, v5;
	v5 =	vld [tilespmem:s23+$0xFFFFFFD0]  }
0x64: {  	v6 =	vld [tilespmem:s24+$0xFFFFFFD0];
	v0 =	vadd.f32 v1, v0  }
0x65: {  	v1 =	vmul.f32 v3, v11;
	v3 =	vld [tilespmem:s23+$0xFFFFFFE0]  }
0x66: {  	v8 =	vld [tilespmem:s24+$0xFFFFFFE0];
	(xrf2) =	vadd.scan.msk.f32 $0xffff, v0  }
0x67: {  	v2 =	vmul.f32 v7, v2;
	v7 =	vld [tilespmem:s23+$0xFFFFFFF0];
	v10 =	vadd.f32 v1, v4  }
0x68: {  	v4 =	vld [tilespmem:s24+$0xFFFFFFF0]  }
0x69: {  	v11 =	vld [tilespmem:s23+$0xFFFFFF80];
	v5 =	vmul.f32 v6, v5;
	s23 =	sadd.s32 $0x100, s23  }
0x6a: {  	s24 =	sadd.s32 $0x100, s24;
	v0 =	vld [tilespmem:s23+$0x0]  }
0x6b: {  	s0 =	sadd.s32 $0x1, s26;
	v1 =	vld [tilespmem:s24+$0x0];
	v6 =	vmul.f32 v8, v3;
	v8 =	vadd.f32 v5, v2  }
0x6c: {  	v12 =	vmov s0;
	v2 =	vld [tilespmem:s23+$0x10]  }
0x6d: {  	v3 =	vld [tilespmem:s24+$0x10];
	v7 =	vmul.f32 v4, v7  }
0x6e: {  	v4 =	vld [tilespmem:s23+$0x20];
	v14 =	vmul.f32 v17, v11  }
0x6f: {  	v5 =	vld [tilespmem:s24+$0x20];
	v13 =	vadd.f32 v7, v6  }
0x70: {  	v6 =	vld [tilespmem:s23+$0x30];
	v9 =	vadd.f32 v9, v14;
	v11, _, _ =	vpop (xrf2)  }
0x71: {  	v7 =	vld [tilespmem:s24+$0x30];
	v13 =	vadd.f32 v13, v8;
	[tilespmem:v12+s22+$0x0] =	vst.idx.msk vm0, v11  }
0x72: {  	v8 =	vld [tilespmem:s23+$0x40];
	v11 =	vadd.f32 v10, v9  }
0x73: {  	v9 =	vld [tilespmem:s24+$0x40]  }
0x74: {  	v10 =	vld [tilespmem:s23+$0x50];
	v13 =	vadd.f32 v13, v11  }
.Ltmp0:
0x75: {  	v12 =	vld [tilespmem:s24+$0x50];
	(pc) =	sbr.rel @p0 .LBB2_2-.Ltmp0, $4  }
0x76: {  	v11 =	vld [tilespmem:s23+$0x60];
	(xrf2) =	vadd.scan.msk.f32 $0xffff, v13  }
0x77: {  	v13 =	vld [tilespmem:s24+$0x60]  }
0x78: {  	v15 =	vmov s26;
	s26 =	smov.u32 s28;
	v14 =	vld [tilespmem:s23+$0x70]  }
0x79: {  	s28 =	sadd.s32 $0x2, s28;
	v15 =	vand.u32 $0xFFFFFFFE, v15;
	v16 =	vld [tilespmem:s24+$0x70]  }
0x7a: {  	v17 =	vld [tilespmem:s24+$0xFFFFFF80]  }
0x7b: {  	v18 =	vld [tilespmem:s23+$0xFFFFFF90]  }
0x7c: {  	v19 =	vld [tilespmem:s24+$0xFFFFFF90]  }
0x7d: {  	v20 =	vld [tilespmem:s23+$0xFFFFFFA0]  }
0x7e: {  	v21 =	vld [tilespmem:s24+$0xFFFFFFA0]  }
0x7f: {  	v22 =	vld [tilespmem:s23+$0xFFFFFFB0]  }
0x80: {  	v23 =	vld [tilespmem:s24+$0xFFFFFFB0]  }
0x81: {  	v24 =	vld [tilespmem:s23+$0xFFFFFFC0]  }
0x82: {  	v25 =	vld [tilespmem:s24+$0xFFFFFFC0]  }
0x83: {  	v26 =	vld [tilespmem:s23+$0xFFFFFFD0]  }
0x84: {  	v27 =	vld [tilespmem:s24+$0xFFFFFFD0]  }
0x85: {  	v28 =	vld [tilespmem:s23+$0xFFFFFFE0]  }
0x86: {  	v29 =	vld [tilespmem:s24+$0xFFFFFFE0]  }
0x87: {  	v0 =	vmul.f32 v1, v0;
	v1 =	vmul.f32 v3, v2;
	v2 =	vld [tilespmem:s23+$0xFFFFFFF0]  }
0x88: {  	v3 =	vmul.f32 v5, v4;
	v4 =	vmul.f32 v7, v6;
	v5 =	vld [tilespmem:s24+$0xFFFFFFF0]  }
0x89: {  	v6 =	vmul.f32 v9, v8;
	v7 =	vmul.f32 v12, v10;
	v8 =	vld [tilespmem:s23+$0xFFFFFF80]  }
0x8a: {  	v9 =	vmul.f32 v13, v11;
	v10 =	vmul.f32 v16, v14  }
0x8b: {  	v0 =	vadd.f32 v1, v0;
	v1 =	vmul.f32 v19, v18;
	v11 =	vmul.f32 v21, v20  }
0x8c: {  	v3 =	vadd.f32 v4, v3;
	v4 =	vmul.f32 v23, v22;
	v12 =	vmul.f32 v25, v24  }
0x8d: {  	v6 =	vadd.f32 v7, v6;
	v7 =	vmul.f32 v27, v26;
	v13 =	vmul.f32 v29, v28  }
0x8e: {  	v2 =	vmul.f32 v5, v2;
	v5 =	vmul.f32 v17, v8;
	v9 =	vadd.f32 v10, v9  }
0x8f: {  	v4 =	vadd.f32 v4, v11;
	v7 =	vadd.f32 v7, v12  }
0x90: {  	v2 =	vadd.f32 v2, v13;
	v1 =	vadd.f32 v1, v5  }
0x91: {  	v0 =	vadd.f32 v3, v0;
	v3 =	vadd.f32 v9, v6  }
0x92: {  	v2 =	vadd.f32 v2, v7;
	v1 =	vadd.f32 v4, v1  }
0x93: {  	v0 =	vadd.f32 v3, v0  }
0x94: {  	v1 =	vadd.f32 v2, v1  }
0x95: {  	(xrf2) =	vadd.scan.msk.f32 $0xffff, v0  }
0x96: {  	(xrf2) =	vadd.scan.msk.f32 $0xffff, v1;
	_ =	sdelay $0x2  }
0x97: {  	v0 =	vbroadcast v15, $0x0;
	v1 =	vmov s26  }
0x98: {  	s0 =	sadd.s32 $0x1, s26;
	v1 =	vand.u32 $0xFFFFFFFE, v1  }
0x99: {  	v2 =	vmov s0;
	v1 =	vbroadcast v1, $0x0;
	_ =	sdelay $0x2  }
0x9a: {  	v3, _, _ =	vpop (xrf2)  }
0x9b: {  	[tilespmem:v0+s22+$0x0] =	vst.idx.msk vm0, v3;
	v4, _, _ =	vpop (xrf2)  }
0x9c: {  	[tilespmem:v2+s22+$0x0] =	vst.idx.msk vm0, v4;
	v0, _, _ =	vpop (xrf2)  }
0x9d: {  	s31 =	simm.s32 $0xC0;
	[tilespmem:v1+s22+$0x0] =	vst.idx.msk vm0, v0  }
0x9e: {  	[tilespmem:s12], [sflag:$0x1] =	stream.indirect.gather [hbm4b:s1+s11], $0x80, s31, s11, $0xb8;
	[tilespmem:$0xC600] =	vst v63  }
0x9f: {  	s23 =	simm.s32 $0x2C0  }
0xa0: {  	[tilespmem:s13], [sflag:$0x1] =	stream.indirect.gather [hbm4b:s2+s11], $0x80, s23, s11, $0xb8;
	[tilespmem:$0xC600] =	vst v63  }
0xa1: {  	_ =	swait.ge [sflag:s25], $0x2000  }
0xa2: {  	[sflag:s25] =	ssyncset.done $0x0  }
0xa3: {  	[sflag:s25] =	ssyncadd.s32 $0xFFFFE000  }
0xa4: {  	_ =	swait.ge [sflag:s25], $0x2000  }
0xa5: {  	[sflag:s25] =	ssyncset.done $0x0  }
0xa6: {  	s24 =	simm.s32 $0x4480;
	[sflag:s25] =	ssyncadd.s32 $0xFFFFE000  }
0xa7: {  	s26 =	simm.s32 $0x6480;
	v0 =	vld [tilespmem:s24+$0x0]  }
0xa8: {  	v1 =	vld [tilespmem:s26+$0x0]  }
0xa9: {  	v2 =	vld [tilespmem:s24+$0x10]  }
0xaa: {  	v3 =	vld [tilespmem:s26+$0x10]  }
0xab: {  	v4 =	vld [tilespmem:s24+$0x20]  }
0xac: {  	v5 =	vld [tilespmem:s26+$0x20]  }
0xad: {  	v6 =	vld [tilespmem:s24+$0x30]  }
0xae: {  	v7 =	vld [tilespmem:s26+$0x30]  }
0xaf: {  	v8 =	vld [tilespmem:s24+$0x40]  }
0xb0: {  	v9 =	vld [tilespmem:s26+$0x40]  }
0xb1: {  	v10 =	vld [tilespmem:s24+$0x50]  }
0xb2: {  	v11 =	vld [tilespmem:s26+$0x50]  }
0xb3: {  	v12 =	vld [tilespmem:s24+$0x60]  }
0xb4: {  	v13 =	vld [tilespmem:s26+$0x60]  }
0xb5: {  	v14 =	vld [tilespmem:s24+$0x70]  }
0xb6: {  	v15 =	vld [tilespmem:s26+$0x70]  }
0xb7: {  	v16 =	vld [tilespmem:s26+$0xFFFFFF80]  }
0xb8: {  	v17 =	vld [tilespmem:s24+$0xFFFFFF90]  }
0xb9: {  	v18 =	vld [tilespmem:s26+$0xFFFFFF90]  }
0xba: {  	v19 =	vld [tilespmem:s24+$0xFFFFFFA0]  }
0xbb: {  	v58 =	vld [tilespmem:s26+$0xFFFFFFA0]  }
0xbc: {  	v59 =	vld [tilespmem:s24+$0xFFFFFFB0]  }
0xbd: {  	v60 =	vld [tilespmem:s26+$0xFFFFFFB0]  }
0xbe: {  	v61 =	vld [tilespmem:s24+$0xFFFFFFC0];
	v0 =	vmul.f32 v1, v0;
	v1 =	vmul.f32 v3, v2  }
0xbf: {  	v62 =	vld [tilespmem:s26+$0xFFFFFFC0];
	v2 =	vmul.f32 v5, v4;
	v3 =	vmul.f32 v7, v6  }
0xc0: {  	v63 =	vld [tilespmem:s24+$0xFFFFFFD0];
	v4 =	vmul.f32 v9, v8;
	v5 =	vmul.f32 v11, v10  }
0xc1: {  	v6 =	vld [tilespmem:s26+$0xFFFFFFD0];
	v8 =	vmul.f32 v13, v12;
	v9 =	vmul.f32 v15, v14  }
0xc2: {  	v7 =	vld [tilespmem:s24+$0xFFFFFFE0];
	v0 =	vadd.f32 v1, v0;
	v1 =	vadd.f32 v3, v2  }
0xc3: {  	v10 =	vld [tilespmem:s26+$0xFFFFFFE0];
	v2 =	vadd.f32 v5, v4;
	v3 =	vadd.f32 v9, v8  }
0xc4: {  	v11 =	vld [tilespmem:s24+$0xFFFFFFF0]  }
0xc5: {  	v8 =	vld [tilespmem:s26+$0xFFFFFFF0];
	v4 =	vadd.f32 v1, v0;
	v2 =	vadd.f32 v3, v2  }
0xc6: {  	v9 =	vld [tilespmem:s24+$0xFFFFFF80];
	s24 =	simm.s32 $0x6580  }
0xc7: {  	s23 =	simm.s32 $0x4580;
	v5 =	vld [tilespmem:s24+$0x20];
	v4 =	vadd.f32 v2, v4  }
0xc8: {  	v12 =	vmul.f32 v18, v17;
	v13 =	vmul.f32 v58, v19;
	v0 =	vld [tilespmem:s23+$0x0]  }
0xc9: {  	v14 =	vmul.f32 v60, v59;
	v15 =	vmul.f32 v62, v61;
	v1 =	vld [tilespmem:s24+$0x0];
	(xrf2) =	vadd.scan.msk.f32 $0xffff, v4  }
0xca: {  	v3 =	vld [tilespmem:s24+$0x10];
	v17 =	vmul.f32 v6, v63;
	v10 =	vmul.f32 v10, v7  }
0xcb: {  	v6 =	vld [tilespmem:s23+$0x30];
	v11 =	vmul.f32 v8, v11;
	v9 =	vmul.f32 v16, v9  }
0xcc: {  	v13 =	vadd.f32 v14, v13;
	v7 =	vld [tilespmem:s24+$0x30];
	v15 =	vadd.f32 v17, v15  }
0xcd: {  	s30 =	simm.s32 $0x1;
	v2 =	vld [tilespmem:s23+$0x10];
	v11 =	vadd.f32 v11, v10;
	v12 =	vadd.f32 v12, v9  }
0xce: {  	v18 =	vmov s30;
	v8 =	vld [tilespmem:s23+$0x40]  }
0xcf: {  	v14 =	vadd.s32 $0x40, v18;
	v4 =	vld [tilespmem:s23+$0x20];
	v15 =	vadd.f32 v11, v15;
	v13 =	vadd.f32 v13, v12  }
0xd0: {  	v14 =	vbroadcast v14, $0x0;
	v9 =	vld [tilespmem:s24+$0x40]  }
0xd1: {  	v10 =	vld [tilespmem:s23+$0x50];
	v16 =	vadd.f32 v15, v13  }
0xd2: {  	v12 =	vld [tilespmem:s24+$0x50]  }
0xd3: {  	s31 =	simm.s32 $0x0;
	v11 =	vld [tilespmem:s23+$0x60];
	v18, _, _ =	vpop (xrf2);
	(xrf2) =	vadd.scan.msk.f32 $0xffff, v16  }
0xd4: {  	v17 =	vmov s31;
	v13 =	vld [tilespmem:s24+$0x60]  }
0xd5: {  	v17 =	vadd.s32 $0x40, v17;
	v15 =	vld [tilespmem:s23+$0x70]  }
0xd6: {  	s28 =	simm.s32 $0x4;
	s26 =	simm.s32 $0x2;
	v16 =	vld [tilespmem:s24+$0x70];
	[tilespmem:v14+s22+$0x0] =	vst.idx.msk vm0, v18;
	v14 =	vand.u32 $0xFFFFFFFE, v17  }
.LBB2_4:
0xd7: {  	p0 =	slt.u32 s28, $0x3E;
	v17 =	vld [tilespmem:s24+$0xFFFFFF80];
	v14 =	vbroadcast v14, $0x0  }
0xd8: {  	v0 =	vmul.f32 v1, v0;
	v1 =	vmul.f32 v3, v2;
	v18 =	vld [tilespmem:s23+$0xFFFFFF90]  }
0xd9: {  	v3 =	vmul.f32 v5, v4;
	v4 =	vmul.f32 v7, v6;
	v2 =	vld [tilespmem:s24+$0xFFFFFF90]  }
0xda: {  	v6 =	vmul.f32 v9, v8;
	v12 =	vmul.f32 v12, v10;
	v5 =	vld [tilespmem:s23+$0xFFFFFFA0]  }
0xdb: {  	v9 =	vmul.f32 v13, v11;
	v8 =	vld [tilespmem:s24+$0xFFFFFFA0];
	v10 =	vmul.f32 v16, v15  }
0xdc: {  	v0 =	vadd.f32 v1, v0;
	v1 =	vadd.f32 v4, v3;
	v11 =	vld [tilespmem:s23+$0xFFFFFFB0]  }
0xdd: {  	v4 =	vadd.f32 v12, v6;
	v3 =	vld [tilespmem:s24+$0xFFFFFFB0];
	v6 =	vadd.f32 v10, v9;
	v7, _, _ =	vpop (xrf2)  }
0xde: {  	v9 =	vmul.f32 v2, v18;
	v2 =	vld [tilespmem:s23+$0xFFFFFFC0];
	[tilespmem:v14+s22+$0x0] =	vst.idx.msk vm0, v7  }
0xdf: {  	v0 =	vadd.f32 v1, v0;
	v7 =	vld [tilespmem:s24+$0xFFFFFFC0];
	v1 =	vadd.f32 v6, v4  }
0xe0: {  	v4 =	vmul.f32 v8, v5;
	v5 =	vld [tilespmem:s23+$0xFFFFFFD0]  }
0xe1: {  	v6 =	vld [tilespmem:s24+$0xFFFFFFD0];
	v0 =	vadd.f32 v1, v0  }
0xe2: {  	v1 =	vmul.f32 v3, v11;
	v3 =	vld [tilespmem:s23+$0xFFFFFFE0]  }
0xe3: {  	v8 =	vld [tilespmem:s24+$0xFFFFFFE0];
	(xrf2) =	vadd.scan.msk.f32 $0xffff, v0  }
0xe4: {  	v2 =	vmul.f32 v7, v2;
	v7 =	vld [tilespmem:s23+$0xFFFFFFF0];
	v10 =	vadd.f32 v1, v4  }
0xe5: {  	s0 =	sadd.s32 $0x1, s26;
	v4 =	vld [tilespmem:s24+$0xFFFFFFF0]  }
0xe6: {  	v1 =	vmov s0;
	v11 =	vld [tilespmem:s23+$0xFFFFFF80];
	v5 =	vmul.f32 v6, v5;
	s23 =	sadd.s32 $0x100, s23  }
0xe7: {  	s24 =	sadd.s32 $0x100, s24;
	v6 =	vadd.s32 $0x40, v1;
	v0 =	vld [tilespmem:s23+$0x0]  }
0xe8: {  	v13 =	vbroadcast v6, $0x0;
	v1 =	vld [tilespmem:s24+$0x0];
	v8 =	vmul.f32 v8, v3;
	v12 =	vadd.f32 v5, v2  }
0xe9: {  	v2 =	vld [tilespmem:s23+$0x10]  }
0xea: {  	v3 =	vld [tilespmem:s24+$0x10];
	v6 =	vmul.f32 v4, v7  }
0xeb: {  	v4 =	vld [tilespmem:s23+$0x20];
	v7 =	vmul.f32 v17, v11  }
0xec: {  	v5 =	vld [tilespmem:s24+$0x20];
	v8 =	vadd.f32 v6, v8  }
0xed: {  	v6 =	vld [tilespmem:s23+$0x30];
	v9 =	vadd.f32 v9, v7;
	v11, _, _ =	vpop (xrf2)  }
0xee: {  	v7 =	vld [tilespmem:s24+$0x30];
	v12 =	vadd.f32 v8, v12;
	[tilespmem:v13+s22+$0x0] =	vst.idx.msk vm0, v11  }
0xef: {  	v8 =	vld [tilespmem:s23+$0x40];
	v11 =	vadd.f32 v10, v9  }
0xf0: {  	v9 =	vld [tilespmem:s24+$0x40]  }
0xf1: {  	v10 =	vld [tilespmem:s23+$0x50];
	v13 =	vadd.f32 v12, v11  }
.Ltmp1:
0xf2: {  	v12 =	vld [tilespmem:s24+$0x50];
	(pc) =	sbr.rel @p0 .LBB2_4-.Ltmp1, $4  }
0xf3: {  	v11 =	vld [tilespmem:s23+$0x60];
	(xrf2) =	vadd.scan.msk.f32 $0xffff, v13  }
0xf4: {  	v14 =	vmov s26;
	s26 =	smov.u32 s28;
	v13 =	vld [tilespmem:s24+$0x60]  }
0xf5: {  	v14 =	vadd.s32 $0x40, v14;
	v15 =	vld [tilespmem:s23+$0x70]  }
0xf6: {  	s28 =	sadd.s32 $0x2, s28;
	v14 =	vand.u32 $0xFFFFFFFE, v14;
	v16 =	vld [tilespmem:s24+$0x70]  }
0xf7: {  	v17 =	vld [tilespmem:s24+$0xFFFFFF80]  }
0xf8: {  	v18 =	vld [tilespmem:s23+$0xFFFFFF90]  }
0xf9: {  	v19 =	vld [tilespmem:s24+$0xFFFFFF90]  }
0xfa: {  	v20 =	vld [tilespmem:s23+$0xFFFFFFA0]  }
0xfb: {  	v21 =	vld [tilespmem:s24+$0xFFFFFFA0]  }
0xfc: {  	v22 =	vld [tilespmem:s23+$0xFFFFFFB0]  }
0xfd: {  	v23 =	vld [tilespmem:s24+$0xFFFFFFB0]  }
0xfe: {  	v24 =	vld [tilespmem:s23+$0xFFFFFFC0]  }
0xff: {  	v25 =	vld [tilespmem:s24+$0xFFFFFFC0]  }
0x100: {  	v26 =	vld [tilespmem:s23+$0xFFFFFFD0]  }
0x101: {  	v27 =	vld [tilespmem:s24+$0xFFFFFFD0]  }
0x102: {  	v28 =	vld [tilespmem:s23+$0xFFFFFFE0]  }
0x103: {  	v29 =	vld [tilespmem:s24+$0xFFFFFFE0]  }
0x104: {  	v0 =	vmul.f32 v1, v0;
	v1 =	vmul.f32 v3, v2;
	v2 =	vld [tilespmem:s23+$0xFFFFFFF0]  }
0x105: {  	v3 =	vmul.f32 v5, v4;
	v4 =	vmul.f32 v7, v6;
	v5 =	vld [tilespmem:s24+$0xFFFFFFF0]  }
0x106: {  	v6 =	vmul.f32 v9, v8;
	v7 =	vmul.f32 v12, v10;
	v8 =	vld [tilespmem:s23+$0xFFFFFF80]  }
0x107: {  	v9 =	vmul.f32 v13, v11;
	v10 =	vmul.f32 v16, v15  }
0x108: {  	v0 =	vadd.f32 v1, v0;
	v1 =	vmul.f32 v19, v18;
	v11 =	vmul.f32 v21, v20  }
0x109: {  	v3 =	vadd.f32 v4, v3;
	v4 =	vmul.f32 v23, v22;
	v12 =	vmul.f32 v25, v24  }
0x10a: {  	v6 =	vadd.f32 v7, v6;
	v7 =	vmul.f32 v27, v26;
	v13 =	vmul.f32 v29, v28  }
0x10b: {  	v2 =	vmul.f32 v5, v2;
	v5 =	vmul.f32 v17, v8;
	v9 =	vadd.f32 v10, v9  }
0x10c: {  	v4 =	vadd.f32 v4, v11;
	v7 =	vadd.f32 v7, v12  }
0x10d: {  	v2 =	vadd.f32 v2, v13;
	v1 =	vadd.f32 v1, v5  }
0x10e: {  	v0 =	vadd.f32 v3, v0;
	v3 =	vadd.f32 v9, v6  }
0x10f: {  	v2 =	vadd.f32 v2, v7;
	v1 =	vadd.f32 v4, v1  }
0x110: {  	v0 =	vadd.f32 v3, v0  }
0x111: {  	v1 =	vadd.f32 v2, v1  }
0x112: {  	(xrf2) =	vadd.scan.msk.f32 $0xffff, v0  }
0x113: {  	(xrf2) =	vadd.scan.msk.f32 $0xffff, v1  }
0x114: {  	s0 =	sadd.s32 $0x1, s26  }
0x115: {  	v0 =	vmov s0;
	v1 =	vmov s26  }
0x116: {  	v2 =	vbroadcast v14, $0x0;
	v0 =	vadd.s32 $0x40, v0;
	v1 =	vadd.s32 $0x40, v1  }
0x117: {  	v0 =	vbroadcast v0, $0x0;
	v1 =	vand.u32 $0xFFFFFFFE, v1  }
0x118: {  	v1 =	vbroadcast v1, $0x0;
	_ =	sdelay $0x2  }
0x119: {  	v3, _, _ =	vpop (xrf2)  }
0x11a: {  	[tilespmem:v2+s22+$0x0] =	vst.idx.msk vm0, v3;
	v4, _, _ =	vpop (xrf2)  }
0x11b: {  	[tilespmem:v0+s22+$0x0] =	vst.idx.msk vm0, v4;
	v0, _, _ =	vpop (xrf2)  }
0x11c: {  	s31 =	simm.s32 $0x100;
	[tilespmem:v1+s22+$0x0] =	vst.idx.msk vm0, v0  }
0x11d: {  	[tilespmem:s14], [sflag:$0x2] =	stream.indirect.gather [hbm4b:s1+s11], $0x80, s31, s11, $0xb8;
	[tilespmem:$0xC600] =	vst v63  }
0x11e: {  	s23 =	simm.s32 $0x300  }
0x11f: {  	[tilespmem:s16], [sflag:$0x2] =	stream.indirect.gather [hbm4b:s2+s11], $0x80, s23, s11, $0xb8;
	[tilespmem:$0xC600] =	vst v63  }
0x120: {  	_ =	swait.ge [sflag:s29], $0x2000  }
0x121: {  	[sflag:s29] =	ssyncset.done $0x0  }
0x122: {  	[sflag:s29] =	ssyncadd.s32 $0xFFFFE000  }
0x123: {  	_ =	swait.ge [sflag:s29], $0x2000  }
0x124: {  	[sflag:s29] =	ssyncset.done $0x0  }
0x125: {  	s24 =	simm.s32 $0x8480;
	[sflag:s29] =	ssyncadd.s32 $0xFFFFE000  }
0x126: {  	s26 =	simm.s32 $0xA480;
	v0 =	vld [tilespmem:s24+$0x0]  }
0x127: {  	v1 =	vld [tilespmem:s26+$0x0]  }
0x128: {  	v2 =	vld [tilespmem:s24+$0x10]  }
0x129: {  	v3 =	vld [tilespmem:s26+$0x10]  }
0x12a: {  	v4 =	vld [tilespmem:s24+$0x20]  }
0x12b: {  	v5 =	vld [tilespmem:s26+$0x20]  }
0x12c: {  	v6 =	vld [tilespmem:s24+$0x30]  }
0x12d: {  	v7 =	vld [tilespmem:s26+$0x30]  }
0x12e: {  	v8 =	vld [tilespmem:s24+$0x40]  }
0x12f: {  	v9 =	vld [tilespmem:s26+$0x40]  }
0x130: {  	v10 =	vld [tilespmem:s24+$0x50]  }
0x131: {  	v11 =	vld [tilespmem:s26+$0x50]  }
0x132: {  	v12 =	vld [tilespmem:s24+$0x60]  }
0x133: {  	v13 =	vld [tilespmem:s26+$0x60]  }
0x134: {  	v14 =	vld [tilespmem:s24+$0x70]  }
0x135: {  	v15 =	vld [tilespmem:s26+$0x70]  }
0x136: {  	v16 =	vld [tilespmem:s26+$0xFFFFFF80]  }
0x137: {  	v17 =	vld [tilespmem:s24+$0xFFFFFF90]  }
0x138: {  	v18 =	vld [tilespmem:s26+$0xFFFFFF90]  }
0x139: {  	v19 =	vld [tilespmem:s24+$0xFFFFFFA0]  }
0x13a: {  	v58 =	vld [tilespmem:s26+$0xFFFFFFA0]  }
0x13b: {  	v59 =	vld [tilespmem:s24+$0xFFFFFFB0]  }
0x13c: {  	v60 =	vld [tilespmem:s26+$0xFFFFFFB0]  }
0x13d: {  	v61 =	vld [tilespmem:s24+$0xFFFFFFC0];
	v0 =	vmul.f32 v1, v0;
	v1 =	vmul.f32 v3, v2  }
0x13e: {  	v62 =	vld [tilespmem:s26+$0xFFFFFFC0];
	v2 =	vmul.f32 v5, v4;
	v3 =	vmul.f32 v7, v6  }
0x13f: {  	v63 =	vld [tilespmem:s24+$0xFFFFFFD0];
	v4 =	vmul.f32 v9, v8;
	v5 =	vmul.f32 v11, v10  }
0x140: {  	v6 =	vld [tilespmem:s26+$0xFFFFFFD0];
	v8 =	vmul.f32 v13, v12;
	v9 =	vmul.f32 v15, v14  }
0x141: {  	v7 =	vld [tilespmem:s24+$0xFFFFFFE0];
	v0 =	vadd.f32 v1, v0;
	v1 =	vadd.f32 v3, v2  }
0x142: {  	v10 =	vld [tilespmem:s26+$0xFFFFFFE0];
	v2 =	vadd.f32 v5, v4;
	v3 =	vadd.f32 v9, v8  }
0x143: {  	v11 =	vld [tilespmem:s24+$0xFFFFFFF0]  }
0x144: {  	v8 =	vld [tilespmem:s26+$0xFFFFFFF0];
	v4 =	vadd.f32 v1, v0;
	v2 =	vadd.f32 v3, v2  }
0x145: {  	v9 =	vld [tilespmem:s24+$0xFFFFFF80];
	s24 =	simm.s32 $0xA580  }
0x146: {  	s23 =	simm.s32 $0x8580;
	v5 =	vld [tilespmem:s24+$0x20];
	v4 =	vadd.f32 v2, v4  }
0x147: {  	v12 =	vmul.f32 v18, v17;
	v13 =	vmul.f32 v58, v19;
	v0 =	vld [tilespmem:s23+$0x0]  }
0x148: {  	v14 =	vmul.f32 v60, v59;
	v15 =	vmul.f32 v62, v61;
	v1 =	vld [tilespmem:s24+$0x0];
	(xrf2) =	vadd.scan.msk.f32 $0xffff, v4  }
0x149: {  	v3 =	vld [tilespmem:s24+$0x10];
	v17 =	vmul.f32 v6, v63;
	v10 =	vmul.f32 v10, v7  }
0x14a: {  	v6 =	vld [tilespmem:s23+$0x30];
	v11 =	vmul.f32 v8, v11;
	v9 =	vmul.f32 v16, v9  }
0x14b: {  	v13 =	vadd.f32 v14, v13;
	v7 =	vld [tilespmem:s24+$0x30];
	v15 =	vadd.f32 v17, v15  }
0x14c: {  	s30 =	simm.s32 $0x1;
	v2 =	vld [tilespmem:s23+$0x10];
	v11 =	vadd.f32 v11, v10;
	v12 =	vadd.f32 v12, v9  }
0x14d: {  	v18 =	vmov s30;
	v8 =	vld [tilespmem:s23+$0x40]  }
0x14e: {  	v14 =	vadd.s32 $0x80, v18;
	v4 =	vld [tilespmem:s23+$0x20];
	v15 =	vadd.f32 v11, v15;
	v13 =	vadd.f32 v13, v12  }
0x14f: {  	v14 =	vbroadcast v14, $0x0;
	v9 =	vld [tilespmem:s24+$0x40]  }
0x150: {  	v10 =	vld [tilespmem:s23+$0x50];
	v16 =	vadd.f32 v15, v13  }
0x151: {  	v12 =	vld [tilespmem:s24+$0x50]  }
0x152: {  	s31 =	simm.s32 $0x0;
	v11 =	vld [tilespmem:s23+$0x60];
	v18, _, _ =	vpop (xrf2);
	(xrf2) =	vadd.scan.msk.f32 $0xffff, v16  }
0x153: {  	v17 =	vmov s31;
	v13 =	vld [tilespmem:s24+$0x60]  }
0x154: {  	v17 =	vadd.s32 $0x80, v17;
	v15 =	vld [tilespmem:s23+$0x70]  }
0x155: {  	s28 =	simm.s32 $0x4;
	s26 =	simm.s32 $0x2;
	v16 =	vld [tilespmem:s24+$0x70];
	[tilespmem:v14+s22+$0x0] =	vst.idx.msk vm0, v18;
	v14 =	vand.u32 $0xFFFFFFFE, v17  }
.LBB2_6:
0x156: {  	p0 =	slt.u32 s28, $0x3E;
	v17 =	vld [tilespmem:s24+$0xFFFFFF80];
	v14 =	vbroadcast v14, $0x0  }
0x157: {  	v0 =	vmul.f32 v1, v0;
	v1 =	vmul.f32 v3, v2;
	v18 =	vld [tilespmem:s23+$0xFFFFFF90]  }
0x158: {  	v3 =	vmul.f32 v5, v4;
	v4 =	vmul.f32 v7, v6;
	v2 =	vld [tilespmem:s24+$0xFFFFFF90]  }
0x159: {  	v6 =	vmul.f32 v9, v8;
	v12 =	vmul.f32 v12, v10;
	v5 =	vld [tilespmem:s23+$0xFFFFFFA0]  }
0x15a: {  	v9 =	vmul.f32 v13, v11;
	v8 =	vld [tilespmem:s24+$0xFFFFFFA0];
	v10 =	vmul.f32 v16, v15  }
0x15b: {  	v0 =	vadd.f32 v1, v0;
	v1 =	vadd.f32 v4, v3;
	v11 =	vld [tilespmem:s23+$0xFFFFFFB0]  }
0x15c: {  	v4 =	vadd.f32 v12, v6;
	v3 =	vld [tilespmem:s24+$0xFFFFFFB0];
	v6 =	vadd.f32 v10, v9;
	v7, _, _ =	vpop (xrf2)  }
0x15d: {  	v9 =	vmul.f32 v2, v18;
	v2 =	vld [tilespmem:s23+$0xFFFFFFC0];
	[tilespmem:v14+s22+$0x0] =	vst.idx.msk vm0, v7  }
0x15e: {  	v0 =	vadd.f32 v1, v0;
	v7 =	vld [tilespmem:s24+$0xFFFFFFC0];
	v1 =	vadd.f32 v6, v4  }
0x15f: {  	v4 =	vmul.f32 v8, v5;
	v5 =	vld [tilespmem:s23+$0xFFFFFFD0]  }
0x160: {  	v6 =	vld [tilespmem:s24+$0xFFFFFFD0];
	v0 =	vadd.f32 v1, v0  }
0x161: {  	v1 =	vmul.f32 v3, v11;
	v3 =	vld [tilespmem:s23+$0xFFFFFFE0]  }
0x162: {  	v8 =	vld [tilespmem:s24+$0xFFFFFFE0];
	(xrf2) =	vadd.scan.msk.f32 $0xffff, v0  }
0x163: {  	v2 =	vmul.f32 v7, v2;
	v7 =	vld [tilespmem:s23+$0xFFFFFFF0];
	v10 =	vadd.f32 v1, v4  }
0x164: {  	s0 =	sadd.s32 $0x1, s26;
	v4 =	vld [tilespmem:s24+$0xFFFFFFF0]  }
0x165: {  	v1 =	vmov s0;
	v11 =	vld [tilespmem:s23+$0xFFFFFF80];
	v5 =	vmul.f32 v6, v5;
	s23 =	sadd.s32 $0x100, s23  }
0x166: {  	s24 =	sadd.s32 $0x100, s24;
	v6 =	vadd.s32 $0x80, v1;
	v0 =	vld [tilespmem:s23+$0x0]  }
0x167: {  	v13 =	vbroadcast v6, $0x0;
	v1 =	vld [tilespmem:s24+$0x0];
	v8 =	vmul.f32 v8, v3;
	v12 =	vadd.f32 v5, v2  }
0x168: {  	v2 =	vld [tilespmem:s23+$0x10]  }
0x169: {  	v3 =	vld [tilespmem:s24+$0x10];
	v6 =	vmul.f32 v4, v7  }
0x16a: {  	v4 =	vld [tilespmem:s23+$0x20];
	v7 =	vmul.f32 v17, v11  }
0x16b: {  	v5 =	vld [tilespmem:s24+$0x20];
	v8 =	vadd.f32 v6, v8  }
0x16c: {  	v6 =	vld [tilespmem:s23+$0x30];
	v9 =	vadd.f32 v9, v7;
	v11, _, _ =	vpop (xrf2)  }
0x16d: {  	v7 =	vld [tilespmem:s24+$0x30];
	v12 =	vadd.f32 v8, v12;
	[tilespmem:v13+s22+$0x0] =	vst.idx.msk vm0, v11  }
0x16e: {  	v8 =	vld [tilespmem:s23+$0x40];
	v11 =	vadd.f32 v10, v9  }
0x16f: {  	v9 =	vld [tilespmem:s24+$0x40]  }
0x170: {  	v10 =	vld [tilespmem:s23+$0x50];
	v13 =	vadd.f32 v12, v11  }
.Ltmp2:
0x171: {  	v12 =	vld [tilespmem:s24+$0x50];
	(pc) =	sbr.rel @p0 .LBB2_6-.Ltmp2, $4  }
0x172: {  	v11 =	vld [tilespmem:s23+$0x60];
	(xrf2) =	vadd.scan.msk.f32 $0xffff, v13  }
0x173: {  	v14 =	vmov s26;
	s26 =	smov.u32 s28;
	v13 =	vld [tilespmem:s24+$0x60]  }
0x174: {  	v14 =	vadd.s32 $0x80, v14;
	v15 =	vld [tilespmem:s23+$0x70]  }
0x175: {  	s28 =	sadd.s32 $0x2, s28;
	v14 =	vand.u32 $0xFFFFFFFE, v14;
	v16 =	vld [tilespmem:s24+$0x70]  }
0x176: {  	v17 =	vld [tilespmem:s24+$0xFFFFFF80]  }
0x177: {  	v18 =	vld [tilespmem:s23+$0xFFFFFF90]  }
0x178: {  	v19 =	vld [tilespmem:s24+$0xFFFFFF90]  }
0x179: {  	v20 =	vld [tilespmem:s23+$0xFFFFFFA0]  }
0x17a: {  	v21 =	vld [tilespmem:s24+$0xFFFFFFA0]  }
0x17b: {  	v22 =	vld [tilespmem:s23+$0xFFFFFFB0]  }
0x17c: {  	v23 =	vld [tilespmem:s24+$0xFFFFFFB0]  }
0x17d: {  	v24 =	vld [tilespmem:s23+$0xFFFFFFC0]  }
0x17e: {  	v25 =	vld [tilespmem:s24+$0xFFFFFFC0]  }
0x17f: {  	v26 =	vld [tilespmem:s23+$0xFFFFFFD0]  }
0x180: {  	v27 =	vld [tilespmem:s24+$0xFFFFFFD0]  }
0x181: {  	v28 =	vld [tilespmem:s23+$0xFFFFFFE0]  }
0x182: {  	v29 =	vld [tilespmem:s24+$0xFFFFFFE0]  }
0x183: {  	v0 =	vmul.f32 v1, v0;
	v1 =	vmul.f32 v3, v2;
	v2 =	vld [tilespmem:s23+$0xFFFFFFF0]  }
0x184: {  	v3 =	vmul.f32 v5, v4;
	v4 =	vmul.f32 v7, v6;
	v5 =	vld [tilespmem:s24+$0xFFFFFFF0]  }
0x185: {  	v6 =	vmul.f32 v9, v8;
	v7 =	vmul.f32 v12, v10;
	v8 =	vld [tilespmem:s23+$0xFFFFFF80]  }
0x186: {  	v9 =	vmul.f32 v13, v11;
	v10 =	vmul.f32 v16, v15  }
0x187: {  	v0 =	vadd.f32 v1, v0;
	v1 =	vmul.f32 v19, v18;
	v11 =	vmul.f32 v21, v20  }
0x188: {  	v3 =	vadd.f32 v4, v3;
	v4 =	vmul.f32 v23, v22;
	v12 =	vmul.f32 v25, v24  }
0x189: {  	v6 =	vadd.f32 v7, v6;
	v7 =	vmul.f32 v27, v26;
	v13 =	vmul.f32 v29, v28  }
0x18a: {  	v2 =	vmul.f32 v5, v2;
	v5 =	vmul.f32 v17, v8;
	v9 =	vadd.f32 v10, v9  }
0x18b: {  	v4 =	vadd.f32 v4, v11;
	v7 =	vadd.f32 v7, v12  }
0x18c: {  	v2 =	vadd.f32 v2, v13;
	v1 =	vadd.f32 v1, v5  }
0x18d: {  	v0 =	vadd.f32 v3, v0;
	v3 =	vadd.f32 v9, v6  }
0x18e: {  	v2 =	vadd.f32 v2, v7;
	v1 =	vadd.f32 v4, v1  }
0x18f: {  	v0 =	vadd.f32 v3, v0  }
0x190: {  	v1 =	vadd.f32 v2, v1  }
0x191: {  	(xrf2) =	vadd.scan.msk.f32 $0xffff, v0  }
0x192: {  	(xrf2) =	vadd.scan.msk.f32 $0xffff, v1  }
0x193: {  	s0 =	sadd.s32 $0x1, s26  }
0x194: {  	v0 =	vmov s0;
	v1 =	vmov s26  }
0x195: {  	v2 =	vbroadcast v14, $0x0;
	v0 =	vadd.s32 $0x80, v0;
	v1 =	vadd.s32 $0x80, v1  }
0x196: {  	v0 =	vbroadcast v0, $0x0;
	v1 =	vand.u32 $0xFFFFFFFE, v1  }
0x197: {  	v1 =	vbroadcast v1, $0x0;
	_ =	sdelay $0x2  }
0x198: {  	v3, _, _ =	vpop (xrf2)  }
0x199: {  	[tilespmem:v2+s22+$0x0] =	vst.idx.msk vm0, v3;
	v4, _, _ =	vpop (xrf2)  }
0x19a: {  	[tilespmem:v0+s22+$0x0] =	vst.idx.msk vm0, v4;
	v0, _, _ =	vpop (xrf2)  }
0x19b: {  	s31 =	simm.s32 $0x140;
	[tilespmem:v1+s22+$0x0] =	vst.idx.msk vm0, v0  }
0x19c: {  	[tilespmem:s18], [sflag:$0x3] =	stream.indirect.gather [hbm4b:s1+s11], $0x80, s31, s11, $0xb8;
	[tilespmem:$0xC600] =	vst v63  }
0x19d: {  	s23 =	simm.s32 $0x340  }
0x19e: {  	[tilespmem:s20], [sflag:$0x3] =	stream.indirect.gather [hbm4b:s2+s11], $0x80, s23, s11, $0xb8;
	[tilespmem:$0xC600] =	vst v63  }
0x19f: {  	_ =	swait.ge [sflag:s21], $0x2000  }
0x1a0: {  	[sflag:s21] =	ssyncset.done $0x0  }
0x1a1: {  	[sflag:s21] =	ssyncadd.s32 $0xFFFFE000  }
0x1a2: {  	_ =	swait.ge [sflag:s21], $0x2000  }
0x1a3: {  	[sflag:s21] =	ssyncset.done $0x0  }
0x1a4: {  	s24 =	simm.s32 $0x480;
	[sflag:s21] =	ssyncadd.s32 $0xFFFFE000  }
0x1a5: {  	s26 =	simm.s32 $0x2480;
	v0 =	vld [tilespmem:s24+$0x0]  }
0x1a6: {  	v1 =	vld [tilespmem:s26+$0x0]  }
0x1a7: {  	v2 =	vld [tilespmem:s24+$0x10]  }
0x1a8: {  	v3 =	vld [tilespmem:s26+$0x10]  }
0x1a9: {  	v4 =	vld [tilespmem:s24+$0x20]  }
0x1aa: {  	v5 =	vld [tilespmem:s26+$0x20]  }
0x1ab: {  	v6 =	vld [tilespmem:s24+$0x30]  }
0x1ac: {  	v7 =	vld [tilespmem:s26+$0x30]  }
0x1ad: {  	v8 =	vld [tilespmem:s24+$0x40]  }
0x1ae: {  	v9 =	vld [tilespmem:s26+$0x40]  }
0x1af: {  	v10 =	vld [tilespmem:s24+$0x50]  }
0x1b0: {  	v11 =	vld [tilespmem:s26+$0x50]  }
0x1b1: {  	v12 =	vld [tilespmem:s24+$0x60]  }
0x1b2: {  	v13 =	vld [tilespmem:s26+$0x60]  }
0x1b3: {  	v14 =	vld [tilespmem:s24+$0x70]  }
0x1b4: {  	v15 =	vld [tilespmem:s26+$0x70]  }
0x1b5: {  	v16 =	vld [tilespmem:s26+$0xFFFFFF80]  }
0x1b6: {  	v17 =	vld [tilespmem:s24+$0xFFFFFF90]  }
0x1b7: {  	v18 =	vld [tilespmem:s26+$0xFFFFFF90]  }
0x1b8: {  	v19 =	vld [tilespmem:s24+$0xFFFFFFA0]  }
0x1b9: {  	v58 =	vld [tilespmem:s26+$0xFFFFFFA0]  }
0x1ba: {  	v59 =	vld [tilespmem:s24+$0xFFFFFFB0]  }
0x1bb: {  	v60 =	vld [tilespmem:s26+$0xFFFFFFB0]  }
0x1bc: {  	v61 =	vld [tilespmem:s24+$0xFFFFFFC0];
	v0 =	vmul.f32 v1, v0;
	v1 =	vmul.f32 v3, v2  }
0x1bd: {  	v62 =	vld [tilespmem:s26+$0xFFFFFFC0];
	v2 =	vmul.f32 v5, v4;
	v3 =	vmul.f32 v7, v6  }
0x1be: {  	v63 =	vld [tilespmem:s24+$0xFFFFFFD0];
	v4 =	vmul.f32 v9, v8;
	v5 =	vmul.f32 v11, v10  }
0x1bf: {  	v6 =	vld [tilespmem:s26+$0xFFFFFFD0];
	v8 =	vmul.f32 v13, v12;
	v9 =	vmul.f32 v15, v14  }
0x1c0: {  	v7 =	vld [tilespmem:s24+$0xFFFFFFE0];
	v0 =	vadd.f32 v1, v0;
	v1 =	vadd.f32 v3, v2  }
0x1c1: {  	v10 =	vld [tilespmem:s26+$0xFFFFFFE0];
	v2 =	vadd.f32 v5, v4;
	v3 =	vadd.f32 v9, v8  }
0x1c2: {  	v11 =	vld [tilespmem:s24+$0xFFFFFFF0]  }
0x1c3: {  	v8 =	vld [tilespmem:s26+$0xFFFFFFF0];
	v4 =	vadd.f32 v1, v0;
	v2 =	vadd.f32 v3, v2  }
0x1c4: {  	v9 =	vld [tilespmem:s24+$0xFFFFFF80];
	s24 =	simm.s32 $0x2580  }
0x1c5: {  	s23 =	simm.s32 $0x580;
	v5 =	vld [tilespmem:s24+$0x20];
	v4 =	vadd.f32 v2, v4  }
0x1c6: {  	v12 =	vmul.f32 v18, v17;
	v13 =	vmul.f32 v58, v19;
	v0 =	vld [tilespmem:s23+$0x0]  }
0x1c7: {  	v14 =	vmul.f32 v60, v59;
	v15 =	vmul.f32 v62, v61;
	v1 =	vld [tilespmem:s24+$0x0];
	(xrf2) =	vadd.scan.msk.f32 $0xffff, v4  }
0x1c8: {  	v3 =	vld [tilespmem:s24+$0x10];
	v17 =	vmul.f32 v6, v63;
	v10 =	vmul.f32 v10, v7  }
0x1c9: {  	v6 =	vld [tilespmem:s23+$0x30];
	v11 =	vmul.f32 v8, v11;
	v9 =	vmul.f32 v16, v9  }
0x1ca: {  	v13 =	vadd.f32 v14, v13;
	v7 =	vld [tilespmem:s24+$0x30];
	v15 =	vadd.f32 v17, v15  }
0x1cb: {  	s30 =	simm.s32 $0x1;
	v2 =	vld [tilespmem:s23+$0x10];
	v11 =	vadd.f32 v11, v10;
	v12 =	vadd.f32 v12, v9  }
0x1cc: {  	v18 =	vmov s30;
	v8 =	vld [tilespmem:s23+$0x40]  }
0x1cd: {  	v14 =	vadd.s32 $0xC0, v18;
	v4 =	vld [tilespmem:s23+$0x20];
	v15 =	vadd.f32 v11, v15;
	v13 =	vadd.f32 v13, v12  }
0x1ce: {  	v14 =	vbroadcast v14, $0x0;
	v9 =	vld [tilespmem:s24+$0x40]  }
0x1cf: {  	v10 =	vld [tilespmem:s23+$0x50];
	v16 =	vadd.f32 v15, v13  }
0x1d0: {  	v12 =	vld [tilespmem:s24+$0x50]  }
0x1d1: {  	s31 =	simm.s32 $0x0;
	v11 =	vld [tilespmem:s23+$0x60];
	v18, _, _ =	vpop (xrf2);
	(xrf2) =	vadd.scan.msk.f32 $0xffff, v16  }
0x1d2: {  	v17 =	vmov s31;
	v13 =	vld [tilespmem:s24+$0x60]  }
0x1d3: {  	v17 =	vadd.s32 $0xC0, v17;
	v15 =	vld [tilespmem:s23+$0x70]  }
0x1d4: {  	s28 =	simm.s32 $0x4;
	s26 =	simm.s32 $0x2;
	v16 =	vld [tilespmem:s24+$0x70];
	[tilespmem:v14+s22+$0x0] =	vst.idx.msk vm0, v18;
	v14 =	vand.u32 $0xFFFFFFFE, v17  }
.LBB2_8:
0x1d5: {  	p0 =	slt.u32 s28, $0x3E;
	v17 =	vld [tilespmem:s24+$0xFFFFFF80];
	v14 =	vbroadcast v14, $0x0  }
0x1d6: {  	v0 =	vmul.f32 v1, v0;
	v1 =	vmul.f32 v3, v2;
	v18 =	vld [tilespmem:s23+$0xFFFFFF90]  }
0x1d7: {  	v3 =	vmul.f32 v5, v4;
	v4 =	vmul.f32 v7, v6;
	v2 =	vld [tilespmem:s24+$0xFFFFFF90]  }
0x1d8: {  	v6 =	vmul.f32 v9, v8;
	v12 =	vmul.f32 v12, v10;
	v5 =	vld [tilespmem:s23+$0xFFFFFFA0]  }
0x1d9: {  	v9 =	vmul.f32 v13, v11;
	v8 =	vld [tilespmem:s24+$0xFFFFFFA0];
	v10 =	vmul.f32 v16, v15  }
0x1da: {  	v0 =	vadd.f32 v1, v0;
	v1 =	vadd.f32 v4, v3;
	v11 =	vld [tilespmem:s23+$0xFFFFFFB0]  }
0x1db: {  	v4 =	vadd.f32 v12, v6;
	v3 =	vld [tilespmem:s24+$0xFFFFFFB0];
	v6 =	vadd.f32 v10, v9;
	v7, _, _ =	vpop (xrf2)  }
0x1dc: {  	v9 =	vmul.f32 v2, v18;
	v2 =	vld [tilespmem:s23+$0xFFFFFFC0];
	[tilespmem:v14+s22+$0x0] =	vst.idx.msk vm0, v7  }
0x1dd: {  	v0 =	vadd.f32 v1, v0;
	v7 =	vld [tilespmem:s24+$0xFFFFFFC0];
	v1 =	vadd.f32 v6, v4  }
0x1de: {  	v4 =	vmul.f32 v8, v5;
	v5 =	vld [tilespmem:s23+$0xFFFFFFD0]  }
0x1df: {  	v6 =	vld [tilespmem:s24+$0xFFFFFFD0];
	v0 =	vadd.f32 v1, v0  }
0x1e0: {  	v1 =	vmul.f32 v3, v11;
	v3 =	vld [tilespmem:s23+$0xFFFFFFE0]  }
0x1e1: {  	v8 =	vld [tilespmem:s24+$0xFFFFFFE0];
	(xrf2) =	vadd.scan.msk.f32 $0xffff, v0  }
0x1e2: {  	v2 =	vmul.f32 v7, v2;
	v7 =	vld [tilespmem:s23+$0xFFFFFFF0];
	v10 =	vadd.f32 v1, v4  }
0x1e3: {  	s0 =	sadd.s32 $0x1, s26;
	v4 =	vld [tilespmem:s24+$0xFFFFFFF0]  }
0x1e4: {  	v1 =	vmov s0;
	v11 =	vld [tilespmem:s23+$0xFFFFFF80];
	v5 =	vmul.f32 v6, v5;
	s23 =	sadd.s32 $0x100, s23  }
0x1e5: {  	s24 =	sadd.s32 $0x100, s24;
	v6 =	vadd.s32 $0xC0, v1;
	v0 =	vld [tilespmem:s23+$0x0]  }
0x1e6: {  	v13 =	vbroadcast v6, $0x0;
	v1 =	vld [tilespmem:s24+$0x0];
	v8 =	vmul.f32 v8, v3;
	v12 =	vadd.f32 v5, v2  }
0x1e7: {  	v2 =	vld [tilespmem:s23+$0x10]  }
0x1e8: {  	v3 =	vld [tilespmem:s24+$0x10];
	v6 =	vmul.f32 v4, v7  }
0x1e9: {  	v4 =	vld [tilespmem:s23+$0x20];
	v7 =	vmul.f32 v17, v11  }
0x1ea: {  	v5 =	vld [tilespmem:s24+$0x20];
	v8 =	vadd.f32 v6, v8  }
0x1eb: {  	v6 =	vld [tilespmem:s23+$0x30];
	v9 =	vadd.f32 v9, v7;
	v11, _, _ =	vpop (xrf2)  }
0x1ec: {  	v7 =	vld [tilespmem:s24+$0x30];
	v12 =	vadd.f32 v8, v12;
	[tilespmem:v13+s22+$0x0] =	vst.idx.msk vm0, v11  }
0x1ed: {  	v8 =	vld [tilespmem:s23+$0x40];
	v11 =	vadd.f32 v10, v9  }
0x1ee: {  	v9 =	vld [tilespmem:s24+$0x40]  }
0x1ef: {  	v10 =	vld [tilespmem:s23+$0x50];
	v13 =	vadd.f32 v12, v11  }
.Ltmp3:
0x1f0: {  	v12 =	vld [tilespmem:s24+$0x50];
	(pc) =	sbr.rel @p0 .LBB2_8-.Ltmp3, $4  }
0x1f1: {  	v11 =	vld [tilespmem:s23+$0x60];
	(xrf2) =	vadd.scan.msk.f32 $0xffff, v13  }
0x1f2: {  	v14 =	vmov s26;
	s26 =	smov.u32 s28;
	v13 =	vld [tilespmem:s24+$0x60]  }
0x1f3: {  	v14 =	vadd.s32 $0xC0, v14;
	v15 =	vld [tilespmem:s23+$0x70]  }
0x1f4: {  	s28 =	sadd.s32 $0x2, s28;
	v14 =	vand.u32 $0xFFFFFFFE, v14;
	v16 =	vld [tilespmem:s24+$0x70]  }
0x1f5: {  	v17 =	vld [tilespmem:s24+$0xFFFFFF80]  }
0x1f6: {  	v18 =	vld [tilespmem:s23+$0xFFFFFF90]  }
0x1f7: {  	v19 =	vld [tilespmem:s24+$0xFFFFFF90]  }
0x1f8: {  	v20 =	vld [tilespmem:s23+$0xFFFFFFA0]  }
0x1f9: {  	v21 =	vld [tilespmem:s24+$0xFFFFFFA0]  }
0x1fa: {  	v22 =	vld [tilespmem:s23+$0xFFFFFFB0]  }
0x1fb: {  	v23 =	vld [tilespmem:s24+$0xFFFFFFB0]  }
0x1fc: {  	v24 =	vld [tilespmem:s23+$0xFFFFFFC0]  }
0x1fd: {  	v25 =	vld [tilespmem:s24+$0xFFFFFFC0]  }
0x1fe: {  	v26 =	vld [tilespmem:s23+$0xFFFFFFD0]  }
0x1ff: {  	v27 =	vld [tilespmem:s24+$0xFFFFFFD0]  }
0x200: {  	v28 =	vld [tilespmem:s23+$0xFFFFFFE0]  }
0x201: {  	v29 =	vld [tilespmem:s24+$0xFFFFFFE0]  }
0x202: {  	v0 =	vmul.f32 v1, v0;
	v1 =	vmul.f32 v3, v2;
	v2 =	vld [tilespmem:s23+$0xFFFFFFF0]  }
0x203: {  	v3 =	vmul.f32 v5, v4;
	v4 =	vmul.f32 v7, v6;
	v5 =	vld [tilespmem:s24+$0xFFFFFFF0]  }
0x204: {  	v6 =	vmul.f32 v9, v8;
	v7 =	vmul.f32 v12, v10;
	v8 =	vld [tilespmem:s23+$0xFFFFFF80]  }
0x205: {  	v9 =	vmul.f32 v13, v11;
	v10 =	vmul.f32 v16, v15  }
0x206: {  	v0 =	vadd.f32 v1, v0;
	v1 =	vmul.f32 v19, v18;
	v11 =	vmul.f32 v21, v20  }
0x207: {  	v3 =	vadd.f32 v4, v3;
	v4 =	vmul.f32 v23, v22;
	v12 =	vmul.f32 v25, v24  }
0x208: {  	v6 =	vadd.f32 v7, v6;
	v7 =	vmul.f32 v27, v26;
	v13 =	vmul.f32 v29, v28  }
0x209: {  	v2 =	vmul.f32 v5, v2;
	v5 =	vmul.f32 v17, v8;
	v9 =	vadd.f32 v10, v9  }
0x20a: {  	v4 =	vadd.f32 v4, v11;
	v7 =	vadd.f32 v7, v12  }
0x20b: {  	v2 =	vadd.f32 v2, v13;
	v1 =	vadd.f32 v1, v5  }
0x20c: {  	v0 =	vadd.f32 v3, v0;
	v3 =	vadd.f32 v9, v6  }
0x20d: {  	v2 =	vadd.f32 v2, v7;
	v1 =	vadd.f32 v4, v1  }
0x20e: {  	v0 =	vadd.f32 v3, v0  }
0x20f: {  	v1 =	vadd.f32 v2, v1  }
0x210: {  	(xrf2) =	vadd.scan.msk.f32 $0xffff, v0  }
0x211: {  	(xrf2) =	vadd.scan.msk.f32 $0xffff, v1  }
0x212: {  	s0 =	sadd.s32 $0x1, s26  }
0x213: {  	v0 =	vmov s0;
	v1 =	vmov s26  }
0x214: {  	v2 =	vbroadcast v14, $0x0;
	v0 =	vadd.s32 $0xC0, v0;
	v1 =	vadd.s32 $0xC0, v1  }
0x215: {  	v0 =	vbroadcast v0, $0x0;
	v1 =	vand.u32 $0xFFFFFFFE, v1  }
0x216: {  	v1 =	vbroadcast v1, $0x0;
	_ =	sdelay $0x2  }
0x217: {  	v3, _, _ =	vpop (xrf2)  }
0x218: {  	[tilespmem:v2+s22+$0x0] =	vst.idx.msk vm0, v3;
	v4, _, _ =	vpop (xrf2)  }
0x219: {  	[tilespmem:v0+s22+$0x0] =	vst.idx.msk vm0, v4;
	v0, _, _ =	vpop (xrf2)  }
0x21a: {  	s23 =	simm.s32 $0x180;
	[tilespmem:v1+s22+$0x0] =	vst.idx.msk vm0, v0  }
0x21b: {  	[tilespmem:s12], [sflag:$0x1] =	stream.indirect.gather [hbm4b:s1+s11], $0x80, s23, s11, $0xb8;
	[tilespmem:$0xC600] =	vst v63  }
0x21c: {  	_ = 	snop  }
0x21d: {  	[tilespmem:s13], [sflag:$0x1] =	stream.indirect.gather [hbm4b:s2+s11], $0x80, s3, s11, $0xb8;
	[tilespmem:$0xC600] =	vst v63  }
0x21e: {  	_ =	swait.ge [sflag:s25], $0x2000  }
0x21f: {  	[sflag:s25] =	ssyncset.done $0x0  }
0x220: {  	[sflag:s25] =	ssyncadd.s32 $0xFFFFE000  }
0x221: {  	_ =	swait.ge [sflag:s25], $0x2000  }
0x222: {  	[sflag:s25] =	ssyncset.done $0x0  }
0x223: {  	s24 =	simm.s32 $0x4480;
	[sflag:s25] =	ssyncadd.s32 $0xFFFFE000  }
0x224: {  	s26 =	simm.s32 $0x6480;
	v0 =	vld [tilespmem:s24+$0x0]  }
0x225: {  	v1 =	vld [tilespmem:s26+$0x0]  }
0x226: {  	v2 =	vld [tilespmem:s24+$0x10]  }
0x227: {  	v3 =	vld [tilespmem:s26+$0x10]  }
0x228: {  	v4 =	vld [tilespmem:s24+$0x20]  }
0x229: {  	v5 =	vld [tilespmem:s26+$0x20]  }
0x22a: {  	v6 =	vld [tilespmem:s24+$0x30]  }
0x22b: {  	v7 =	vld [tilespmem:s26+$0x30]  }
0x22c: {  	v8 =	vld [tilespmem:s24+$0x40]  }
0x22d: {  	v9 =	vld [tilespmem:s26+$0x40]  }
0x22e: {  	v10 =	vld [tilespmem:s24+$0x50]  }
0x22f: {  	v11 =	vld [tilespmem:s26+$0x50]  }
0x230: {  	v12 =	vld [tilespmem:s24+$0x60]  }
0x231: {  	v13 =	vld [tilespmem:s26+$0x60]  }
0x232: {  	v14 =	vld [tilespmem:s24+$0x70]  }
0x233: {  	v15 =	vld [tilespmem:s26+$0x70]  }
0x234: {  	v16 =	vld [tilespmem:s26+$0xFFFFFF80]  }
0x235: {  	v17 =	vld [tilespmem:s24+$0xFFFFFF90]  }
0x236: {  	v18 =	vld [tilespmem:s26+$0xFFFFFF90]  }
0x237: {  	v19 =	vld [tilespmem:s24+$0xFFFFFFA0]  }
0x238: {  	v58 =	vld [tilespmem:s26+$0xFFFFFFA0]  }
0x239: {  	v59 =	vld [tilespmem:s24+$0xFFFFFFB0]  }
0x23a: {  	v60 =	vld [tilespmem:s26+$0xFFFFFFB0]  }
0x23b: {  	v61 =	vld [tilespmem:s24+$0xFFFFFFC0];
	v0 =	vmul.f32 v1, v0;
	v1 =	vmul.f32 v3, v2  }
0x23c: {  	v62 =	vld [tilespmem:s26+$0xFFFFFFC0];
	v2 =	vmul.f32 v5, v4;
	v3 =	vmul.f32 v7, v6  }
0x23d: {  	v63 =	vld [tilespmem:s24+$0xFFFFFFD0];
	v4 =	vmul.f32 v9, v8;
	v5 =	vmul.f32 v11, v10  }
0x23e: {  	v6 =	vld [tilespmem:s26+$0xFFFFFFD0];
	v8 =	vmul.f32 v13, v12;
	v9 =	vmul.f32 v15, v14  }
0x23f: {  	v7 =	vld [tilespmem:s24+$0xFFFFFFE0];
	v0 =	vadd.f32 v1, v0;
	v1 =	vadd.f32 v3, v2  }
0x240: {  	v10 =	vld [tilespmem:s26+$0xFFFFFFE0];
	v2 =	vadd.f32 v5, v4;
	v3 =	vadd.f32 v9, v8  }
0x241: {  	v11 =	vld [tilespmem:s24+$0xFFFFFFF0]  }
0x242: {  	v8 =	vld [tilespmem:s26+$0xFFFFFFF0];
	v4 =	vadd.f32 v1, v0;
	v2 =	vadd.f32 v3, v2  }
0x243: {  	v9 =	vld [tilespmem:s24+$0xFFFFFF80];
	s24 =	simm.s32 $0x6580  }
0x244: {  	s23 =	simm.s32 $0x4580;
	v5 =	vld [tilespmem:s24+$0x20];
	v4 =	vadd.f32 v2, v4  }
0x245: {  	v12 =	vmul.f32 v18, v17;
	v13 =	vmul.f32 v58, v19;
	v0 =	vld [tilespmem:s23+$0x0]  }
0x246: {  	v14 =	vmul.f32 v60, v59;
	v15 =	vmul.f32 v62, v61;
	v1 =	vld [tilespmem:s24+$0x0];
	(xrf2) =	vadd.scan.msk.f32 $0xffff, v4  }
0x247: {  	v3 =	vld [tilespmem:s24+$0x10];
	v17 =	vmul.f32 v6, v63;
	v10 =	vmul.f32 v10, v7  }
0x248: {  	v6 =	vld [tilespmem:s23+$0x30];
	v11 =	vmul.f32 v8, v11;
	v9 =	vmul.f32 v16, v9  }
0x249: {  	v13 =	vadd.f32 v14, v13;
	v7 =	vld [tilespmem:s24+$0x30];
	v15 =	vadd.f32 v17, v15  }
0x24a: {  	s30 =	simm.s32 $0x1;
	v2 =	vld [tilespmem:s23+$0x10];
	v11 =	vadd.f32 v11, v10;
	v12 =	vadd.f32 v12, v9  }
0x24b: {  	v18 =	vmov s30;
	v8 =	vld [tilespmem:s23+$0x40]  }
0x24c: {  	v14 =	vadd.s32 $0x100, v18;
	v4 =	vld [tilespmem:s23+$0x20];
	v15 =	vadd.f32 v11, v15;
	v13 =	vadd.f32 v13, v12  }
0x24d: {  	v14 =	vbroadcast v14, $0x0;
	v9 =	vld [tilespmem:s24+$0x40]  }
0x24e: {  	v10 =	vld [tilespmem:s23+$0x50];
	v16 =	vadd.f32 v15, v13  }
0x24f: {  	v12 =	vld [tilespmem:s24+$0x50]  }
0x250: {  	s31 =	simm.s32 $0x0;
	v11 =	vld [tilespmem:s23+$0x60];
	v18, _, _ =	vpop (xrf2);
	(xrf2) =	vadd.scan.msk.f32 $0xffff, v16  }
0x251: {  	v17 =	vmov s31;
	v13 =	vld [tilespmem:s24+$0x60]  }
0x252: {  	v17 =	vadd.s32 $0x100, v17;
	v15 =	vld [tilespmem:s23+$0x70]  }
0x253: {  	s28 =	simm.s32 $0x4;
	s26 =	simm.s32 $0x2;
	v16 =	vld [tilespmem:s24+$0x70];
	[tilespmem:v14+s22+$0x0] =	vst.idx.msk vm0, v18;
	v14 =	vand.u32 $0xFFFFFFFE, v17  }
.LBB2_10:
0x254: {  	p0 =	slt.u32 s28, $0x3E;
	v17 =	vld [tilespmem:s24+$0xFFFFFF80];
	v14 =	vbroadcast v14, $0x0  }
0x255: {  	v0 =	vmul.f32 v1, v0;
	v1 =	vmul.f32 v3, v2;
	v18 =	vld [tilespmem:s23+$0xFFFFFF90]  }
0x256: {  	v3 =	vmul.f32 v5, v4;
	v4 =	vmul.f32 v7, v6;
	v2 =	vld [tilespmem:s24+$0xFFFFFF90]  }
0x257: {  	v6 =	vmul.f32 v9, v8;
	v12 =	vmul.f32 v12, v10;
	v5 =	vld [tilespmem:s23+$0xFFFFFFA0]  }
0x258: {  	v9 =	vmul.f32 v13, v11;
	v8 =	vld [tilespmem:s24+$0xFFFFFFA0];
	v10 =	vmul.f32 v16, v15  }
0x259: {  	v0 =	vadd.f32 v1, v0;
	v1 =	vadd.f32 v4, v3;
	v11 =	vld [tilespmem:s23+$0xFFFFFFB0]  }
0x25a: {  	v4 =	vadd.f32 v12, v6;
	v3 =	vld [tilespmem:s24+$0xFFFFFFB0];
	v6 =	vadd.f32 v10, v9;
	v7, _, _ =	vpop (xrf2)  }
0x25b: {  	v9 =	vmul.f32 v2, v18;
	v2 =	vld [tilespmem:s23+$0xFFFFFFC0];
	[tilespmem:v14+s22+$0x0] =	vst.idx.msk vm0, v7  }
0x25c: {  	v0 =	vadd.f32 v1, v0;
	v7 =	vld [tilespmem:s24+$0xFFFFFFC0];
	v1 =	vadd.f32 v6, v4  }
0x25d: {  	v4 =	vmul.f32 v8, v5;
	v5 =	vld [tilespmem:s23+$0xFFFFFFD0]  }
0x25e: {  	v6 =	vld [tilespmem:s24+$0xFFFFFFD0];
	v0 =	vadd.f32 v1, v0  }
0x25f: {  	v1 =	vmul.f32 v3, v11;
	v3 =	vld [tilespmem:s23+$0xFFFFFFE0]  }
0x260: {  	v8 =	vld [tilespmem:s24+$0xFFFFFFE0];
	(xrf2) =	vadd.scan.msk.f32 $0xffff, v0  }
0x261: {  	v2 =	vmul.f32 v7, v2;
	v7 =	vld [tilespmem:s23+$0xFFFFFFF0];
	v10 =	vadd.f32 v1, v4  }
0x262: {  	s0 =	sadd.s32 $0x1, s26;
	v4 =	vld [tilespmem:s24+$0xFFFFFFF0]  }
0x263: {  	v1 =	vmov s0;
	v11 =	vld [tilespmem:s23+$0xFFFFFF80];
	v5 =	vmul.f32 v6, v5;
	s23 =	sadd.s32 $0x100, s23  }
0x264: {  	s24 =	sadd.s32 $0x100, s24;
	v6 =	vadd.s32 $0x100, v1;
	v0 =	vld [tilespmem:s23+$0x0]  }
0x265: {  	v13 =	vbroadcast v6, $0x0;
	v1 =	vld [tilespmem:s24+$0x0];
	v8 =	vmul.f32 v8, v3;
	v12 =	vadd.f32 v5, v2  }
0x266: {  	v2 =	vld [tilespmem:s23+$0x10]  }
0x267: {  	v3 =	vld [tilespmem:s24+$0x10];
	v6 =	vmul.f32 v4, v7  }
0x268: {  	v4 =	vld [tilespmem:s23+$0x20];
	v7 =	vmul.f32 v17, v11  }
0x269: {  	v5 =	vld [tilespmem:s24+$0x20];
	v8 =	vadd.f32 v6, v8  }
0x26a: {  	v6 =	vld [tilespmem:s23+$0x30];
	v9 =	vadd.f32 v9, v7;
	v11, _, _ =	vpop (xrf2)  }
0x26b: {  	v7 =	vld [tilespmem:s24+$0x30];
	v12 =	vadd.f32 v8, v12;
	[tilespmem:v13+s22+$0x0] =	vst.idx.msk vm0, v11  }
0x26c: {  	v8 =	vld [tilespmem:s23+$0x40];
	v11 =	vadd.f32 v10, v9  }
0x26d: {  	v9 =	vld [tilespmem:s24+$0x40]  }
0x26e: {  	v10 =	vld [tilespmem:s23+$0x50];
	v13 =	vadd.f32 v12, v11  }
.Ltmp4:
0x26f: {  	v12 =	vld [tilespmem:s24+$0x50];
	(pc) =	sbr.rel @p0 .LBB2_10-.Ltmp4, $4  }
0x270: {  	v11 =	vld [tilespmem:s23+$0x60];
	(xrf2) =	vadd.scan.msk.f32 $0xffff, v13  }
0x271: {  	v14 =	vmov s26;
	s26 =	smov.u32 s28;
	v13 =	vld [tilespmem:s24+$0x60]  }
0x272: {  	v14 =	vadd.s32 $0x100, v14;
	v15 =	vld [tilespmem:s23+$0x70]  }
0x273: {  	s28 =	sadd.s32 $0x2, s28;
	v14 =	vand.u32 $0xFFFFFFFE, v14;
	v16 =	vld [tilespmem:s24+$0x70]  }
0x274: {  	v17 =	vld [tilespmem:s24+$0xFFFFFF80]  }
0x275: {  	v18 =	vld [tilespmem:s23+$0xFFFFFF90]  }
0x276: {  	v19 =	vld [tilespmem:s24+$0xFFFFFF90]  }
0x277: {  	v20 =	vld [tilespmem:s23+$0xFFFFFFA0]  }
0x278: {  	v21 =	vld [tilespmem:s24+$0xFFFFFFA0]  }
0x279: {  	v22 =	vld [tilespmem:s23+$0xFFFFFFB0]  }
0x27a: {  	v23 =	vld [tilespmem:s24+$0xFFFFFFB0]  }
0x27b: {  	v24 =	vld [tilespmem:s23+$0xFFFFFFC0]  }
0x27c: {  	v25 =	vld [tilespmem:s24+$0xFFFFFFC0]  }
0x27d: {  	v26 =	vld [tilespmem:s23+$0xFFFFFFD0]  }
0x27e: {  	v27 =	vld [tilespmem:s24+$0xFFFFFFD0]  }
0x27f: {  	v28 =	vld [tilespmem:s23+$0xFFFFFFE0]  }
0x280: {  	v29 =	vld [tilespmem:s24+$0xFFFFFFE0]  }
0x281: {  	v0 =	vmul.f32 v1, v0;
	v1 =	vmul.f32 v3, v2;
	v2 =	vld [tilespmem:s23+$0xFFFFFFF0]  }
0x282: {  	v3 =	vmul.f32 v5, v4;
	v4 =	vmul.f32 v7, v6;
	v5 =	vld [tilespmem:s24+$0xFFFFFFF0]  }
0x283: {  	v6 =	vmul.f32 v9, v8;
	v7 =	vmul.f32 v12, v10;
	v8 =	vld [tilespmem:s23+$0xFFFFFF80]  }
0x284: {  	v9 =	vmul.f32 v13, v11;
	v10 =	vmul.f32 v16, v15  }
0x285: {  	v0 =	vadd.f32 v1, v0;
	v1 =	vmul.f32 v19, v18;
	v11 =	vmul.f32 v21, v20  }
0x286: {  	v3 =	vadd.f32 v4, v3;
	v4 =	vmul.f32 v23, v22;
	v12 =	vmul.f32 v25, v24  }
0x287: {  	v6 =	vadd.f32 v7, v6;
	v7 =	vmul.f32 v27, v26;
	v13 =	vmul.f32 v29, v28  }
0x288: {  	v2 =	vmul.f32 v5, v2;
	v5 =	vmul.f32 v17, v8;
	v9 =	vadd.f32 v10, v9  }
0x289: {  	v4 =	vadd.f32 v4, v11;
	v7 =	vadd.f32 v7, v12  }
0x28a: {  	v2 =	vadd.f32 v2, v13;
	v1 =	vadd.f32 v1, v5  }
0x28b: {  	v0 =	vadd.f32 v3, v0;
	v3 =	vadd.f32 v9, v6  }
0x28c: {  	v2 =	vadd.f32 v2, v7;
	v1 =	vadd.f32 v4, v1  }
0x28d: {  	v0 =	vadd.f32 v3, v0  }
0x28e: {  	v1 =	vadd.f32 v2, v1  }
0x28f: {  	(xrf2) =	vadd.scan.msk.f32 $0xffff, v0  }
0x290: {  	(xrf2) =	vadd.scan.msk.f32 $0xffff, v1  }
0x291: {  	s0 =	sadd.s32 $0x1, s26  }
0x292: {  	v0 =	vmov s0;
	v1 =	vmov s26  }
0x293: {  	v2 =	vbroadcast v14, $0x0;
	v0 =	vadd.s32 $0x100, v0;
	v1 =	vadd.s32 $0x100, v1  }
0x294: {  	v0 =	vbroadcast v0, $0x0;
	v1 =	vand.u32 $0xFFFFFFFE, v1  }
0x295: {  	v1 =	vbroadcast v1, $0x0;
	_ =	sdelay $0x2  }
0x296: {  	v3, _, _ =	vpop (xrf2)  }
0x297: {  	[tilespmem:v2+s22+$0x0] =	vst.idx.msk vm0, v3;
	v4, _, _ =	vpop (xrf2)  }
0x298: {  	[tilespmem:v0+s22+$0x0] =	vst.idx.msk vm0, v4;
	v0, _, _ =	vpop (xrf2)  }
0x299: {  	[tilespmem:v1+s22+$0x0] =	vst.idx.msk vm0, v0  }
0x29a: {  	[tilespmem:s14], [sflag:$0x2] =	stream.indirect.gather [hbm4b:s1+s11], $0x80, s15, s11, $0xb8;
	[tilespmem:$0xC600] =	vst v63  }
0x29b: {  	_ = 	snop  }
0x29c: {  	[tilespmem:s16], [sflag:$0x2] =	stream.indirect.gather [hbm4b:s2+s11], $0x80, s17, s11, $0xb8;
	[tilespmem:$0xC600] =	vst v63  }
0x29d: {  	_ =	swait.ge [sflag:s29], $0x2000  }
0x29e: {  	[sflag:s29] =	ssyncset.done $0x0  }
0x29f: {  	[sflag:s29] =	ssyncadd.s32 $0xFFFFE000  }
0x2a0: {  	_ =	swait.ge [sflag:s29], $0x2000  }
0x2a1: {  	[sflag:s29] =	ssyncset.done $0x0  }
0x2a2: {  	s24 =	simm.s32 $0x8480;
	[sflag:s29] =	ssyncadd.s32 $0xFFFFE000  }
0x2a3: {  	s26 =	simm.s32 $0xA480;
	v0 =	vld [tilespmem:s24+$0x0]  }
0x2a4: {  	v1 =	vld [tilespmem:s26+$0x0]  }
0x2a5: {  	v2 =	vld [tilespmem:s24+$0x10]  }
0x2a6: {  	v3 =	vld [tilespmem:s26+$0x10]  }
0x2a7: {  	v4 =	vld [tilespmem:s24+$0x20]  }
0x2a8: {  	v5 =	vld [tilespmem:s26+$0x20]  }
0x2a9: {  	v6 =	vld [tilespmem:s24+$0x30]  }
0x2aa: {  	v7 =	vld [tilespmem:s26+$0x30]  }
0x2ab: {  	v8 =	vld [tilespmem:s24+$0x40]  }
0x2ac: {  	v9 =	vld [tilespmem:s26+$0x40]  }
0x2ad: {  	v10 =	vld [tilespmem:s24+$0x50]  }
0x2ae: {  	v11 =	vld [tilespmem:s26+$0x50]  }
0x2af: {  	v12 =	vld [tilespmem:s24+$0x60]  }
0x2b0: {  	v13 =	vld [tilespmem:s26+$0x60]  }
0x2b1: {  	v14 =	vld [tilespmem:s24+$0x70]  }
0x2b2: {  	v15 =	vld [tilespmem:s26+$0x70]  }
0x2b3: {  	v16 =	vld [tilespmem:s26+$0xFFFFFF80]  }
0x2b4: {  	v17 =	vld [tilespmem:s24+$0xFFFFFF90]  }
0x2b5: {  	v18 =	vld [tilespmem:s26+$0xFFFFFF90]  }
0x2b6: {  	v19 =	vld [tilespmem:s24+$0xFFFFFFA0]  }
0x2b7: {  	v58 =	vld [tilespmem:s26+$0xFFFFFFA0]  }
0x2b8: {  	v59 =	vld [tilespmem:s24+$0xFFFFFFB0]  }
0x2b9: {  	v60 =	vld [tilespmem:s26+$0xFFFFFFB0]  }
0x2ba: {  	v61 =	vld [tilespmem:s24+$0xFFFFFFC0];
	v0 =	vmul.f32 v1, v0;
	v1 =	vmul.f32 v3, v2  }
0x2bb: {  	v62 =	vld [tilespmem:s26+$0xFFFFFFC0];
	v2 =	vmul.f32 v5, v4;
	v3 =	vmul.f32 v7, v6  }
0x2bc: {  	v63 =	vld [tilespmem:s24+$0xFFFFFFD0];
	v4 =	vmul.f32 v9, v8;
	v5 =	vmul.f32 v11, v10  }
0x2bd: {  	v6 =	vld [tilespmem:s26+$0xFFFFFFD0];
	v8 =	vmul.f32 v13, v12;
	v9 =	vmul.f32 v15, v14  }
0x2be: {  	v7 =	vld [tilespmem:s24+$0xFFFFFFE0];
	v0 =	vadd.f32 v1, v0;
	v1 =	vadd.f32 v3, v2  }
0x2bf: {  	v10 =	vld [tilespmem:s26+$0xFFFFFFE0];
	v2 =	vadd.f32 v5, v4;
	v3 =	vadd.f32 v9, v8  }
0x2c0: {  	v11 =	vld [tilespmem:s24+$0xFFFFFFF0]  }
0x2c1: {  	v8 =	vld [tilespmem:s26+$0xFFFFFFF0];
	v4 =	vadd.f32 v1, v0;
	v2 =	vadd.f32 v3, v2  }
0x2c2: {  	v9 =	vld [tilespmem:s24+$0xFFFFFF80];
	s24 =	simm.s32 $0xA580  }
0x2c3: {  	s23 =	simm.s32 $0x8580;
	v5 =	vld [tilespmem:s24+$0x20];
	v4 =	vadd.f32 v2, v4  }
0x2c4: {  	v12 =	vmul.f32 v18, v17;
	v13 =	vmul.f32 v58, v19;
	v0 =	vld [tilespmem:s23+$0x0]  }
0x2c5: {  	v14 =	vmul.f32 v60, v59;
	v15 =	vmul.f32 v62, v61;
	v1 =	vld [tilespmem:s24+$0x0];
	(xrf2) =	vadd.scan.msk.f32 $0xffff, v4  }
0x2c6: {  	v3 =	vld [tilespmem:s24+$0x10];
	v17 =	vmul.f32 v6, v63;
	v10 =	vmul.f32 v10, v7  }
0x2c7: {  	v6 =	vld [tilespmem:s23+$0x30];
	v11 =	vmul.f32 v8, v11;
	v9 =	vmul.f32 v16, v9  }
0x2c8: {  	v13 =	vadd.f32 v14, v13;
	v7 =	vld [tilespmem:s24+$0x30];
	v15 =	vadd.f32 v17, v15  }
0x2c9: {  	s30 =	simm.s32 $0x1;
	v2 =	vld [tilespmem:s23+$0x10];
	v11 =	vadd.f32 v11, v10;
	v12 =	vadd.f32 v12, v9  }
0x2ca: {  	v18 =	vmov s30;
	v8 =	vld [tilespmem:s23+$0x40]  }
0x2cb: {  	v14 =	vadd.s32 $0x140, v18;
	v4 =	vld [tilespmem:s23+$0x20];
	v15 =	vadd.f32 v11, v15;
	v13 =	vadd.f32 v13, v12  }
0x2cc: {  	v14 =	vbroadcast v14, $0x0;
	v9 =	vld [tilespmem:s24+$0x40]  }
0x2cd: {  	v10 =	vld [tilespmem:s23+$0x50];
	v16 =	vadd.f32 v15, v13  }
0x2ce: {  	v12 =	vld [tilespmem:s24+$0x50]  }
0x2cf: {  	s31 =	simm.s32 $0x0;
	v11 =	vld [tilespmem:s23+$0x60];
	v18, _, _ =	vpop (xrf2);
	(xrf2) =	vadd.scan.msk.f32 $0xffff, v16  }
0x2d0: {  	v17 =	vmov s31;
	v13 =	vld [tilespmem:s24+$0x60]  }
0x2d1: {  	v17 =	vadd.s32 $0x140, v17;
	v15 =	vld [tilespmem:s23+$0x70]  }
0x2d2: {  	s28 =	simm.s32 $0x4;
	s26 =	simm.s32 $0x2;
	v16 =	vld [tilespmem:s24+$0x70];
	[tilespmem:v14+s22+$0x0] =	vst.idx.msk vm0, v18;
	v14 =	vand.u32 $0xFFFFFFFE, v17  }
.LBB2_12:
0x2d3: {  	p0 =	slt.u32 s28, $0x3E;
	v17 =	vld [tilespmem:s24+$0xFFFFFF80];
	v14 =	vbroadcast v14, $0x0  }
0x2d4: {  	v0 =	vmul.f32 v1, v0;
	v1 =	vmul.f32 v3, v2;
	v18 =	vld [tilespmem:s23+$0xFFFFFF90]  }
0x2d5: {  	v3 =	vmul.f32 v5, v4;
	v4 =	vmul.f32 v7, v6;
	v2 =	vld [tilespmem:s24+$0xFFFFFF90]  }
0x2d6: {  	v6 =	vmul.f32 v9, v8;
	v12 =	vmul.f32 v12, v10;
	v5 =	vld [tilespmem:s23+$0xFFFFFFA0]  }
0x2d7: {  	v9 =	vmul.f32 v13, v11;
	v8 =	vld [tilespmem:s24+$0xFFFFFFA0];
	v10 =	vmul.f32 v16, v15  }
0x2d8: {  	v0 =	vadd.f32 v1, v0;
	v1 =	vadd.f32 v4, v3;
	v11 =	vld [tilespmem:s23+$0xFFFFFFB0]  }
0x2d9: {  	v4 =	vadd.f32 v12, v6;
	v3 =	vld [tilespmem:s24+$0xFFFFFFB0];
	v6 =	vadd.f32 v10, v9;
	v7, _, _ =	vpop (xrf2)  }
0x2da: {  	v9 =	vmul.f32 v2, v18;
	v2 =	vld [tilespmem:s23+$0xFFFFFFC0];
	[tilespmem:v14+s22+$0x0] =	vst.idx.msk vm0, v7  }
0x2db: {  	v0 =	vadd.f32 v1, v0;
	v7 =	vld [tilespmem:s24+$0xFFFFFFC0];
	v1 =	vadd.f32 v6, v4  }
0x2dc: {  	v4 =	vmul.f32 v8, v5;
	v5 =	vld [tilespmem:s23+$0xFFFFFFD0]  }
0x2dd: {  	v6 =	vld [tilespmem:s24+$0xFFFFFFD0];
	v0 =	vadd.f32 v1, v0  }
0x2de: {  	v1 =	vmul.f32 v3, v11;
	v3 =	vld [tilespmem:s23+$0xFFFFFFE0]  }
0x2df: {  	v8 =	vld [tilespmem:s24+$0xFFFFFFE0];
	(xrf2) =	vadd.scan.msk.f32 $0xffff, v0  }
0x2e0: {  	v2 =	vmul.f32 v7, v2;
	v7 =	vld [tilespmem:s23+$0xFFFFFFF0];
	v10 =	vadd.f32 v1, v4  }
0x2e1: {  	s0 =	sadd.s32 $0x1, s26;
	v4 =	vld [tilespmem:s24+$0xFFFFFFF0]  }
0x2e2: {  	v1 =	vmov s0;
	v11 =	vld [tilespmem:s23+$0xFFFFFF80];
	v5 =	vmul.f32 v6, v5;
	s23 =	sadd.s32 $0x100, s23  }
0x2e3: {  	s24 =	sadd.s32 $0x100, s24;
	v6 =	vadd.s32 $0x140, v1;
	v0 =	vld [tilespmem:s23+$0x0]  }
0x2e4: {  	v13 =	vbroadcast v6, $0x0;
	v1 =	vld [tilespmem:s24+$0x0];
	v8 =	vmul.f32 v8, v3;
	v12 =	vadd.f32 v5, v2  }
0x2e5: {  	v2 =	vld [tilespmem:s23+$0x10]  }
0x2e6: {  	v3 =	vld [tilespmem:s24+$0x10];
	v6 =	vmul.f32 v4, v7  }
0x2e7: {  	v4 =	vld [tilespmem:s23+$0x20];
	v7 =	vmul.f32 v17, v11  }
0x2e8: {  	v5 =	vld [tilespmem:s24+$0x20];
	v8 =	vadd.f32 v6, v8  }
0x2e9: {  	v6 =	vld [tilespmem:s23+$0x30];
	v9 =	vadd.f32 v9, v7;
	v11, _, _ =	vpop (xrf2)  }
0x2ea: {  	v7 =	vld [tilespmem:s24+$0x30];
	v12 =	vadd.f32 v8, v12;
	[tilespmem:v13+s22+$0x0] =	vst.idx.msk vm0, v11  }
0x2eb: {  	v8 =	vld [tilespmem:s23+$0x40];
	v11 =	vadd.f32 v10, v9  }
0x2ec: {  	v9 =	vld [tilespmem:s24+$0x40]  }
0x2ed: {  	v10 =	vld [tilespmem:s23+$0x50];
	v13 =	vadd.f32 v12, v11  }
.Ltmp5:
0x2ee: {  	v12 =	vld [tilespmem:s24+$0x50];
	(pc) =	sbr.rel @p0 .LBB2_12-.Ltmp5, $4  }
0x2ef: {  	v11 =	vld [tilespmem:s23+$0x60];
	(xrf2) =	vadd.scan.msk.f32 $0xffff, v13  }
0x2f0: {  	v14 =	vmov s26;
	s26 =	smov.u32 s28;
	v13 =	vld [tilespmem:s24+$0x60]  }
0x2f1: {  	v14 =	vadd.s32 $0x140, v14;
	v15 =	vld [tilespmem:s23+$0x70]  }
0x2f2: {  	s28 =	sadd.s32 $0x2, s28;
	v14 =	vand.u32 $0xFFFFFFFE, v14;
	v16 =	vld [tilespmem:s24+$0x70]  }
0x2f3: {  	v17 =	vld [tilespmem:s24+$0xFFFFFF80]  }
0x2f4: {  	v18 =	vld [tilespmem:s23+$0xFFFFFF90]  }
0x2f5: {  	v19 =	vld [tilespmem:s24+$0xFFFFFF90]  }
0x2f6: {  	v20 =	vld [tilespmem:s23+$0xFFFFFFA0]  }
0x2f7: {  	v21 =	vld [tilespmem:s24+$0xFFFFFFA0]  }
0x2f8: {  	v22 =	vld [tilespmem:s23+$0xFFFFFFB0]  }
0x2f9: {  	v23 =	vld [tilespmem:s24+$0xFFFFFFB0]  }
0x2fa: {  	v24 =	vld [tilespmem:s23+$0xFFFFFFC0]  }
0x2fb: {  	v25 =	vld [tilespmem:s24+$0xFFFFFFC0]  }
0x2fc: {  	v26 =	vld [tilespmem:s23+$0xFFFFFFD0]  }
0x2fd: {  	v27 =	vld [tilespmem:s24+$0xFFFFFFD0]  }
0x2fe: {  	v28 =	vld [tilespmem:s23+$0xFFFFFFE0]  }
0x2ff: {  	v29 =	vld [tilespmem:s24+$0xFFFFFFE0]  }
0x300: {  	v0 =	vmul.f32 v1, v0;
	v1 =	vmul.f32 v3, v2;
	v2 =	vld [tilespmem:s23+$0xFFFFFFF0]  }
0x301: {  	v3 =	vmul.f32 v5, v4;
	v4 =	vmul.f32 v7, v6;
	v5 =	vld [tilespmem:s24+$0xFFFFFFF0]  }
0x302: {  	v6 =	vmul.f32 v9, v8;
	v7 =	vmul.f32 v12, v10;
	v8 =	vld [tilespmem:s23+$0xFFFFFF80]  }
0x303: {  	v9 =	vmul.f32 v13, v11;
	v10 =	vmul.f32 v16, v15  }
0x304: {  	v0 =	vadd.f32 v1, v0;
	v1 =	vmul.f32 v19, v18;
	v11 =	vmul.f32 v21, v20  }
0x305: {  	v3 =	vadd.f32 v4, v3;
	v4 =	vmul.f32 v23, v22;
	v12 =	vmul.f32 v25, v24  }
0x306: {  	v6 =	vadd.f32 v7, v6;
	v7 =	vmul.f32 v27, v26;
	v13 =	vmul.f32 v29, v28  }
0x307: {  	v2 =	vmul.f32 v5, v2;
	v5 =	vmul.f32 v17, v8;
	v9 =	vadd.f32 v10, v9  }
0x308: {  	v4 =	vadd.f32 v4, v11;
	v7 =	vadd.f32 v7, v12  }
0x309: {  	v2 =	vadd.f32 v2, v13;
	v1 =	vadd.f32 v1, v5  }
0x30a: {  	v0 =	vadd.f32 v3, v0;
	v3 =	vadd.f32 v9, v6  }
0x30b: {  	v2 =	vadd.f32 v2, v7;
	v1 =	vadd.f32 v4, v1  }
0x30c: {  	v0 =	vadd.f32 v3, v0  }
0x30d: {  	v1 =	vadd.f32 v2, v1  }
0x30e: {  	(xrf2) =	vadd.scan.msk.f32 $0xffff, v0  }
0x30f: {  	(xrf2) =	vadd.scan.msk.f32 $0xffff, v1  }
0x310: {  	s0 =	sadd.s32 $0x1, s26  }
0x311: {  	v0 =	vmov s0;
	v1 =	vmov s26  }
0x312: {  	v2 =	vbroadcast v14, $0x0;
	v0 =	vadd.s32 $0x140, v0;
	v1 =	vadd.s32 $0x140, v1  }
0x313: {  	v0 =	vbroadcast v0, $0x0;
	v1 =	vand.u32 $0xFFFFFFFE, v1  }
0x314: {  	v1 =	vbroadcast v1, $0x0;
	_ =	sdelay $0x2  }
0x315: {  	v3, _, _ =	vpop (xrf2)  }
0x316: {  	[tilespmem:v2+s22+$0x0] =	vst.idx.msk vm0, v3;
	v4, _, _ =	vpop (xrf2)  }
0x317: {  	[tilespmem:v0+s22+$0x0] =	vst.idx.msk vm0, v4;
	v0, _, _ =	vpop (xrf2)  }
0x318: {  	[tilespmem:v1+s22+$0x0] =	vst.idx.msk vm0, v0  }
0x319: {  	_ =	swait.ge [sflag:s21], $0x2000  }
0x31a: {  	[sflag:s21] =	ssyncset.done $0x0  }
0x31b: {  	[sflag:s21] =	ssyncadd.s32 $0xFFFFE000  }
0x31c: {  	_ =	swait.ge [sflag:s21], $0x2000  }
0x31d: {  	[sflag:s21] =	ssyncset.done $0x0  }
0x31e: {  	s24 =	simm.s32 $0x480;
	[sflag:s21] =	ssyncadd.s32 $0xFFFFE000  }
0x31f: {  	s26 =	simm.s32 $0x2480;
	v0 =	vld [tilespmem:s24+$0x0]  }
0x320: {  	v1 =	vld [tilespmem:s26+$0x0]  }
0x321: {  	v2 =	vld [tilespmem:s24+$0x10]  }
0x322: {  	v3 =	vld [tilespmem:s26+$0x10]  }
0x323: {  	v4 =	vld [tilespmem:s24+$0x20]  }
0x324: {  	v5 =	vld [tilespmem:s26+$0x20]  }
0x325: {  	v6 =	vld [tilespmem:s24+$0x30]  }
0x326: {  	v7 =	vld [tilespmem:s26+$0x30]  }
0x327: {  	v8 =	vld [tilespmem:s24+$0x40]  }
0x328: {  	v9 =	vld [tilespmem:s26+$0x40]  }
0x329: {  	v10 =	vld [tilespmem:s24+$0x50]  }
0x32a: {  	v11 =	vld [tilespmem:s26+$0x50]  }
0x32b: {  	v12 =	vld [tilespmem:s24+$0x60]  }
0x32c: {  	v13 =	vld [tilespmem:s26+$0x60]  }
0x32d: {  	v14 =	vld [tilespmem:s24+$0x70]  }
0x32e: {  	v15 =	vld [tilespmem:s26+$0x70]  }
0x32f: {  	v16 =	vld [tilespmem:s26+$0xFFFFFF80]  }
0x330: {  	v17 =	vld [tilespmem:s24+$0xFFFFFF90]  }
0x331: {  	v18 =	vld [tilespmem:s26+$0xFFFFFF90]  }
0x332: {  	v19 =	vld [tilespmem:s24+$0xFFFFFFA0]  }
0x333: {  	v58 =	vld [tilespmem:s26+$0xFFFFFFA0]  }
0x334: {  	v59 =	vld [tilespmem:s24+$0xFFFFFFB0]  }
0x335: {  	v60 =	vld [tilespmem:s26+$0xFFFFFFB0]  }
0x336: {  	v61 =	vld [tilespmem:s24+$0xFFFFFFC0];
	v0 =	vmul.f32 v1, v0;
	v1 =	vmul.f32 v3, v2  }
0x337: {  	v62 =	vld [tilespmem:s26+$0xFFFFFFC0];
	v2 =	vmul.f32 v5, v4;
	v3 =	vmul.f32 v7, v6  }
0x338: {  	v63 =	vld [tilespmem:s24+$0xFFFFFFD0];
	v4 =	vmul.f32 v9, v8;
	v5 =	vmul.f32 v11, v10  }
0x339: {  	v6 =	vld [tilespmem:s26+$0xFFFFFFD0];
	v8 =	vmul.f32 v13, v12;
	v9 =	vmul.f32 v15, v14  }
0x33a: {  	v7 =	vld [tilespmem:s24+$0xFFFFFFE0];
	v0 =	vadd.f32 v1, v0;
	v1 =	vadd.f32 v3, v2  }
0x33b: {  	v10 =	vld [tilespmem:s26+$0xFFFFFFE0];
	v2 =	vadd.f32 v5, v4;
	v3 =	vadd.f32 v9, v8  }
0x33c: {  	v11 =	vld [tilespmem:s24+$0xFFFFFFF0]  }
0x33d: {  	v8 =	vld [tilespmem:s26+$0xFFFFFFF0];
	v4 =	vadd.f32 v1, v0;
	v2 =	vadd.f32 v3, v2  }
0x33e: {  	v9 =	vld [tilespmem:s24+$0xFFFFFF80];
	s24 =	simm.s32 $0x2580  }
0x33f: {  	s23 =	simm.s32 $0x580;
	v5 =	vld [tilespmem:s24+$0x20];
	v4 =	vadd.f32 v2, v4  }
0x340: {  	v12 =	vmul.f32 v18, v17;
	v13 =	vmul.f32 v58, v19;
	v0 =	vld [tilespmem:s23+$0x0]  }
0x341: {  	v14 =	vmul.f32 v60, v59;
	v15 =	vmul.f32 v62, v61;
	v1 =	vld [tilespmem:s24+$0x0];
	(xrf2) =	vadd.scan.msk.f32 $0xffff, v4  }
0x342: {  	v3 =	vld [tilespmem:s24+$0x10];
	v17 =	vmul.f32 v6, v63;
	v10 =	vmul.f32 v10, v7  }
0x343: {  	v6 =	vld [tilespmem:s23+$0x30];
	v11 =	vmul.f32 v8, v11;
	v9 =	vmul.f32 v16, v9  }
0x344: {  	v13 =	vadd.f32 v14, v13;
	v7 =	vld [tilespmem:s24+$0x30];
	v15 =	vadd.f32 v17, v15  }
0x345: {  	s30 =	simm.s32 $0x1;
	v2 =	vld [tilespmem:s23+$0x10];
	v11 =	vadd.f32 v11, v10;
	v12 =	vadd.f32 v12, v9  }
0x346: {  	v18 =	vmov s30;
	v8 =	vld [tilespmem:s23+$0x40]  }
0x347: {  	v14 =	vadd.s32 $0x180, v18;
	v4 =	vld [tilespmem:s23+$0x20];
	v15 =	vadd.f32 v11, v15;
	v13 =	vadd.f32 v13, v12  }
0x348: {  	v14 =	vbroadcast v14, $0x0;
	v9 =	vld [tilespmem:s24+$0x40]  }
0x349: {  	v10 =	vld [tilespmem:s23+$0x50];
	v16 =	vadd.f32 v15, v13  }
0x34a: {  	v12 =	vld [tilespmem:s24+$0x50]  }
0x34b: {  	s31 =	simm.s32 $0x0;
	v11 =	vld [tilespmem:s23+$0x60];
	v18, _, _ =	vpop (xrf2);
	(xrf2) =	vadd.scan.msk.f32 $0xffff, v16  }
0x34c: {  	v17 =	vmov s31;
	v13 =	vld [tilespmem:s24+$0x60]  }
0x34d: {  	v17 =	vadd.s32 $0x180, v17;
	v15 =	vld [tilespmem:s23+$0x70]  }
0x34e: {  	s28 =	simm.s32 $0x4;
	s26 =	simm.s32 $0x2;
	v16 =	vld [tilespmem:s24+$0x70];
	[tilespmem:v14+s22+$0x0] =	vst.idx.msk vm0, v18;
	v14 =	vand.u32 $0xFFFFFFFE, v17  }
.LBB2_14:
0x34f: {  	p0 =	slt.u32 s28, $0x3E;
	v17 =	vld [tilespmem:s24+$0xFFFFFF80];
	v14 =	vbroadcast v14, $0x0  }
0x350: {  	v0 =	vmul.f32 v1, v0;
	v1 =	vmul.f32 v3, v2;
	v18 =	vld [tilespmem:s23+$0xFFFFFF90]  }
0x351: {  	v3 =	vmul.f32 v5, v4;
	v4 =	vmul.f32 v7, v6;
	v2 =	vld [tilespmem:s24+$0xFFFFFF90]  }
0x352: {  	v6 =	vmul.f32 v9, v8;
	v12 =	vmul.f32 v12, v10;
	v5 =	vld [tilespmem:s23+$0xFFFFFFA0]  }
0x353: {  	v9 =	vmul.f32 v13, v11;
	v8 =	vld [tilespmem:s24+$0xFFFFFFA0];
	v10 =	vmul.f32 v16, v15  }
0x354: {  	v0 =	vadd.f32 v1, v0;
	v1 =	vadd.f32 v4, v3;
	v11 =	vld [tilespmem:s23+$0xFFFFFFB0]  }
0x355: {  	v4 =	vadd.f32 v12, v6;
	v3 =	vld [tilespmem:s24+$0xFFFFFFB0];
	v6 =	vadd.f32 v10, v9;
	v7, _, _ =	vpop (xrf2)  }
0x356: {  	v9 =	vmul.f32 v2, v18;
	v2 =	vld [tilespmem:s23+$0xFFFFFFC0];
	[tilespmem:v14+s22+$0x0] =	vst.idx.msk vm0, v7  }
0x357: {  	v0 =	vadd.f32 v1, v0;
	v7 =	vld [tilespmem:s24+$0xFFFFFFC0];
	v1 =	vadd.f32 v6, v4  }
0x358: {  	v4 =	vmul.f32 v8, v5;
	v5 =	vld [tilespmem:s23+$0xFFFFFFD0]  }
0x359: {  	v6 =	vld [tilespmem:s24+$0xFFFFFFD0];
	v0 =	vadd.f32 v1, v0  }
0x35a: {  	v1 =	vmul.f32 v3, v11;
	v3 =	vld [tilespmem:s23+$0xFFFFFFE0]  }
0x35b: {  	v8 =	vld [tilespmem:s24+$0xFFFFFFE0];
	(xrf2) =	vadd.scan.msk.f32 $0xffff, v0  }
0x35c: {  	v2 =	vmul.f32 v7, v2;
	v7 =	vld [tilespmem:s23+$0xFFFFFFF0];
	v10 =	vadd.f32 v1, v4  }
0x35d: {  	s0 =	sadd.s32 $0x1, s26;
	v4 =	vld [tilespmem:s24+$0xFFFFFFF0]  }
0x35e: {  	v1 =	vmov s0;
	v11 =	vld [tilespmem:s23+$0xFFFFFF80];
	v5 =	vmul.f32 v6, v5;
	s23 =	sadd.s32 $0x100, s23  }
0x35f: {  	s24 =	sadd.s32 $0x100, s24;
	v6 =	vadd.s32 $0x180, v1;
	v0 =	vld [tilespmem:s23+$0x0]  }
0x360: {  	v13 =	vbroadcast v6, $0x0;
	v1 =	vld [tilespmem:s24+$0x0];
	v8 =	vmul.f32 v8, v3;
	v12 =	vadd.f32 v5, v2  }
0x361: {  	v2 =	vld [tilespmem:s23+$0x10]  }
0x362: {  	v3 =	vld [tilespmem:s24+$0x10];
	v6 =	vmul.f32 v4, v7  }
0x363: {  	v4 =	vld [tilespmem:s23+$0x20];
	v7 =	vmul.f32 v17, v11  }
0x364: {  	v5 =	vld [tilespmem:s24+$0x20];
	v8 =	vadd.f32 v6, v8  }
0x365: {  	v6 =	vld [tilespmem:s23+$0x30];
	v9 =	vadd.f32 v9, v7;
	v11, _, _ =	vpop (xrf2)  }
0x366: {  	v7 =	vld [tilespmem:s24+$0x30];
	v12 =	vadd.f32 v8, v12;
	[tilespmem:v13+s22+$0x0] =	vst.idx.msk vm0, v11  }
0x367: {  	v8 =	vld [tilespmem:s23+$0x40];
	v11 =	vadd.f32 v10, v9  }
0x368: {  	v9 =	vld [tilespmem:s24+$0x40]  }
0x369: {  	v10 =	vld [tilespmem:s23+$0x50];
	v13 =	vadd.f32 v12, v11  }
.Ltmp6:
0x36a: {  	v12 =	vld [tilespmem:s24+$0x50];
	(pc) =	sbr.rel @p0 .LBB2_14-.Ltmp6, $4  }
0x36b: {  	v11 =	vld [tilespmem:s23+$0x60];
	(xrf2) =	vadd.scan.msk.f32 $0xffff, v13  }
0x36c: {  	v14 =	vmov s26;
	s26 =	smov.u32 s28;
	v13 =	vld [tilespmem:s24+$0x60]  }
0x36d: {  	v14 =	vadd.s32 $0x180, v14;
	v15 =	vld [tilespmem:s23+$0x70]  }
0x36e: {  	s28 =	sadd.s32 $0x2, s28;
	v14 =	vand.u32 $0xFFFFFFFE, v14;
	v16 =	vld [tilespmem:s24+$0x70]  }
0x36f: {  	v17 =	vld [tilespmem:s24+$0xFFFFFF80]  }
0x370: {  	v18 =	vld [tilespmem:s23+$0xFFFFFF90]  }
0x371: {  	v19 =	vld [tilespmem:s24+$0xFFFFFF90]  }
0x372: {  	v20 =	vld [tilespmem:s23+$0xFFFFFFA0]  }
0x373: {  	v21 =	vld [tilespmem:s24+$0xFFFFFFA0]  }
0x374: {  	v22 =	vld [tilespmem:s23+$0xFFFFFFB0]  }
0x375: {  	v23 =	vld [tilespmem:s24+$0xFFFFFFB0]  }
0x376: {  	v24 =	vld [tilespmem:s23+$0xFFFFFFC0]  }
0x377: {  	v25 =	vld [tilespmem:s24+$0xFFFFFFC0]  }
0x378: {  	v26 =	vld [tilespmem:s23+$0xFFFFFFD0]  }
0x379: {  	v27 =	vld [tilespmem:s24+$0xFFFFFFD0]  }
0x37a: {  	v28 =	vld [tilespmem:s23+$0xFFFFFFE0]  }
0x37b: {  	v29 =	vld [tilespmem:s24+$0xFFFFFFE0]  }
0x37c: {  	v0 =	vmul.f32 v1, v0;
	v1 =	vmul.f32 v3, v2;
	v2 =	vld [tilespmem:s23+$0xFFFFFFF0]  }
0x37d: {  	v3 =	vmul.f32 v5, v4;
	v4 =	vmul.f32 v7, v6;
	v5 =	vld [tilespmem:s24+$0xFFFFFFF0]  }
0x37e: {  	v6 =	vmul.f32 v9, v8;
	v7 =	vmul.f32 v12, v10;
	v8 =	vld [tilespmem:s23+$0xFFFFFF80]  }
0x37f: {  	v9 =	vmul.f32 v13, v11;
	v10 =	vmul.f32 v16, v15  }
0x380: {  	v0 =	vadd.f32 v1, v0;
	v1 =	vmul.f32 v19, v18;
	v11 =	vmul.f32 v21, v20  }
0x381: {  	v3 =	vadd.f32 v4, v3;
	v4 =	vmul.f32 v23, v22;
	v12 =	vmul.f32 v25, v24  }
0x382: {  	v6 =	vadd.f32 v7, v6;
	v7 =	vmul.f32 v27, v26;
	v13 =	vmul.f32 v29, v28  }
0x383: {  	v2 =	vmul.f32 v5, v2;
	v5 =	vmul.f32 v17, v8;
	v9 =	vadd.f32 v10, v9  }
0x384: {  	v4 =	vadd.f32 v4, v11;
	v7 =	vadd.f32 v7, v12  }
0x385: {  	v2 =	vadd.f32 v2, v13;
	v1 =	vadd.f32 v1, v5  }
0x386: {  	v0 =	vadd.f32 v3, v0;
	v3 =	vadd.f32 v9, v6  }
0x387: {  	v2 =	vadd.f32 v2, v7;
	v1 =	vadd.f32 v4, v1  }
0x388: {  	v0 =	vadd.f32 v3, v0  }
0x389: {  	v1 =	vadd.f32 v2, v1  }
0x38a: {  	(xrf2) =	vadd.scan.msk.f32 $0xffff, v0  }
0x38b: {  	(xrf2) =	vadd.scan.msk.f32 $0xffff, v1  }
0x38c: {  	s0 =	sadd.s32 $0x1, s26  }
0x38d: {  	v0 =	vmov s0;
	v1 =	vmov s26  }
0x38e: {  	v2 =	vbroadcast v14, $0x0;
	v0 =	vadd.s32 $0x180, v0;
	v1 =	vadd.s32 $0x180, v1  }
0x38f: {  	v0 =	vbroadcast v0, $0x0;
	v1 =	vand.u32 $0xFFFFFFFE, v1  }
0x390: {  	v1 =	vbroadcast v1, $0x0;
	_ =	sdelay $0x2  }
0x391: {  	v3, _, _ =	vpop (xrf2)  }
0x392: {  	[tilespmem:v2+s22+$0x0] =	vst.idx.msk vm0, v3;
	v4, _, _ =	vpop (xrf2)  }
0x393: {  	[tilespmem:v0+s22+$0x0] =	vst.idx.msk vm0, v4;
	v0, _, _ =	vpop (xrf2)  }
0x394: {  	[tilespmem:v1+s22+$0x0] =	vst.idx.msk vm0, v0  }
0x395: {  	_ =	swait.ge [sflag:s25], $0x2000  }
0x396: {  	[sflag:s25] =	ssyncset.done $0x0  }
0x397: {  	[sflag:s25] =	ssyncadd.s32 $0xFFFFE000  }
0x398: {  	_ =	swait.ge [sflag:s25], $0x2000  }
0x399: {  	[sflag:s25] =	ssyncset.done $0x0  }
0x39a: {  	s24 =	simm.s32 $0x4480;
	[sflag:s25] =	ssyncadd.s32 $0xFFFFE000  }
0x39b: {  	s26 =	simm.s32 $0x6480;
	v0 =	vld [tilespmem:s24+$0x0]  }
0x39c: {  	v1 =	vld [tilespmem:s26+$0x0]  }
0x39d: {  	v2 =	vld [tilespmem:s24+$0x10]  }
0x39e: {  	v3 =	vld [tilespmem:s26+$0x10]  }
0x39f: {  	v4 =	vld [tilespmem:s24+$0x20]  }
0x3a0: {  	v5 =	vld [tilespmem:s26+$0x20]  }
0x3a1: {  	v6 =	vld [tilespmem:s24+$0x30]  }
0x3a2: {  	v7 =	vld [tilespmem:s26+$0x30]  }
0x3a3: {  	v8 =	vld [tilespmem:s24+$0x40]  }
0x3a4: {  	v9 =	vld [tilespmem:s26+$0x40]  }
0x3a5: {  	v10 =	vld [tilespmem:s24+$0x50]  }
0x3a6: {  	v11 =	vld [tilespmem:s26+$0x50]  }
0x3a7: {  	v12 =	vld [tilespmem:s24+$0x60]  }
0x3a8: {  	v13 =	vld [tilespmem:s26+$0x60]  }
0x3a9: {  	v14 =	vld [tilespmem:s24+$0x70]  }
0x3aa: {  	v15 =	vld [tilespmem:s26+$0x70]  }
0x3ab: {  	v16 =	vld [tilespmem:s26+$0xFFFFFF80]  }
0x3ac: {  	v17 =	vld [tilespmem:s24+$0xFFFFFF90]  }
0x3ad: {  	v18 =	vld [tilespmem:s26+$0xFFFFFF90]  }
0x3ae: {  	v19 =	vld [tilespmem:s24+$0xFFFFFFA0]  }
0x3af: {  	v58 =	vld [tilespmem:s26+$0xFFFFFFA0]  }
0x3b0: {  	v59 =	vld [tilespmem:s24+$0xFFFFFFB0]  }
0x3b1: {  	v60 =	vld [tilespmem:s26+$0xFFFFFFB0]  }
0x3b2: {  	v61 =	vld [tilespmem:s24+$0xFFFFFFC0];
	v0 =	vmul.f32 v1, v0;
	v1 =	vmul.f32 v3, v2  }
0x3b3: {  	v62 =	vld [tilespmem:s26+$0xFFFFFFC0];
	v2 =	vmul.f32 v5, v4;
	v3 =	vmul.f32 v7, v6  }
0x3b4: {  	v63 =	vld [tilespmem:s24+$0xFFFFFFD0];
	v4 =	vmul.f32 v9, v8;
	v5 =	vmul.f32 v11, v10  }
0x3b5: {  	v6 =	vld [tilespmem:s26+$0xFFFFFFD0];
	v8 =	vmul.f32 v13, v12;
	v9 =	vmul.f32 v15, v14  }
0x3b6: {  	v7 =	vld [tilespmem:s24+$0xFFFFFFE0];
	v0 =	vadd.f32 v1, v0;
	v1 =	vadd.f32 v3, v2  }
0x3b7: {  	v10 =	vld [tilespmem:s26+$0xFFFFFFE0];
	v2 =	vadd.f32 v5, v4;
	v3 =	vadd.f32 v9, v8  }
0x3b8: {  	v11 =	vld [tilespmem:s24+$0xFFFFFFF0]  }
0x3b9: {  	v8 =	vld [tilespmem:s26+$0xFFFFFFF0];
	v4 =	vadd.f32 v1, v0;
	v2 =	vadd.f32 v3, v2  }
0x3ba: {  	v9 =	vld [tilespmem:s24+$0xFFFFFF80];
	s24 =	simm.s32 $0x6580  }
0x3bb: {  	s23 =	simm.s32 $0x4580;
	v5 =	vld [tilespmem:s24+$0x20];
	v4 =	vadd.f32 v2, v4  }
0x3bc: {  	v12 =	vmul.f32 v18, v17;
	v13 =	vmul.f32 v58, v19;
	v0 =	vld [tilespmem:s23+$0x0]  }
0x3bd: {  	v14 =	vmul.f32 v60, v59;
	v15 =	vmul.f32 v62, v61;
	v1 =	vld [tilespmem:s24+$0x0];
	(xrf2) =	vadd.scan.msk.f32 $0xffff, v4  }
0x3be: {  	v3 =	vld [tilespmem:s24+$0x10];
	v17 =	vmul.f32 v6, v63;
	v10 =	vmul.f32 v10, v7  }
0x3bf: {  	v6 =	vld [tilespmem:s23+$0x30];
	v11 =	vmul.f32 v8, v11;
	v9 =	vmul.f32 v16, v9  }
0x3c0: {  	v13 =	vadd.f32 v14, v13;
	v7 =	vld [tilespmem:s24+$0x30];
	v15 =	vadd.f32 v17, v15  }
0x3c1: {  	s30 =	simm.s32 $0x1;
	v2 =	vld [tilespmem:s23+$0x10];
	v11 =	vadd.f32 v11, v10;
	v12 =	vadd.f32 v12, v9  }
0x3c2: {  	v18 =	vmov s30;
	v8 =	vld [tilespmem:s23+$0x40]  }
0x3c3: {  	v14 =	vadd.s32 $0x1C0, v18;
	v4 =	vld [tilespmem:s23+$0x20];
	v15 =	vadd.f32 v11, v15;
	v13 =	vadd.f32 v13, v12  }
0x3c4: {  	v14 =	vbroadcast v14, $0x0;
	v9 =	vld [tilespmem:s24+$0x40]  }
0x3c5: {  	v10 =	vld [tilespmem:s23+$0x50];
	v16 =	vadd.f32 v15, v13  }
0x3c6: {  	v12 =	vld [tilespmem:s24+$0x50]  }
0x3c7: {  	s31 =	simm.s32 $0x0;
	v11 =	vld [tilespmem:s23+$0x60];
	v18, _, _ =	vpop (xrf2);
	(xrf2) =	vadd.scan.msk.f32 $0xffff, v16  }
0x3c8: {  	v17 =	vmov s31;
	v13 =	vld [tilespmem:s24+$0x60]  }
0x3c9: {  	v17 =	vadd.s32 $0x1C0, v17;
	v15 =	vld [tilespmem:s23+$0x70]  }
0x3ca: {  	s28 =	simm.s32 $0x4;
	s26 =	simm.s32 $0x2;
	v16 =	vld [tilespmem:s24+$0x70];
	[tilespmem:v14+s22+$0x0] =	vst.idx.msk vm0, v18;
	v14 =	vand.u32 $0xFFFFFFFE, v17  }
.LBB2_16:
0x3cb: {  	p0 =	slt.u32 s28, $0x3E;
	v17 =	vld [tilespmem:s24+$0xFFFFFF80];
	v14 =	vbroadcast v14, $0x0  }
0x3cc: {  	v0 =	vmul.f32 v1, v0;
	v1 =	vmul.f32 v3, v2;
	v18 =	vld [tilespmem:s23+$0xFFFFFF90]  }
0x3cd: {  	v3 =	vmul.f32 v5, v4;
	v4 =	vmul.f32 v7, v6;
	v2 =	vld [tilespmem:s24+$0xFFFFFF90]  }
0x3ce: {  	v6 =	vmul.f32 v9, v8;
	v12 =	vmul.f32 v12, v10;
	v5 =	vld [tilespmem:s23+$0xFFFFFFA0]  }
0x3cf: {  	v9 =	vmul.f32 v13, v11;
	v8 =	vld [tilespmem:s24+$0xFFFFFFA0];
	v10 =	vmul.f32 v16, v15  }
0x3d0: {  	v0 =	vadd.f32 v1, v0;
	v1 =	vadd.f32 v4, v3;
	v11 =	vld [tilespmem:s23+$0xFFFFFFB0]  }
0x3d1: {  	v4 =	vadd.f32 v12, v6;
	v3 =	vld [tilespmem:s24+$0xFFFFFFB0];
	v6 =	vadd.f32 v10, v9;
	v7, _, _ =	vpop (xrf2)  }
0x3d2: {  	v9 =	vmul.f32 v2, v18;
	v2 =	vld [tilespmem:s23+$0xFFFFFFC0];
	[tilespmem:v14+s22+$0x0] =	vst.idx.msk vm0, v7  }
0x3d3: {  	v0 =	vadd.f32 v1, v0;
	v7 =	vld [tilespmem:s24+$0xFFFFFFC0];
	v1 =	vadd.f32 v6, v4  }
0x3d4: {  	v4 =	vmul.f32 v8, v5;
	v5 =	vld [tilespmem:s23+$0xFFFFFFD0]  }
0x3d5: {  	v6 =	vld [tilespmem:s24+$0xFFFFFFD0];
	v0 =	vadd.f32 v1, v0  }
0x3d6: {  	v1 =	vmul.f32 v3, v11;
	v3 =	vld [tilespmem:s23+$0xFFFFFFE0]  }
0x3d7: {  	v8 =	vld [tilespmem:s24+$0xFFFFFFE0];
	(xrf2) =	vadd.scan.msk.f32 $0xffff, v0  }
0x3d8: {  	v2 =	vmul.f32 v7, v2;
	v7 =	vld [tilespmem:s23+$0xFFFFFFF0];
	v10 =	vadd.f32 v1, v4  }
0x3d9: {  	s0 =	sadd.s32 $0x1, s26;
	v4 =	vld [tilespmem:s24+$0xFFFFFFF0]  }
0x3da: {  	v1 =	vmov s0;
	v11 =	vld [tilespmem:s23+$0xFFFFFF80];
	v5 =	vmul.f32 v6, v5;
	s23 =	sadd.s32 $0x100, s23  }
0x3db: {  	s24 =	sadd.s32 $0x100, s24;
	v6 =	vadd.s32 $0x1C0, v1;
	v0 =	vld [tilespmem:s23+$0x0]  }
0x3dc: {  	v13 =	vbroadcast v6, $0x0;
	v1 =	vld [tilespmem:s24+$0x0];
	v8 =	vmul.f32 v8, v3;
	v12 =	vadd.f32 v5, v2  }
0x3dd: {  	v2 =	vld [tilespmem:s23+$0x10]  }
0x3de: {  	v3 =	vld [tilespmem:s24+$0x10];
	v6 =	vmul.f32 v4, v7  }
0x3df: {  	v4 =	vld [tilespmem:s23+$0x20];
	v7 =	vmul.f32 v17, v11  }
0x3e0: {  	v5 =	vld [tilespmem:s24+$0x20];
	v8 =	vadd.f32 v6, v8  }
0x3e1: {  	v6 =	vld [tilespmem:s23+$0x30];
	v9 =	vadd.f32 v9, v7;
	v11, _, _ =	vpop (xrf2)  }
0x3e2: {  	v7 =	vld [tilespmem:s24+$0x30];
	v12 =	vadd.f32 v8, v12;
	[tilespmem:v13+s22+$0x0] =	vst.idx.msk vm0, v11  }
0x3e3: {  	v8 =	vld [tilespmem:s23+$0x40];
	v11 =	vadd.f32 v10, v9  }
0x3e4: {  	v9 =	vld [tilespmem:s24+$0x40]  }
0x3e5: {  	v10 =	vld [tilespmem:s23+$0x50];
	v13 =	vadd.f32 v12, v11  }
.Ltmp7:
0x3e6: {  	v12 =	vld [tilespmem:s24+$0x50];
	(pc) =	sbr.rel @p0 .LBB2_16-.Ltmp7, $4  }
0x3e7: {  	v11 =	vld [tilespmem:s23+$0x60];
	(xrf2) =	vadd.scan.msk.f32 $0xffff, v13  }
0x3e8: {  	v14 =	vmov s26;
	s26 =	smov.u32 s28;
	v13 =	vld [tilespmem:s24+$0x60]  }
0x3e9: {  	v14 =	vadd.s32 $0x1C0, v14;
	v15 =	vld [tilespmem:s23+$0x70]  }
0x3ea: {  	s28 =	sadd.s32 $0x2, s28;
	v14 =	vand.u32 $0xFFFFFFFE, v14;
	v16 =	vld [tilespmem:s24+$0x70]  }
0x3eb: {  	v17 =	vld [tilespmem:s24+$0xFFFFFF80]  }
0x3ec: {  	v18 =	vld [tilespmem:s23+$0xFFFFFF90]  }
0x3ed: {  	v19 =	vld [tilespmem:s24+$0xFFFFFF90]  }
0x3ee: {  	v20 =	vld [tilespmem:s23+$0xFFFFFFA0]  }
0x3ef: {  	v21 =	vld [tilespmem:s24+$0xFFFFFFA0]  }
0x3f0: {  	v22 =	vld [tilespmem:s23+$0xFFFFFFB0]  }
0x3f1: {  	v23 =	vld [tilespmem:s24+$0xFFFFFFB0]  }
0x3f2: {  	v24 =	vld [tilespmem:s23+$0xFFFFFFC0]  }
0x3f3: {  	v25 =	vld [tilespmem:s24+$0xFFFFFFC0]  }
0x3f4: {  	v26 =	vld [tilespmem:s23+$0xFFFFFFD0]  }
0x3f5: {  	v27 =	vld [tilespmem:s24+$0xFFFFFFD0]  }
0x3f6: {  	v28 =	vld [tilespmem:s23+$0xFFFFFFE0]  }
0x3f7: {  	v29 =	vld [tilespmem:s24+$0xFFFFFFE0]  }
0x3f8: {  	v0 =	vmul.f32 v1, v0;
	v1 =	vmul.f32 v3, v2;
	v2 =	vld [tilespmem:s23+$0xFFFFFFF0]  }
0x3f9: {  	v3 =	vmul.f32 v5, v4;
	v4 =	vmul.f32 v7, v6;
	v5 =	vld [tilespmem:s24+$0xFFFFFFF0]  }
0x3fa: {  	v6 =	vmul.f32 v9, v8;
	v7 =	vmul.f32 v12, v10;
	v58 =	vld [tilespmem:s23+$0xFFFFFF80]  }
0x3fb: {  	v59 =	vmul.f32 v13, v11;
	v60 =	vmul.f32 v16, v15  }
0x3fc: {  	v0 =	vadd.f32 v1, v0;
	v1 =	vmul.f32 v19, v18;
	v61 =	vmul.f32 v21, v20  }
0x3fd: {  	v3 =	vadd.f32 v4, v3;
	v4 =	vmul.f32 v23, v22;
	v62 =	vmul.f32 v25, v24  }
0x3fe: {  	v6 =	vadd.f32 v7, v6;
	v7 =	vmul.f32 v27, v26;
	v63 =	vmul.f32 v29, v28  }
0x3ff: {  	v2 =	vmul.f32 v5, v2;
	v5 =	vmul.f32 v17, v58;
	v9 =	vadd.f32 v60, v59  }
0x400: {  	v4 =	vadd.f32 v4, v61;
	v7 =	vadd.f32 v7, v62  }
0x401: {  	v2 =	vadd.f32 v2, v63;
	v1 =	vadd.f32 v1, v5  }
0x402: {  	v0 =	vadd.f32 v3, v0;
	v3 =	vadd.f32 v9, v6  }
0x403: {  	v2 =	vadd.f32 v2, v7;
	v1 =	vadd.f32 v4, v1  }
0x404: {  	v0 =	vadd.f32 v3, v0  }
0x405: {  	v1 =	vadd.f32 v2, v1  }
0x406: {  	(xrf2) =	vadd.scan.msk.f32 $0xffff, v0  }
0x407: {  	(xrf2) =	vadd.scan.msk.f32 $0xffff, v1  }
0x408: {  	s0 =	sadd.s32 $0x1, s26  }
0x409: {  	v0 =	vmov s0;
	v1 =	vmov s26  }
0x40a: {  	v2 =	vbroadcast v14, $0x0;
	v0 =	vadd.s32 $0x1C0, v0;
	v1 =	vadd.s32 $0x1C0, v1  }
0x40b: {  	v0 =	vbroadcast v0, $0x0;
	v1 =	vand.u32 $0xFFFFFFFE, v1  }
0x40c: {  	v1 =	vbroadcast v1, $0x0;
	_ =	sdelay $0x2  }
0x40d: {  	v3, _, _ =	vpop (xrf2)  }
0x40e: {  	[tilespmem:v2+s22+$0x0] =	vst.idx.msk vm0, v3;
	v4, _, _ =	vpop (xrf2)  }
0x40f: {  	[tilespmem:v0+s22+$0x0] =	vst.idx.msk vm0, v4;
	v0, _, _ =	vpop (xrf2)  }
0x410: {  	s24 =	simm.s32 $0xC420;
	[tilespmem:v1+s22+$0x0] =	vst.idx.msk vm0, v0  }
0x411: {  	v0 =	vld [tilespmem:s24+$0x10]  }
0x412: {  	v2 =	vld [tilespmem:s24+$0xFFFFFFF0]  }
0x413: {  	p3 =	por $0x1, $0x1;
	v4 =	vld [tilespmem:s24+$0x0]  }
.Ltmp8:
0x414: {  	_ = 	snop;
	(pc) =	sbr.rel @!p3 .LBB2_18-.Ltmp8, $4  }
0x415: {  	_ = 	snop  }
0x416: {  	v0 =	vsub.f32 $0.0e+00, v0  }
0x417: {  	s30 =	simm.s32 $0xC460  }
0x418: {  	p0 =	por $0x0, $0x0;
	p1 =	por $0x0, $0x0;
	p2 =	por $0x0, $0x0;
	v1 =	vld [tilespmem:s24+$0xFFFFFFE0];
	v3 =	vsub.f32 $0.0e+00, v2;
	v2 =	vsub.f32 $0.0e+00, v4;
	v4 =	vmul.f32 $1.442695020e+00, v0  }
0x419: {  	_ = 	snop  }
0x41a: {  	v0 =	vld [tilespmem:s30+$0x10]  }
0x41b: {  	v5 =	vld [tilespmem:s30+$0xFFFFFFF0]  }
0x41c: {  	v6 =	vld [tilespmem:s30+$0x0];
	p3 =	por $0x1, $0x1  }
.Ltmp9:
0x41d: {  	v3 =	vmul.f32 $1.442695020e+00, v3;
	v1 =	vsub.f32 $0.0e+00, v1;
	(pc) =	sbr.rel @!p3 .LBB2_20-.Ltmp9, $4  }
0x41e: {  	(erf) = vpow2.f32 v4;
	v2 =	vmul.f32 $1.442695020e+00, v2  }
0x41f: {  	(erf) = vpow2.f32 v3;
	v0 =	vsub.f32 $0.0e+00, v0;
	v1 =	vmul.f32 $1.442695020e+00, v1  }
0x420: {  	(erf) = vpow2.f32 v2;
	v3 =	vsub.f32 $0.0e+00, v5  }
0x421: {  	s26 =	simm.s32 $0xC4A0;
	p0 =	por $0x1, $0x1;
	v2 =	vsub.f32 $0.0e+00, v6;
	v4 =	vmul.f32 $1.442695020e+00, v0;
	(erf) = vpow2.f32 v1;
	v1 =	vld [tilespmem:s30+$0xFFFFFFE0]  }
0x422: {  	_ =	sdelay $0x1  }
0x423: {  	v3 =	vmul.f32 $1.442695020e+00, v3;
	_ =	sdelay $0x1  }
0x424: {  	v1 =	vsub.f32 $0.0e+00, v1  }
0x425: {  	v2 =	vmul.f32 $1.442695020e+00, v2;
	(erf) = vpow2.f32 v4  }
0x426: {  	(erf) = vpow2.f32 v3;
	v3 =	vpop (erf);
	v1 =	vmul.f32 $1.442695020e+00, v1  }
0x427: {  	(erf) = vpow2.f32 v2;
	v2 =	vadd.f32 $1.000000000e+00, v3;
	v3 =	vpop (erf)  }
0x428: {  	(erf) = vpow2.f32 v1;
	v1 =	vadd.f32 $1.000000000e+00, v3;
	v3 =	vpop (erf)  }
0x429: {  	v7 =	vadd.f32 $1.000000000e+00, v3;
	(erf) = vrcp.f32 v2  }
0x42a: {  	(erf) = vrcp.f32 v1  }
0x42b: {  	(erf) = vrcp.f32 v7  }
0x42c: {  	v0 =	vld [tilespmem:s26+$0x10]  }
0x42d: {  	v5 =	vld [tilespmem:s26+$0xFFFFFFF0]  }
0x42e: {  	p3 =	por $0x1, $0x1;
	v4 =	vld [tilespmem:s26+$0x0]  }
.Ltmp10:
0x42f: {  	_ = 	snop;
	(pc) =	sbr.rel @!p3 .LBB2_22-.Ltmp10, $4  }
0x430: {  	_ = 	snop  }
0x431: {  	v6 =	vsub.f32 $0.0e+00, v0  }
0x432: {  	v0 =	vpop (erf);
	v3 =	vsub.f32 $0.0e+00, v5  }
0x433: {  	s23 =	simm.s32 $0xC4E0;
	p1 =	por $0x1, $0x1;
	v2 =	vsub.f32 $0.0e+00, v4;
	v4 =	vmul.f32 $1.442695020e+00, v6;
	v0 =	vadd.f32 $1.000000000e+00, v0;
	v1 =	vld [tilespmem:s26+$0xFFFFFFE0]  }
0x434: {  	_ =	sdelay $0x1  }
0x435: {  	v3 =	vmul.f32 $1.442695020e+00, v3;
	_ =	sdelay $0x1  }
0x436: {  	(erf) = vrcp.f32 v0;
	v1 =	vsub.f32 $0.0e+00, v1  }
0x437: {  	v5 =	vld [tilespmem:s23+$0x10];
	v2 =	vmul.f32 $1.442695020e+00, v2;
	(erf) = vpow2.f32 v4  }
0x438: {  	(erf) = vpow2.f32 v3;
	v3 =	vpop (erf);
	v1 =	vmul.f32 $1.442695020e+00, v1  }
0x439: {  	(erf) = vpow2.f32 v2;
	v2 =	vadd.f32 $1.000000000e+00, v3;
	v3 =	vpop (erf)  }
0x43a: {  	v6 =	vld [tilespmem:s23+$0xFFFFFFF0];
	(erf) = vpow2.f32 v1;
	v1 =	vadd.f32 $1.000000000e+00, v3;
	v3 =	vpop (erf)  }
0x43b: {  	p3 =	por $0x1, $0x1;
	v4 =	vld [tilespmem:s23+$0x0];
	v8 =	vpop (erf);
	(erf) = vrcp.f32 v2  }
.Ltmp11:
0x43c: {  	v5 =	vsub.f32 $0.0e+00, v5;
	(erf) = vrcp.f32 v1;
	v1 =	vld [tilespmem:s23+$0xFFFFFFE0];
	(pc) =	sbr.rel @!p3 .LBB2_24-.Ltmp11, $3  }
0x43d: {  	v7 =	vadd.f32 $1.000000000e+00, v3;
	_ =	sdelay $0x1  }
0x43e: {  	s31 =	simm.s32 $0xC;
	v3 =	vsub.f32 $0.0e+00, v6;
	v6 =	vadd.f32 $1.000000000e+00, v8;
	v8 =	vpop (erf);
	(erf) = vrcp.f32 v7  }
0x43f: {  	s0 =	simm.s32 $0xC520;
	p2 =	por $0x1, $0x1;
	s28 =	simm.s32 $0xC420;
	v2 =	vsub.f32 $0.0e+00, v4;
	v4 =	vmul.f32 $1.442695020e+00, v5;
	[tilespmem:s24+$0x10] =	vst v8;
	v5 =	vpop (erf)  }
.LBB2_25:
0x440: {  	v7 =	vld [tilespmem:s0+$0x10];
	s31 =	sadd.s32 $0x4, s31;
	v1 =	vsub.f32 $0.0e+00, v1;
	v9 =	vmul.f32 $1.442695020e+00, v3;
	(erf) = vrcp.f32 v6;
	[tilespmem:s28+$0xFFFFFFF0] =	vst v5;
	v5 =	vpop (erf)  }
0x441: {  	v6 =	vld [tilespmem:s0+$0xFFFFFFF0];
	p3 =	slt.u32 s31, $0x1C;
	v2 =	vmul.f32 $1.442695020e+00, v2;
	(erf) = vpow2.f32 v4;
	[tilespmem:s28+$0x0] =	vst v5;
	v4 =	vpop (erf)  }
0x442: {  	v5 =	vld [tilespmem:s0+$0x0];
	v8 =	vmul.f32 $1.442695020e+00, v1;
	(erf) = vpow2.f32 v9;
	v3 =	vpop (erf);
	[tilespmem:s28+$0xFFFFFFE0] =	vst v4;
	s28 =	smov.u32 s30;
	s30 =	smov.u32 s26;
	s26 =	smov.u32 s23  }
.Ltmp12:
0x443: {  	s23 =	smov.u32 s0;
	v1 =	vld [tilespmem:s0+$0xFFFFFFE0];
	(erf) = vpow2.f32 v2;
	v2 =	vadd.f32 $1.000000000e+00, v3;
	v3 =	vpop (erf);
	(pc) =	sbr.rel @p3 .LBB2_25-.Ltmp12, $4  }
0x444: {  	(erf) = vpow2.f32 v8;
	v4 =	vadd.f32 $1.000000000e+00, v3;
	v3 =	vpop (erf)  }
0x445: {  	v7 =	vsub.f32 $0.0e+00, v7;
	v8 =	vadd.f32 $1.000000000e+00, v3;
	v9 =	vpop (erf);
	(erf) = vrcp.f32 v2  }
0x446: {  	v3 =	vsub.f32 $0.0e+00, v6;
	v6 =	vadd.f32 $1.000000000e+00, v9;
	(erf) = vrcp.f32 v4;
	v9 =	vpop (erf)  }
0x447: {  	s0 =	sadd.s32 $0x40, s0;
	v2 =	vsub.f32 $0.0e+00, v5;
	v4 =	vmul.f32 $1.442695020e+00, v7;
	(erf) = vrcp.f32 v8;
	[tilespmem:s28+$0x10] =	vst v9;
	v5 =	vpop (erf)  }
0x448: {  	s31 =	smov.u32 s30;
	s30 =	smov.u32 s23  }
.LBB2_27:
0x449: {  	v1 =	vsub.f32 $0.0e+00, v1;
	v3 =	vmul.f32 $1.442695020e+00, v3  }
0x44a: {  	v2 =	vmul.f32 $1.442695020e+00, v2  }
0x44b: {  	(erf) = vrcp.f32 @p1 v6;
	v6 =	vpop @p2 (erf);
	v1 =	vmul.f32 $1.442695020e+00, v1  }
0x44c: {  	(erf) = vpow2.f32 v4;
	v4 =	vpop @p2 (erf)  }
0x44d: {  	(erf) = vpow2.f32 v3;
	v3 =	vpop @p0 (erf)  }
0x44e: {  	(erf) = vpow2.f32 v2;
	v2 =	vpop @p0 (erf)  }
0x44f: {  	(erf) = vpow2.f32 v1;
	v3 =	vadd.f32 @p0 $1.000000000e+00, v3;
	v1 =	vpop @p0 (erf)  }
0x450: {  	v2 =	vadd.f32 @p0 $1.000000000e+00, v2;
	v7 =	vpop @p0 (erf)  }
0x451: {  	v8 =	vpop @p1 (erf)  }
0x452: {  	v9 =	vpop @p1 (erf)  }
0x453: {  	(erf) = vrcp.f32 @p0 v3;
	v3 =	vpop @p1 (erf)  }
0x454: {  	(erf) = vrcp.f32 @p0 v2;
	v2 =	vpop @p1 (erf)  }
0x455: {  	v10 =	vpop (erf)  }
0x456: {  	v1 =	vadd.f32 @p0 $1.000000000e+00, v1;
	v7 =	vadd.f32 @p0 $1.000000000e+00, v7;
	v56 =	vpop (erf)  }
0x457: {  	v57 =	vadd.f32 $1.000000000e+00, v56;
	v58 =	vpop (erf)  }
0x458: {  	v0 =	vpsel p0, v7, v0;
	(erf) = vrcp.f32 @p0 v1;
	v55 =	vadd.f32 $1.000000000e+00, v10;
	v59 =	vpop (erf)  }
0x459: {  	[tilespmem:s28+$0xFFFFFFF0] =	vst @p2 v5;
	s0 =	smov.u32 @p1 s31;
	(erf) = vrcp.f32 @p0 v0;
	v1 =	vadd.f32 $1.000000000e+00, v59;
	v0 =	vpsel p1, v9, v57  }
0x45a: {  	[tilespmem:s0+$0x10] =	vst @p1 v8;
	s0 =	smov.u32 @p1 s0;
	v5 =	vadd.f32 $1.000000000e+00, v58;
	(erf) = vrcp.f32 v55  }
0x45b: {  	s23 =	smov.u32 @p0 s26;
	[tilespmem:s0+$0x0] =	vst @p1 v3;
	(erf) = vrcp.f32 v57  }
0x45c: {  	s24 =	smov.u32 @p0 s23;
	(erf) = vrcp.f32 v5;
	[tilespmem:s0+$0xFFFFFFF0] =	vst @p1 v0;
	v0 =	vpop @p0 (erf)  }
0x45d: {  	[tilespmem:s0+$0xFFFFFFE0] =	vst @p1 v2;
	s0 =	smov.u32 @p0 s24;
	(erf) = vrcp.f32 v1;
	v1 =	vpop @p0 (erf)  }
0x45e: {  	[tilespmem:s0+$0x10] =	vst @p0 v0;
	v0 =	vpsel p0, v1, v0  }
0x45f: {  	[tilespmem:s28+$0x0] =	vst @p2 v6  }
0x460: {  	[tilespmem:s28+$0xFFFFFFE0] =	vst @p2 v4;
	s0 =	smov.u32 @p0 s0  }
0x461: {  	[tilespmem:s0+$0xFFFFFFF0] =	vst @p0 v0;
	v0 =	vpop @p0 (erf)  }
0x462: {  	[tilespmem:s0+$0x0] =	vst @p0 v0;
	v0 =	vpop @p0 (erf)  }
0x463: {  	[tilespmem:s0+$0xFFFFFFE0] =	vst @p0 v0;
	v60 =	vpop (erf)  }
0x464: {  	[tilespmem:s30+$0x10] =	vst v60;
	v61 =	vpop (erf)  }
0x465: {  	[tilespmem:s30+$0xFFFFFFF0] =	vst v61;
	v62 =	vpop (erf)  }
0x466: {  	s19 =	sadd.s32 $0x1, s19;
	[tilespmem:s30+$0x0] =	vst v62;
	v63 =	vpop (erf)  }
0x467: {  	p0 =	sne.s32 s19, s8;
	[tilespmem:s30+$0xFFFFFFE0] =	vst v63  }
0x468: {  	[hbm4b:s7+s4] =	stream.linear.scatter [tilespmem:s22], [sflag:$0x4], $0x200, $0x38;
	[tilespmem:$0xC600] =	vst v63  }
.Ltmp13:
0x469: {  	_ = 	snop;
	(pc) =	sbr.rel @p0 .LBB2_1-.Ltmp13, $4  }
.Ltmp14:
0x46a: {  	_ = 	snop;
	(pc) =	sbr.rel @!p0 .LBB2_28-.Ltmp14, $4  }
0x46b: {  	_ =	swait.ge [sflag:s9], $0x200  }
0x46c: {  	[sflag:s9] =	ssyncset.done $0x0  }
0x46d: {  	[sflag:s9] =	ssyncadd.s32 $0xFFFFFE00  }
0x46e: {  	_ = 	snop  }
.LBB2_18:
.Ltmp15:
0x46f: {  	(pc) =	sbr.rel .LBB2_27-.Ltmp15, $2  }
0x470: {  	_ =	sdelay $0x2  }
0x471: {  	s30 =	simm.s32 $0xC420  }
.LBB2_20:
.Ltmp16:
0x472: {  	(pc) =	sbr.rel .LBB2_27-.Ltmp16, $2  }
0x473: {  	_ =	sdelay $0x2  }
0x474: {  	s26 =	simm.s32 $0xC420  }
.LBB2_22:
.Ltmp17:
0x475: {  	(pc) =	sbr.rel .LBB2_27-.Ltmp17, $2  }
0x476: {  	_ =	sdelay $0x2  }
0x477: {  	s31 =	simm.s32 $0xC420;
	s26 =	simm.s32 $0xC460;
	s30 =	simm.s32 $0xC4A0;
	v6 =	vmov v0  }
.LBB2_24:
.Ltmp18:
0x478: {  	(pc) =	sbr.rel .LBB2_27-.Ltmp18, $2  }
0x479: {  	_ =	sdelay $0x2  }
0x47a: {  	s28 =	simm.s32 $0xC420;
	s31 =	simm.s32 $0xC460;
	s30 =	simm.s32 $0xC4E0  }
.LBB2_28:
0x47b: {  	_ =	sfence.sel $0x180000  }
0x47c: {  	[bflag:$0x0] =	sbarrier.arrive $0xFFFF  }
0x47d: {  	_ =	strace $0x90000047  }
0x47e: {  	s0 =	stileid.u32;
	[bflag:$0x2] =	sbarrier.arrive $0xFFFF  }
0x47f: {  	p0 =	sne.s32 s0, $0x0;
	s0 =	rddreg [dreg:$0x5]  }
0x480: {  	s0 =	sadd.s32 @!p0 $0x100000, s0  }
0x481: {  	[sflag:s0] =	ssyncadd.tile.s32 @!p0 $0x1;
	_ =	shalt  }
.Lfunc_end2:
_tile_overlayer_lowered:
.L_overlay_start_2:
0x482: {  	(tag) =	ssettag $0x2  }
0x483: {  	s0 =	rddreg [dreg:$0x0];
	s2 =	stileid.u32  }
0x484: {  	s1 =	rddreg [dreg:$0x1];
	p0 =	sne.s32 s2, $0x0  }
0x485: {  	s3 =	rddreg [dreg:$0x2];
	[bflag:$0x3] =	sbarrier.arrive $0xFFFF;
	s2 =	simm.s32 @!p0 $0x1C04  }
0x486: {  	[timem:s3], [sflag:s2] =	dma.local @!p0 [hbm:s0], s1  }
0x487: {  	s0 =	simm.s32 @!p0 $0x4  }
0x488: {  	_ =	swait.ge @!p0 [sflag:s0], s1  }
0x489: {  	s1 =	ssub.s32 @!p0 $0x0, s1;
	[sflag:s0] =	ssyncset.done @!p0 $0x0  }
0x48a: {  	[sflag:s0] =	ssyncadd.s32 @!p0 s1  }
0x48b: {  	[bflag:$0x3] =	sbarrier.arrive $0xFFFF  }
0x48c: {  	_ =	shalt  }

</sc_bundles>
